<compile_context>
chip_gen: v7x
topology: tpu7x:2x2x1
jax: 0.10.2.dev20260603
libtpu: 0.0.44.dev20260713+nightly
codegen_flags: <defaults>
</compile_context>

<pallas_src>
import jax
import jax.numpy as jnp
import numpy as np
from jax import lax
from jax.experimental import pallas as pl
from jax.experimental.pallas import tpu as pltpu
from jax.experimental.pallas import tpu_sc as plsc

NC = 2
NS = 16
C = 128
D = 4
NW = NC * NS


def _sc_mesh():
    return plsc.VectorSubcoreMesh(
        core_axis_name="c", subcore_axis_name="s", num_cores=NC, num_subcores=NS
    )


def _wid_and_count(nch):
    c = lax.axis_index("c")
    s = lax.axis_index("s")
    wid = s * NC + c
    kk, r = nch // NW, nch % NW
    kt = jnp.where(wid < r, kk + 1, kk).astype(jnp.int32)
    return c, s, wid, kt


def _idx_ring(ei_hbm, ring, sem, wid, plane):

    def start(j, m):
        g = (wid + NW * j) * C
        pltpu.async_copy(ei_hbm.at[:, pl.ds(g, C)], ring.at[m], sem.at[m])

    def wait(j, m):
        g = (wid + NW * j) * C
        pltpu.make_async_copy(
            ei_hbm.at[:, pl.ds(g, C)], ring.at[m], sem.at[m]).wait()

    return start, wait


def _deg_kernel(n_pad, nch):
    sl = n_pad // NS

    def body(ei_hbm, ones_hbm, zeros_hbm, degp_hbm,
             ring, ones_v, accum, isem, ssem):
        c, s, wid, kt = _wid_and_count(nch)
        base = s * sl
        pltpu.sync_copy(zeros_hbm, accum.at[pl.ds(base, sl)])
        pltpu.sync_copy(ones_hbm, ones_v)
        plsc.subcore_barrier()

        i_start, i_wait = _idx_ring(ei_hbm, ring, isem, wid, 1)

        def s_start(j, b):
            pltpu.async_copy(
                ones_v, accum.at[ring.at[lax.rem(j, D), 1]], ssem.at[b],
                add=True)

        def s_wait(j, b):
            pltpu.make_async_copy(
                ones_v, accum.at[ring.at[lax.rem(j, D), 1]], ssem.at[b]).wait()

        for d in range(D):
            i_start(d, d)

        def step(j, carry):
            b = lax.rem(j, 2)
            i_wait(j, lax.rem(j, D))
            s_start(j, b)

            @pl.when(j >= 1)
            def _():
                s_wait(j - 1, 1 - b)

                @pl.when(j - 1 + D < kt)
                def _():
                    i_start(j - 1 + D, lax.rem(j - 1, D))

            return carry

        lax.fori_loop(0, kt, step, 0)
        s_wait(kt - 1, lax.rem(kt - 1, 2))
        plsc.subcore_barrier()
        pltpu.sync_copy(accum.at[pl.ds(base, sl)], degp_hbm.at[c, pl.ds(base, sl)])

    return pl.kernel(
        body,
        out_type=jax.ShapeDtypeStruct((NC, n_pad), jnp.float32),
        mesh=_sc_mesh(),
        compiler_params=pltpu.CompilerParams(use_tc_tiling_on_sc=True),
        scratch_types=[
            pltpu.VMEM((D, 2, C), jnp.int32),
            pltpu.VMEM((C,), jnp.float32),
            pltpu.VMEM_SHARED((n_pad,), jnp.float32),
            pltpu.SemaphoreType.DMA((D,)),
            pltpu.SemaphoreType.DMA((2,)),
        ],
    )


def _edge_gs_kernel(n_pad, nch, width):
    sl = n_pad // NS

    def body(tab_hbm, ei_hbm, zeros_hbm, part0_hbm, part1_hbm,
             ring, gbuf, accum, isem, gsem, ssem):
        c, s, wid, kt = _wid_and_count(nch)
        base = s * sl
        pltpu.sync_copy(zeros_hbm, accum.at[pl.ds(base, sl)])
        plsc.subcore_barrier()

        i_start, i_wait = _idx_ring(ei_hbm, ring, isem, wid, 0)

        def g_start(j, b):
            pltpu.async_copy(
                tab_hbm.at[ring.at[lax.rem(j, D), 0]], gbuf.at[b], gsem.at[b])

        def g_wait(j, b):
            pltpu.make_async_copy(
                tab_hbm.at[ring.at[lax.rem(j, D), 0]], gbuf.at[b],
                gsem.at[b]).wait()

        def s_start(j, b):
            pltpu.async_copy(
                gbuf.at[b], accum.at[ring.at[lax.rem(j, D), 1]], ssem.at[b],
                add=True)

        def s_wait(j, b):
            pltpu.make_async_copy(
                gbuf.at[b], accum.at[ring.at[lax.rem(j, D), 1]],
                ssem.at[b]).wait()

        for d in range(D):
            i_start(d, d)
        i_wait(0, 0)
        g_start(0, 0)

        def step(j, carry):
            b = lax.rem(j, 2)
            g_wait(j, b)
            s_start(j, b)

            @pl.when(j >= 1)
            def _():
                s_wait(j - 1, 1 - b)
                @pl.when(j - 1 + D < kt)
                def _():
                    i_start(j - 1 + D, lax.rem(j - 1, D))

            @pl.when(j + 1 < kt)
            def _():
                i_wait(j + 1, lax.rem(j + 1, D))
                g_start(j + 1, 1 - b)

            return carry

        lax.fori_loop(0, kt, step, 0)
        s_wait(kt - 1, lax.rem(kt - 1, 2))
        plsc.subcore_barrier()

        @pl.when(c == 0)
        def _():
            pltpu.sync_copy(accum.at[pl.ds(base, sl)], part0_hbm.at[pl.ds(base, sl)])

        @pl.when(c == 1)
        def _():
            pltpu.sync_copy(accum.at[pl.ds(base, sl)], part1_hbm.at[pl.ds(base, sl)])

    return pl.kernel(
        body,
        out_type=(
            jax.ShapeDtypeStruct((n_pad, width), jnp.float32),
            jax.ShapeDtypeStruct((n_pad, width), jnp.float32),
        ),
        mesh=_sc_mesh(),
        compiler_params=pltpu.CompilerParams(use_tc_tiling_on_sc=True),
        scratch_types=[
            pltpu.VMEM((D, 2, C), jnp.int32),
            pltpu.VMEM((2, C, width), jnp.float32),
            pltpu.VMEM_SHARED((n_pad, width), jnp.float32),
            pltpu.SemaphoreType.DMA((D,)),
            pltpu.SemaphoreType.DMA((2,)),
            pltpu.SemaphoreType.DMA((2,)),
        ],
    )


def _edge_gs1_kernel(n_pad, nch):
    sl = n_pad // NS

    def body(z_hbm, ei_hbm, zeros_hbm, part_hbm,
             z_s, ring, gbuf, accum, isem, gsem, ssem):
        c, s, wid, kt = _wid_and_count(nch)
        base = s * sl
        pltpu.sync_copy(zeros_hbm, accum.at[pl.ds(base, sl)])
        pltpu.sync_copy(z_hbm.at[pl.ds(base, sl)], z_s.at[pl.ds(base, sl)])
        plsc.subcore_barrier()

        i_start, i_wait = _idx_ring(ei_hbm, ring, isem, wid, 0)

        def g_start(j, b):
            pltpu.async_copy(
                z_s.at[ring.at[lax.rem(j, D), 0]], gbuf.at[b], gsem.at[b])

        def g_wait(j, b):
            pltpu.make_async_copy(
                z_s.at[ring.at[lax.rem(j, D), 0]], gbuf.at[b],
                gsem.at[b]).wait()

        def s_start(j, b):
            pltpu.async_copy(
                gbuf.at[b], accum.at[ring.at[lax.rem(j, D), 1]], ssem.at[b],
                add=True)

        def s_wait(j, b):
            pltpu.make_async_copy(
                gbuf.at[b], accum.at[ring.at[lax.rem(j, D), 1]],
                ssem.at[b]).wait()

        for d in range(D):
            i_start(d, d)
        i_wait(0, 0)
        g_start(0, 0)

        def step(j, carry):
            b = lax.rem(j, 2)
            g_wait(j, b)
            s_start(j, b)

            @pl.when(j >= 1)
            def _():
                s_wait(j - 1, 1 - b)

                @pl.when(j - 1 + D < kt)
                def _():
                    i_start(j - 1 + D, lax.rem(j - 1, D))

            @pl.when(j + 1 < kt)
            def _():
                i_wait(j + 1, lax.rem(j + 1, D))
                g_start(j + 1, 1 - b)

            return carry

        lax.fori_loop(0, kt, step, 0)
        s_wait(kt - 1, lax.rem(kt - 1, 2))
        plsc.subcore_barrier()
        pltpu.sync_copy(accum.at[pl.ds(base, sl)], part_hbm.at[c, pl.ds(base, sl)])

    return pl.kernel(
        body,
        out_type=jax.ShapeDtypeStruct((NC, n_pad), jnp.float32),
        mesh=_sc_mesh(),
        compiler_params=pltpu.CompilerParams(use_tc_tiling_on_sc=True),
        scratch_types=[
            pltpu.VMEM_SHARED((n_pad,), jnp.float32),
            pltpu.VMEM((D, 2, C), jnp.int32),
            pltpu.VMEM((2, C), jnp.float32),
            pltpu.VMEM_SHARED((n_pad,), jnp.float32),
            pltpu.SemaphoreType.DMA((D,)),
            pltpu.SemaphoreType.DMA((2,)),
            pltpu.SemaphoreType.DMA((2,)),
        ],
    )


def _tc1(xp_ref, w1t_ref, degp_ref, y_ref, dis_ref):
    deg = degp_ref[0] + degp_ref[1] + 1.0
    dis = lax.rsqrt(deg)
    xw = jnp.dot(xp_ref[...], w1t_ref[...], preferred_element_type=jnp.float32)
    y_ref[...] = xw * dis
    dis_ref[...] = dis


def _tc2(part0_ref, part1_ref, y_ref, dis_ref, b1_ref, w4t_ref, z_ref):
    seg = part0_ref[...] + part1_ref[...] + y_ref[...]
    h = jnp.maximum(seg * dis_ref[...] + b1_ref[...], 0.0)
    hw = jnp.dot(h, w4t_ref[...], preferred_element_type=jnp.float32)
    z_ref[...] = hw * dis_ref[...]


def _tc3(part2_ref, z_ref, dis_ref, b4_ref, out_ref):
    o = (part2_ref[0] + part2_ref[1] + z_ref[...]) * dis_ref[...] + b4_ref[...]
    out_ref[...] = jax.nn.sigmoid(o)


def kernel(x, edge_index, W1, b1, W4, b4):
    n, f = x.shape
    e = edge_index.shape[1]
    h = W1.shape[0]

    assert e % C == 0, "edge count must split into 128-edge chunks"
    nch = e // C
    n_pad = -(-n // (NS * 128)) * NS * 128
    f_pad = -(-f // 8) * 8

    ei32 = edge_index.astype(jnp.int32)

    xp = jnp.pad(x, ((0, n_pad - n), (0, f_pad - f)))
    w1t = jnp.pad(W1, ((0, 0), (0, f_pad - f))).T
    w4t = W4.T
    sl = n_pad // NS
    zeros1 = np.zeros((sl,), np.float32)
    zeros2 = np.zeros((sl, h), np.float32)
    ones_c = np.ones((C,), np.float32)

    degp = _deg_kernel(n_pad, nch)(ei32, ones_c, zeros1)

    y, dis = pl.pallas_call(
        _tc1,
        out_shape=(
            jax.ShapeDtypeStruct((n_pad, h), jnp.float32),
            jax.ShapeDtypeStruct((n_pad, 1), jnp.float32),
        ),
    )(xp, w1t, degp.reshape(NC, n_pad, 1))

    part0, part1 = _edge_gs_kernel(n_pad, nch, h)(y, ei32, zeros2)

    z = pl.pallas_call(
        _tc2,
        out_shape=jax.ShapeDtypeStruct((n_pad, 1), jnp.float32),
    )(part0, part1, y, dis, b1.reshape(1, h), w4t)

    part2 = _edge_gs1_kernel(n_pad, nch)(z.reshape(n_pad), ei32, zeros1)

    out = pl.pallas_call(
        _tc3,
        out_shape=jax.ShapeDtypeStruct((n_pad, 1), jnp.float32),
    )(part2.reshape(NC, n_pad, 1), z, dis, b4.reshape(1, 1))

    return out[:n]

# --- scband reference (transcript-rebuilt; emitter-appended) ---
"""Pipeline reference for scband-net-53446573032186 (READ-ONLY COPY).

The authoritative reference and input builder live on the scoring server;
editing this copy changes nothing except your own understanding.
"""

import jax, jax.numpy as jnp
import numpy as np

N_NODES = 10000
N_EDGES = 320000


def glorot(key, shape):
    fan_in, fan_out = shape[1], shape[0]
    limit = jnp.sqrt(6.0 / (fan_in + fan_out))
    return jax.random.uniform(key, shape, minval=-limit, maxval=limit, dtype=jnp.float32)


def setup_inputs(seed: int = 0) -> dict:
    key = jax.random.key(seed)
    k1, k2, k3 = jax.random.split(key, 3)
    x = jax.random.normal(k1, (N_NODES, 165), dtype=jnp.float32)
    edge_index = jax.random.randint(k2, (2, N_EDGES), 0, N_NODES, dtype=jnp.int64)
    ka, kb = jax.random.split(k3)
    W1 = glorot(ka, (128, 165))
    b1 = jnp.zeros((128,), dtype=jnp.float32)
    W4 = glorot(kb, (1, 128))
    b4 = jnp.zeros((1,), dtype=jnp.float32)
    return {"x": x, "edge_index": edge_index, "W1": W1, "b1": b1, "W4": W4, "b4": b4}


def gcn_conv(x, edge_index, W, b):
    # Faithful PyG GCNConv: add self-loops, symmetric normalization, linear, scatter-add into target
    N = x.shape[0]
    self_loops = jnp.arange(N, dtype=edge_index.dtype)
    row = jnp.concatenate([edge_index[0], self_loops])  # source
    col = jnp.concatenate([edge_index[1], self_loops])  # target
    deg = jnp.zeros((N,), dtype=x.dtype).at[col].add(1.0)
    deg_inv_sqrt = jnp.where(deg > 0, deg ** -0.5, 0.0)
    norm = deg_inv_sqrt[row] * deg_inv_sqrt[col]
    xw = x @ W.T
    out = jnp.zeros((N, W.shape[0]), dtype=x.dtype).at[col].add(norm[:, None] * xw[row])
    return out + b


def reference(x, edge_index, W1, b1, W4, b4):
    h = gcn_conv(x, edge_index, W1, b1)
    h = jax.nn.relu(h)
    # dropout p=0.1 is identity in eval mode (deterministic reference)
    out = gcn_conv(h, edge_index, W4, b4)
    return jax.nn.sigmoid(out)

if __name__ == "__main__":
    import jax
    _d = setup_inputs()
    print(jax.jit(kernel)(*tuple(_d.values())))

</pallas_src>

<mosaic_0001>
#map = affine_map<(d0, d1) -> (0)>
#map1 = affine_map<(d0, d1) -> (0, 0)>
module attributes {stable_mosaic.version = 14 : i64} {
  func.func @body(%arg0: i32, %arg1: i32, %arg2: memref<10240xf32, #tpu.memory_space<hbm>>, %arg3: memref<2x320000xi32, #tpu.memory_space<hbm>>, %arg4: memref<640xf32, #tpu.memory_space<hbm>>, %arg5: memref<2x10240xf32, #tpu.memory_space<hbm>>, %arg6: memref<10240xf32, #tpu.memory_space<vmem_shared>>, %arg7: memref<4x2x128xi32, #tpu.memory_space<vmem>>, %arg8: memref<2x128xf32, #tpu.memory_space<vmem>>, %arg9: memref<10240xf32, #tpu.memory_space<vmem_shared>>, %arg10: memref<4x!tpu.dma_semaphore, #tpu.memory_space<semaphore_mem>>, %arg11: memref<2x!tpu.dma_semaphore, #tpu.memory_space<semaphore_mem>>, %arg12: memref<2x!tpu.dma_semaphore, #tpu.memory_space<semaphore_mem>>) attributes {dimension_semantics = [#tpu.dimension_semantics<core_parallel>, #tpu.dimension_semantics<subcore_parallel>], iteration_bounds = array<i64: 2, 16>, scalar_prefetch = 0 : i64, scratch_operands = 7 : i64, tpu.core_type = #tpu.core_type<sc_vector_subcore>, window_params = [{transform_indices = #map}, {transform_indices = #map1}, {transform_indices = #map}, {transform_indices = #map1}]} {
    %mul3A = arith.constant 2 : i32
    %mul3A_0 = arith.muli %arg1, %mul3A : i32
    %add3A = arith.addi %mul3A_0, %arg0 : i32
    %lt3A = arith.constant 4 : i32
    %lt3A_1 = arith.cmpi slt, %add3A, %lt3A : i32
    %jit3A = arith.constant 79 : i32
    %jit3A_2 = arith.constant 78 : i32
    %select_n3A = arith.select %lt3A_1, %jit3A, %jit3A_2 : i32
    %mul3A_3 = arith.constant 640 : i32
    %mul3A_4 = arith.muli %arg1, %mul3A_3 : i32
    "tpu.region"() ({
      %run_scoped3A = tpu.sem_alloc : memref<!tpu.dma_semaphore, #tpu.memory_space<semaphore_mem>>
      %dma_start3A_146 = tpu.memref_slice %arg9[%mul3A_4] : memref<10240xf32, #tpu.memory_space<vmem_shared>> -> memref<640xf32, #tpu.memory_space<vmem_shared>>
      tpu.enqueue_dma source(%arg4 : memref<640xf32, #tpu.memory_space<hbm>>) target(%dma_start3A_146 : memref<640xf32, #tpu.memory_space<vmem_shared>>) target_semaphore(%run_scoped3A : memref<!tpu.dma_semaphore, #tpu.memory_space<semaphore_mem>>)
      %dma_wait3A_147 = tpu.memref_slice %arg9[%mul3A_4] : memref<10240xf32, #tpu.memory_space<vmem_shared>> -> memref<640xf32, #tpu.memory_space<vmem_shared>>
      tpu.wait_dma2 semaphore(%run_scoped3A : memref<!tpu.dma_semaphore, #tpu.memory_space<semaphore_mem>>) src(%arg4 : memref<640xf32, #tpu.memory_space<hbm>>) dst(%dma_wait3A_147 : memref<640xf32, #tpu.memory_space<vmem_shared>>)
      tpu.yield
    }) : () -> ()
    "tpu.region"() ({
      %run_scoped3A = tpu.sem_alloc : memref<!tpu.dma_semaphore, #tpu.memory_space<semaphore_mem>>
      %dma_start3A_146 = tpu.memref_slice %arg6[%mul3A_4] : memref<10240xf32, #tpu.memory_space<vmem_shared>> -> memref<640xf32, #tpu.memory_space<vmem_shared>>
      %dma_start3A_147 = tpu.memref_slice %arg2[%mul3A_4] : memref<10240xf32, #tpu.memory_space<hbm>> -> memref<640xf32, #tpu.memory_space<hbm>>
      tpu.enqueue_dma source(%dma_start3A_147 : memref<640xf32, #tpu.memory_space<hbm>>) target(%dma_start3A_146 : memref<640xf32, #tpu.memory_space<vmem_shared>>) target_semaphore(%run_scoped3A : memref<!tpu.dma_semaphore, #tpu.memory_space<semaphore_mem>>)
      %dma_wait3A_148 = tpu.memref_slice %arg6[%mul3A_4] : memref<10240xf32, #tpu.memory_space<vmem_shared>> -> memref<640xf32, #tpu.memory_space<vmem_shared>>
      %dma_wait3A_149 = tpu.memref_slice %arg2[%mul3A_4] : memref<10240xf32, #tpu.memory_space<hbm>> -> memref<640xf32, #tpu.memory_space<hbm>>
      tpu.wait_dma2 semaphore(%run_scoped3A : memref<!tpu.dma_semaphore, #tpu.memory_space<semaphore_mem>>) src(%dma_wait3A_149 : memref<640xf32, #tpu.memory_space<hbm>>) dst(%dma_wait3A_148 : memref<640xf32, #tpu.memory_space<vmem_shared>>)
      tpu.yield
    }) : () -> ()
    %barrier3A = arith.constant 0 : index
    tpu.barrier barrier_id(%barrier3A)
    %add3A_5 = arith.constant 0 : i32
    %add3A_6 = arith.addi %add3A, %add3A_5 : i32
    %mul3A_7 = arith.constant 128 : i32
    %mul3A_8 = arith.muli %add3A_6, %mul3A_7 : i32
    %dma_start3A = arith.constant 0 : i32
    %dma_start3A_9 = arith.constant 0 : i32
    %dma_start3A_10 = arith.constant 0 : i32
    %dma_start3A_11 = arith.constant 0 : i32
    %dma_start3A_12 = tpu.memref_slice %arg7[%dma_start3A, %dma_start3A_10, %dma_start3A_11] : memref<4x2x128xi32, #tpu.memory_space<vmem>> -> memref<1x2x128xi32, #tpu.memory_space<vmem>>
    %dma_start3A_13 = tpu.memref_squeeze %dma_start3A_12 : memref<1x2x128xi32, #tpu.memory_space<vmem>> -> memref<2x128xi32, #tpu.memory_space<vmem>>
    %dma_start3A_14 = arith.constant 0 : i32
    %dma_start3A_15 = tpu.memref_slice %arg3[%dma_start3A_14, %mul3A_8] : memref<2x320000xi32, #tpu.memory_space<hbm>> -> memref<2x128xi32, #tpu.memory_space<hbm>>
    %dma_start3A_16 = tpu.memref_slice %arg10[%dma_start3A_9] : memref<4x!tpu.dma_semaphore, #tpu.memory_space<semaphore_mem>> -> memref<1x!tpu.dma_semaphore, #tpu.memory_space<semaphore_mem>>
    %dma_start3A_17 = tpu.memref_squeeze %dma_start3A_16 : memref<1x!tpu.dma_semaphore, #tpu.memory_space<semaphore_mem>> -> memref<!tpu.dma_semaphore, #tpu.memory_space<semaphore_mem>>
    %dma_start3A_18 = arith.constant 0 : i32
    %dma_start3A_19 = arith.constant 0 : i32
    %dma_start3A_20 = tpu.memref_slice %arg7[%dma_start3A, %dma_start3A_18, %dma_start3A_19] : memref<4x2x128xi32, #tpu.memory_space<vmem>> -> memref<1x2x128xi32, #tpu.memory_space<vmem>>
    %dma_start3A_21 = tpu.memref_squeeze %dma_start3A_20 : memref<1x2x128xi32, #tpu.memory_space<vmem>> -> memref<2x128xi32, #tpu.memory_space<vmem>>
    %dma_start3A_22 = arith.constant 0 : i32
    %dma_start3A_23 = tpu.memref_slice %arg3[%dma_start3A_22, %mul3A_8] : memref<2x320000xi32, #tpu.memory_space<hbm>> -> memref<2x128xi32, #tpu.memory_space<hbm>>
    tpu.enqueue_dma source(%dma_start3A_23 : memref<2x128xi32, #tpu.memory_space<hbm>>) target(%dma_start3A_21 : memref<2x128xi32, #tpu.memory_space<vmem>>) target_semaphore(%dma_start3A_17 : memref<!tpu.dma_semaphore, #tpu.memory_space<semaphore_mem>>)
    %add3A_24 = arith.constant 32 : i32
    %add3A_25 = arith.addi %add3A, %add3A_24 : i32
    %mul3A_26 = arith.constant 128 : i32
    %mul3A_27 = arith.muli %add3A_25, %mul3A_26 : i32
    %dma_start3A_28 = arith.constant 1 : i32
    %dma_start3A_29 = arith.constant 1 : i32
    %dma_start3A_30 = arith.constant 0 : i32
    %dma_start3A_31 = arith.constant 0 : i32
    %dma_start3A_32 = tpu.memref_slice %arg7[%dma_start3A_28, %dma_start3A_30, %dma_start3A_31] : memref<4x2x128xi32, #tpu.memory_space<vmem>> -> memref<1x2x128xi32, #tpu.memory_space<vmem>>
    %dma_start3A_33 = tpu.memref_squeeze %dma_start3A_32 : memref<1x2x128xi32, #tpu.memory_space<vmem>> -> memref<2x128xi32, #tpu.memory_space<vmem>>
    %dma_start3A_34 = arith.constant 0 : i32
    %dma_start3A_35 = tpu.memref_slice %arg3[%dma_start3A_34, %mul3A_27] : memref<2x320000xi32, #tpu.memory_space<hbm>> -> memref<2x128xi32, #tpu.memory_space<hbm>>
    %dma_start3A_36 = tpu.memref_slice %arg10[%dma_start3A_29] : memref<4x!tpu.dma_semaphore, #tpu.memory_space<semaphore_mem>> -> memref<1x!tpu.dma_semaphore, #tpu.memory_space<semaphore_mem>>
    %dma_start3A_37 = tpu.memref_squeeze %dma_start3A_36 : memref<1x!tpu.dma_semaphore, #tpu.memory_space<semaphore_mem>> -> memref<!tpu.dma_semaphore, #tpu.memory_space<semaphore_mem>>
    %dma_start3A_38 = arith.constant 0 : i32
    %dma_start3A_39 = arith.constant 0 : i32
    %dma_start3A_40 = tpu.memref_slice %arg7[%dma_start3A_28, %dma_start3A_38, %dma_start3A_39] : memref<4x2x128xi32, #tpu.memory_space<vmem>> -> memref<1x2x128xi32, #tpu.memory_space<vmem>>
    %dma_start3A_41 = tpu.memref_squeeze %dma_start3A_40 : memref<1x2x128xi32, #tpu.memory_space<vmem>> -> memref<2x128xi32, #tpu.memory_space<vmem>>
    %dma_start3A_42 = arith.constant 0 : i32
    %dma_start3A_43 = tpu.memref_slice %arg3[%dma_start3A_42, %mul3A_27] : memref<2x320000xi32, #tpu.memory_space<hbm>> -> memref<2x128xi32, #tpu.memory_space<hbm>>
    tpu.enqueue_dma source(%dma_start3A_43 : memref<2x128xi32, #tpu.memory_space<hbm>>) target(%dma_start3A_41 : memref<2x128xi32, #tpu.memory_space<vmem>>) target_semaphore(%dma_start3A_37 : memref<!tpu.dma_semaphore, #tpu.memory_space<semaphore_mem>>)
    %add3A_44 = arith.constant 64 : i32
    %add3A_45 = arith.addi %add3A, %add3A_44 : i32
    %mul3A_46 = arith.constant 128 : i32
    %mul3A_47 = arith.muli %add3A_45, %mul3A_46 : i32
    %dma_start3A_48 = arith.constant 2 : i32
    %dma_start3A_49 = arith.constant 2 : i32
    %dma_start3A_50 = arith.constant 0 : i32
    %dma_start3A_51 = arith.constant 0 : i32
    %dma_start3A_52 = tpu.memref_slice %arg7[%dma_start3A_48, %dma_start3A_50, %dma_start3A_51] : memref<4x2x128xi32, #tpu.memory_space<vmem>> -> memref<1x2x128xi32, #tpu.memory_space<vmem>>
    %dma_start3A_53 = tpu.memref_squeeze %dma_start3A_52 : memref<1x2x128xi32, #tpu.memory_space<vmem>> -> memref<2x128xi32, #tpu.memory_space<vmem>>
    %dma_start3A_54 = arith.constant 0 : i32
    %dma_start3A_55 = tpu.memref_slice %arg3[%dma_start3A_54, %mul3A_47] : memref<2x320000xi32, #tpu.memory_space<hbm>> -> memref<2x128xi32, #tpu.memory_space<hbm>>
    %dma_start3A_56 = tpu.memref_slice %arg10[%dma_start3A_49] : memref<4x!tpu.dma_semaphore, #tpu.memory_space<semaphore_mem>> -> memref<1x!tpu.dma_semaphore, #tpu.memory_space<semaphore_mem>>
    %dma_start3A_57 = tpu.memref_squeeze %dma_start3A_56 : memref<1x!tpu.dma_semaphore, #tpu.memory_space<semaphore_mem>> -> memref<!tpu.dma_semaphore, #tpu.memory_space<semaphore_mem>>
    %dma_start3A_58 = arith.constant 0 : i32
    %dma_start3A_59 = arith.constant 0 : i32
    %dma_start3A_60 = tpu.memref_slice %arg7[%dma_start3A_48, %dma_start3A_58, %dma_start3A_59] : memref<4x2x128xi32, #tpu.memory_space<vmem>> -> memref<1x2x128xi32, #tpu.memory_space<vmem>>
    %dma_start3A_61 = tpu.memref_squeeze %dma_start3A_60 : memref<1x2x128xi32, #tpu.memory_space<vmem>> -> memref<2x128xi32, #tpu.memory_space<vmem>>
    %dma_start3A_62 = arith.constant 0 : i32
    %dma_start3A_63 = tpu.memref_slice %arg3[%dma_start3A_62, %mul3A_47] : memref<2x320000xi32, #tpu.memory_space<hbm>> -> memref<2x128xi32, #tpu.memory_space<hbm>>
    tpu.enqueue_dma source(%dma_start3A_63 : memref<2x128xi32, #tpu.memory_space<hbm>>) target(%dma_start3A_61 : memref<2x128xi32, #tpu.memory_space<vmem>>) target_semaphore(%dma_start3A_57 : memref<!tpu.dma_semaphore, #tpu.memory_space<semaphore_mem>>)
    %add3A_64 = arith.constant 96 : i32
    %add3A_65 = arith.addi %add3A, %add3A_64 : i32
    %mul3A_66 = arith.constant 128 : i32
    %mul3A_67 = arith.muli %add3A_65, %mul3A_66 : i32
    %dma_start3A_68 = arith.constant 3 : i32
    %dma_start3A_69 = arith.constant 3 : i32
    %dma_start3A_70 = arith.constant 0 : i32
    %dma_start3A_71 = arith.constant 0 : i32
    %dma_start3A_72 = tpu.memref_slice %arg7[%dma_start3A_68, %dma_start3A_70, %dma_start3A_71] : memref<4x2x128xi32, #tpu.memory_space<vmem>> -> memref<1x2x128xi32, #tpu.memory_space<vmem>>
    %dma_start3A_73 = tpu.memref_squeeze %dma_start3A_72 : memref<1x2x128xi32, #tpu.memory_space<vmem>> -> memref<2x128xi32, #tpu.memory_space<vmem>>
    %dma_start3A_74 = arith.constant 0 : i32
    %dma_start3A_75 = tpu.memref_slice %arg3[%dma_start3A_74, %mul3A_67] : memref<2x320000xi32, #tpu.memory_space<hbm>> -> memref<2x128xi32, #tpu.memory_space<hbm>>
    %dma_start3A_76 = tpu.memref_slice %arg10[%dma_start3A_69] : memref<4x!tpu.dma_semaphore, #tpu.memory_space<semaphore_mem>> -> memref<1x!tpu.dma_semaphore, #tpu.memory_space<semaphore_mem>>
    %dma_start3A_77 = tpu.memref_squeeze %dma_start3A_76 : memref<1x!tpu.dma_semaphore, #tpu.memory_space<semaphore_mem>> -> memref<!tpu.dma_semaphore, #tpu.memory_space<semaphore_mem>>
    %dma_start3A_78 = arith.constant 0 : i32
    %dma_start3A_79 = arith.constant 0 : i32
    %dma_start3A_80 = tpu.memref_slice %arg7[%dma_start3A_68, %dma_start3A_78, %dma_start3A_79] : memref<4x2x128xi32, #tpu.memory_space<vmem>> -> memref<1x2x128xi32, #tpu.memory_space<vmem>>
    %dma_start3A_81 = tpu.memref_squeeze %dma_start3A_80 : memref<1x2x128xi32, #tpu.memory_space<vmem>> -> memref<2x128xi32, #tpu.memory_space<vmem>>
    %dma_start3A_82 = arith.constant 0 : i32
    %dma_start3A_83 = tpu.memref_slice %arg3[%dma_start3A_82, %mul3A_67] : memref<2x320000xi32, #tpu.memory_space<hbm>> -> memref<2x128xi32, #tpu.memory_space<hbm>>
    tpu.enqueue_dma source(%dma_start3A_83 : memref<2x128xi32, #tpu.memory_space<hbm>>) target(%dma_start3A_81 : memref<2x128xi32, #tpu.memory_space<vmem>>) target_semaphore(%dma_start3A_77 : memref<!tpu.dma_semaphore, #tpu.memory_space<semaphore_mem>>)
    %add3A_84 = arith.constant 0 : i32
    %add3A_85 = arith.addi %add3A, %add3A_84 : i32
    %mul3A_86 = arith.constant 128 : i32
    %mul3A_87 = arith.muli %add3A_85, %mul3A_86 : i32
    %dma_wait3A = arith.constant 0 : i32
    %dma_wait3A_88 = arith.constant 0 : i32
    %dma_wait3A_89 = arith.constant 0 : i32
    %dma_wait3A_90 = arith.constant 0 : i32
    %dma_wait3A_91 = tpu.memref_slice %arg7[%dma_wait3A, %dma_wait3A_89, %dma_wait3A_90] : memref<4x2x128xi32, #tpu.memory_space<vmem>> -> memref<1x2x128xi32, #tpu.memory_space<vmem>>
    %dma_wait3A_92 = tpu.memref_squeeze %dma_wait3A_91 : memref<1x2x128xi32, #tpu.memory_space<vmem>> -> memref<2x128xi32, #tpu.memory_space<vmem>>
    %dma_wait3A_93 = arith.constant 0 : i32
    %dma_wait3A_94 = tpu.memref_slice %arg3[%dma_wait3A_93, %mul3A_87] : memref<2x320000xi32, #tpu.memory_space<hbm>> -> memref<2x128xi32, #tpu.memory_space<hbm>>
    %dma_wait3A_95 = tpu.memref_slice %arg10[%dma_wait3A_88] : memref<4x!tpu.dma_semaphore, #tpu.memory_space<semaphore_mem>> -> memref<1x!tpu.dma_semaphore, #tpu.memory_space<semaphore_mem>>
    %dma_wait3A_96 = tpu.memref_squeeze %dma_wait3A_95 : memref<1x!tpu.dma_semaphore, #tpu.memory_space<semaphore_mem>> -> memref<!tpu.dma_semaphore, #tpu.memory_space<semaphore_mem>>
    %dma_wait3A_97 = arith.constant 0 : i32
    %dma_wait3A_98 = arith.constant 0 : i32
    %dma_wait3A_99 = tpu.memref_slice %arg7[%dma_wait3A, %dma_wait3A_97, %dma_wait3A_98] : memref<4x2x128xi32, #tpu.memory_space<vmem>> -> memref<1x2x128xi32, #tpu.memory_space<vmem>>
    %dma_wait3A_100 = tpu.memref_squeeze %dma_wait3A_99 : memref<1x2x128xi32, #tpu.memory_space<vmem>> -> memref<2x128xi32, #tpu.memory_space<vmem>>
    %dma_wait3A_101 = arith.constant 0 : i32
    %dma_wait3A_102 = tpu.memref_slice %arg3[%dma_wait3A_101, %mul3A_87] : memref<2x320000xi32, #tpu.memory_space<hbm>> -> memref<2x128xi32, #tpu.memory_space<hbm>>
    tpu.wait_dma2 semaphore(%dma_wait3A_96 : memref<!tpu.dma_semaphore, #tpu.memory_space<semaphore_mem>>) src(%dma_wait3A_102 : memref<2x128xi32, #tpu.memory_space<hbm>>) dst(%dma_wait3A_100 : memref<2x128xi32, #tpu.memory_space<vmem>>)
    %rem3A = arith.constant 0 : i32
    %rem3A_103 = arith.constant 4 : i32
    %rem3A_104 = arith.remsi %rem3A, %rem3A_103 : i32
    %dma_start3A_105 = arith.constant 0 : i32
    %dma_start3A_106 = arith.constant 0 : i32
    %dma_start3A_107 = arith.constant 0 : i32
    %dma_start3A_108 = arith.constant 0 : i32
    %dma_start3A_109 = tpu.memref_slice %arg8[%dma_start3A_106, %dma_start3A_108] : memref<2x128xf32, #tpu.memory_space<vmem>> -> memref<1x128xf32, #tpu.memory_space<vmem>>
    %dma_start3A_110 = tpu.memref_squeeze %dma_start3A_109 : memref<1x128xf32, #tpu.memory_space<vmem>> -> memref<128xf32, #tpu.memory_space<vmem>>
    %dma_start3A_111 = arith.constant 0 : i32
    %dma_start3A_112 = tpu.memref_slice %arg7[%rem3A_104, %dma_start3A_105, %dma_start3A_111] : memref<4x2x128xi32, #tpu.memory_space<vmem>> -> memref<1x1x128xi32, #tpu.memory_space<vmem>>
    %dma_start3A_113 = tpu.memref_squeeze %dma_start3A_112 : memref<1x1x128xi32, #tpu.memory_space<vmem>> -> memref<128xi32, #tpu.memory_space<vmem>>
    %dma_start3A_114 = arith.constant 0 : i32
    %dma_start3A_115 = tpu.memref_slice %arg6[%dma_start3A_114] : memref<10240xf32, #tpu.memory_space<vmem_shared>> -> memref<10240xf32, #tpu.memory_space<vmem_shared>>
    %dma_start3A_116 = tpu.memref_slice %arg11[%dma_start3A_107] : memref<2x!tpu.dma_semaphore, #tpu.memory_space<semaphore_mem>> -> memref<1x!tpu.dma_semaphore, #tpu.memory_space<semaphore_mem>>
    %dma_start3A_117 = tpu.memref_squeeze %dma_start3A_116 : memref<1x!tpu.dma_semaphore, #tpu.memory_space<semaphore_mem>> -> memref<!tpu.dma_semaphore, #tpu.memory_space<semaphore_mem>>
    tpu.enqueue_indirect_dma source(%dma_start3A_115 : memref<10240xf32, #tpu.memory_space<vmem_shared>>) target(%dma_start3A_110 : memref<128xf32, #tpu.memory_space<vmem>>) offsets(%dma_start3A_113 : memref<128xi32, #tpu.memory_space<vmem>>) semaphore(%dma_start3A_117 : memref<!tpu.dma_semaphore, #tpu.memory_space<semaphore_mem>>)
    %while3A = arith.constant 0 : i32
    %while3A_118 = arith.constant 0 : i32
    %while3A_119 = arith.subi %select_n3A, %while3A_118 : i32
    %while3A_120 = arith.addi %while3A_118, %while3A_119 : i32
    %while3A_121 = arith.constant 1 : i32
    %while3A_122 = arith.divsi %while3A_119, %while3A_121 : i32
    %while3A_123 = arith.muli %while3A_122, %while3A_121 : i32
    %while3A_124 = arith.addi %while3A_118, %while3A_123 : i32
    %while3A_125 = arith.constant 1 : i32
    scf.for %while3A_146 = %while3A_118 to %while3A_124 step %while3A_125  : i32 {
      %rem3A_147 = arith.constant 2 : i32
      %rem3A_148 = arith.remsi %while3A_146, %rem3A_147 : i32
      %rem3A_149 = arith.constant 4 : i32
      %rem3A_150 = arith.remsi %while3A_146, %rem3A_149 : i32
      %dma_wait3A_151 = arith.constant 0 : i32
      %dma_wait3A_152 = arith.constant 0 : i32
      %dma_wait3A_153 = tpu.memref_slice %arg8[%rem3A_148, %dma_wait3A_152] : memref<2x128xf32, #tpu.memory_space<vmem>> -> memref<1x128xf32, #tpu.memory_space<vmem>>
      %dma_wait3A_154 = tpu.memref_squeeze %dma_wait3A_153 : memref<1x128xf32, #tpu.memory_space<vmem>> -> memref<128xf32, #tpu.memory_space<vmem>>
      %dma_wait3A_155 = arith.constant 0 : i32
      %dma_wait3A_156 = tpu.memref_slice %arg7[%rem3A_150, %dma_wait3A_151, %dma_wait3A_155] : memref<4x2x128xi32, #tpu.memory_space<vmem>> -> memref<1x1x128xi32, #tpu.memory_space<vmem>>
      %dma_wait3A_157 = tpu.memref_squeeze %dma_wait3A_156 : memref<1x1x128xi32, #tpu.memory_space<vmem>> -> memref<128xi32, #tpu.memory_space<vmem>>
      %dma_wait3A_158 = arith.constant 0 : i32
      %dma_wait3A_159 = tpu.memref_slice %arg6[%dma_wait3A_158] : memref<10240xf32, #tpu.memory_space<vmem_shared>> -> memref<10240xf32, #tpu.memory_space<vmem_shared>>
      %dma_wait3A_160 = tpu.memref_slice %arg11[%rem3A_148] : memref<2x!tpu.dma_semaphore, #tpu.memory_space<semaphore_mem>> -> memref<1x!tpu.dma_semaphore, #tpu.memory_space<semaphore_mem>>
      %dma_wait3A_161 = tpu.memref_squeeze %dma_wait3A_160 : memref<1x!tpu.dma_semaphore, #tpu.memory_space<semaphore_mem>> -> memref<!tpu.dma_semaphore, #tpu.memory_space<semaphore_mem>>
      tpu.wait_indirect_dma semaphore(%dma_wait3A_161 : memref<!tpu.dma_semaphore, #tpu.memory_space<semaphore_mem>>) src(%dma_wait3A_159 : memref<10240xf32, #tpu.memory_space<vmem_shared>>) dst(%dma_wait3A_154 : memref<128xf32, #tpu.memory_space<vmem>>)
      %rem3A_162 = arith.constant 4 : i32
      %rem3A_163 = arith.remsi %while3A_146, %rem3A_162 : i32
      %dma_start3A_164 = arith.constant 1 : i32
      %dma_start3A_165 = arith.constant 0 : i32
      %dma_start3A_166 = tpu.memref_slice %arg8[%rem3A_148, %dma_start3A_165] : memref<2x128xf32, #tpu.memory_space<vmem>> -> memref<1x128xf32, #tpu.memory_space<vmem>>
      %dma_start3A_167 = tpu.memref_squeeze %dma_start3A_166 : memref<1x128xf32, #tpu.memory_space<vmem>> -> memref<128xf32, #tpu.memory_space<vmem>>
      %dma_start3A_168 = arith.constant 0 : i32
      %dma_start3A_169 = tpu.memref_slice %arg7[%rem3A_163, %dma_start3A_164, %dma_start3A_168] : memref<4x2x128xi32, #tpu.memory_space<vmem>> -> memref<1x1x128xi32, #tpu.memory_space<vmem>>
      %dma_start3A_170 = tpu.memref_squeeze %dma_start3A_169 : memref<1x1x128xi32, #tpu.memory_space<vmem>> -> memref<128xi32, #tpu.memory_space<vmem>>
      %dma_start3A_171 = arith.constant 0 : i32
      %dma_start3A_172 = tpu.memref_slice %arg9[%dma_start3A_171] : memref<10240xf32, #tpu.memory_space<vmem_shared>> -> memref<10240xf32, #tpu.memory_space<vmem_shared>>
      %dma_start3A_173 = tpu.memref_slice %arg12[%rem3A_148] : memref<2x!tpu.dma_semaphore, #tpu.memory_space<semaphore_mem>> -> memref<1x!tpu.dma_semaphore, #tpu.memory_space<semaphore_mem>>
      %dma_start3A_174 = tpu.memref_squeeze %dma_start3A_173 : memref<1x!tpu.dma_semaphore, #tpu.memory_space<semaphore_mem>> -> memref<!tpu.dma_semaphore, #tpu.memory_space<semaphore_mem>>
      tpu.enqueue_indirect_dma source(%dma_start3A_167 : memref<128xf32, #tpu.memory_space<vmem>>) target(%dma_start3A_172 : memref<10240xf32, #tpu.memory_space<vmem_shared>>) offsets(%dma_start3A_170 : memref<128xi32, #tpu.memory_space<vmem>>) semaphore(%dma_start3A_174 : memref<!tpu.dma_semaphore, #tpu.memory_space<semaphore_mem>>) {add = true}
      %ge3A = arith.constant 1 : i32
      %ge3A_175 = arith.cmpi sge, %while3A_146, %ge3A : i32
      %convert_element_type3A = arith.extui %ge3A_175 : i1 to i32
      %cond3A = arith.constant 0 : i32
      %cond3A_176 = arith.cmpi ne, %convert_element_type3A, %cond3A : i32
      scf.if %cond3A_176 {
        %sub3A_183 = arith.constant 1 : i32
        %sub3A_184 = arith.subi %while3A_146, %sub3A_183 : i32
        %sub3A_185 = arith.constant 1 : i32
        %sub3A_186 = arith.subi %sub3A_185, %rem3A_148 : i32
        %rem3A_187 = arith.constant 4 : i32
        %rem3A_188 = arith.remsi %sub3A_184, %rem3A_187 : i32
        %dma_wait3A_189 = arith.constant 1 : i32
        %dma_wait3A_190 = arith.constant 0 : i32
        %dma_wait3A_191 = tpu.memref_slice %arg8[%sub3A_186, %dma_wait3A_190] : memref<2x128xf32, #tpu.memory_space<vmem>> -> memref<1x128xf32, #tpu.memory_space<vmem>>
        %dma_wait3A_192 = tpu.memref_squeeze %dma_wait3A_191 : memref<1x128xf32, #tpu.memory_space<vmem>> -> memref<128xf32, #tpu.memory_space<vmem>>
        %dma_wait3A_193 = arith.constant 0 : i32
        %dma_wait3A_194 = tpu.memref_slice %arg7[%rem3A_188, %dma_wait3A_189, %dma_wait3A_193] : memref<4x2x128xi32, #tpu.memory_space<vmem>> -> memref<1x1x128xi32, #tpu.memory_space<vmem>>
        %dma_wait3A_195 = tpu.memref_squeeze %dma_wait3A_194 : memref<1x1x128xi32, #tpu.memory_space<vmem>> -> memref<128xi32, #tpu.memory_space<vmem>>
        %dma_wait3A_196 = arith.constant 0 : i32
        %dma_wait3A_197 = tpu.memref_slice %arg9[%dma_wait3A_196] : memref<10240xf32, #tpu.memory_space<vmem_shared>> -> memref<10240xf32, #tpu.memory_space<vmem_shared>>
        %dma_wait3A_198 = tpu.memref_slice %arg12[%sub3A_186] : memref<2x!tpu.dma_semaphore, #tpu.memory_space<semaphore_mem>> -> memref<1x!tpu.dma_semaphore, #tpu.memory_space<semaphore_mem>>
        %dma_wait3A_199 = tpu.memref_squeeze %dma_wait3A_198 : memref<1x!tpu.dma_semaphore, #tpu.memory_space<semaphore_mem>> -> memref<!tpu.dma_semaphore, #tpu.memory_space<semaphore_mem>>
        tpu.wait_indirect_dma semaphore(%dma_wait3A_199 : memref<!tpu.dma_semaphore, #tpu.memory_space<semaphore_mem>>) src(%dma_wait3A_192 : memref<128xf32, #tpu.memory_space<vmem>>) dst(%dma_wait3A_197 : memref<10240xf32, #tpu.memory_space<vmem_shared>>)
        %sub3A_200 = arith.constant 1 : i32
        %sub3A_201 = arith.subi %while3A_146, %sub3A_200 : i32
        %add3A_202 = arith.constant 4 : i32
        %add3A_203 = arith.addi %sub3A_201, %add3A_202 : i32
        %lt3A_204 = arith.cmpi slt, %add3A_203, %select_n3A : i32
        %convert_element_type3A_205 = arith.extui %lt3A_204 : i1 to i32
        %cond3A_206 = arith.constant 0 : i32
        %cond3A_207 = arith.cmpi ne, %convert_element_type3A_205, %cond3A_206 : i32
        scf.if %cond3A_207 {
          %sub3A_208 = arith.constant 1 : i32
          %sub3A_209 = arith.subi %while3A_146, %sub3A_208 : i32
          %add3A_210 = arith.constant 4 : i32
          %add3A_211 = arith.addi %sub3A_209, %add3A_210 : i32
          %sub3A_212 = arith.constant 1 : i32
          %sub3A_213 = arith.subi %while3A_146, %sub3A_212 : i32
          %rem3A_214 = arith.constant 4 : i32
          %rem3A_215 = arith.remsi %sub3A_213, %rem3A_214 : i32
          %mul3A_216 = arith.constant 32 : i32
          %mul3A_217 = arith.muli %mul3A_216, %add3A_211 : i32
          %add3A_218 = arith.addi %add3A, %mul3A_217 : i32
          %mul3A_219 = arith.constant 128 : i32
          %mul3A_220 = arith.muli %add3A_218, %mul3A_219 : i32
          %dma_start3A_221 = arith.constant 0 : i32
          %dma_start3A_222 = arith.constant 0 : i32
          %dma_start3A_223 = tpu.memref_slice %arg7[%rem3A_215, %dma_start3A_221, %dma_start3A_222] : memref<4x2x128xi32, #tpu.memory_space<vmem>> -> memref<1x2x128xi32, #tpu.memory_space<vmem>>
          %dma_start3A_224 = tpu.memref_squeeze %dma_start3A_223 : memref<1x2x128xi32, #tpu.memory_space<vmem>> -> memref<2x128xi32, #tpu.memory_space<vmem>>
          %dma_start3A_225 = arith.constant 0 : i32
          %dma_start3A_226 = tpu.memref_slice %arg3[%dma_start3A_225, %mul3A_220] : memref<2x320000xi32, #tpu.memory_space<hbm>> -> memref<2x128xi32, #tpu.memory_space<hbm>>
          %dma_start3A_227 = tpu.memref_slice %arg10[%rem3A_215] : memref<4x!tpu.dma_semaphore, #tpu.memory_space<semaphore_mem>> -> memref<1x!tpu.dma_semaphore, #tpu.memory_space<semaphore_mem>>
          %dma_start3A_228 = tpu.memref_squeeze %dma_start3A_227 : memref<1x!tpu.dma_semaphore, #tpu.memory_space<semaphore_mem>> -> memref<!tpu.dma_semaphore, #tpu.memory_space<semaphore_mem>>
          %dma_start3A_229 = arith.constant 0 : i32
          %dma_start3A_230 = arith.constant 0 : i32
          %dma_start3A_231 = tpu.memref_slice %arg7[%rem3A_215, %dma_start3A_229, %dma_start3A_230] : memref<4x2x128xi32, #tpu.memory_space<vmem>> -> memref<1x2x128xi32, #tpu.memory_space<vmem>>
          %dma_start3A_232 = tpu.memref_squeeze %dma_start3A_231 : memref<1x2x128xi32, #tpu.memory_space<vmem>> -> memref<2x128xi32, #tpu.memory_space<vmem>>
          %dma_start3A_233 = arith.constant 0 : i32
          %dma_start3A_234 = tpu.memref_slice %arg3[%dma_start3A_233, %mul3A_220] : memref<2x320000xi32, #tpu.memory_space<hbm>> -> memref<2x128xi32, #tpu.memory_space<hbm>>
          tpu.enqueue_dma source(%dma_start3A_234 : memref<2x128xi32, #tpu.memory_space<hbm>>) target(%dma_start3A_232 : memref<2x128xi32, #tpu.memory_space<vmem>>) target_semaphore(%dma_start3A_228 : memref<!tpu.dma_semaphore, #tpu.memory_space<semaphore_mem>>)
        } else {
        }
      } else {
      }
      %add3A_177 = arith.constant 1 : i32
      %add3A_178 = arith.addi %while3A_146, %add3A_177 : i32
      %lt3A_179 = arith.cmpi slt, %add3A_178, %select_n3A : i32
      %convert_element_type3A_180 = arith.extui %lt3A_179 : i1 to i32
      %cond3A_181 = arith.constant 0 : i32
      %cond3A_182 = arith.cmpi ne, %convert_element_type3A_180, %cond3A_181 : i32
      scf.if %cond3A_182 {
        %add3A_183 = arith.constant 1 : i32
        %add3A_184 = arith.addi %while3A_146, %add3A_183 : i32
        %add3A_185 = arith.constant 1 : i32
        %add3A_186 = arith.addi %while3A_146, %add3A_185 : i32
        %rem3A_187 = arith.constant 4 : i32
        %rem3A_188 = arith.remsi %add3A_186, %rem3A_187 : i32
        %mul3A_189 = arith.constant 32 : i32
        %mul3A_190 = arith.muli %mul3A_189, %add3A_184 : i32
        %add3A_191 = arith.addi %add3A, %mul3A_190 : i32
        %mul3A_192 = arith.constant 128 : i32
        %mul3A_193 = arith.muli %add3A_191, %mul3A_192 : i32
        %dma_wait3A_194 = arith.constant 0 : i32
        %dma_wait3A_195 = arith.constant 0 : i32
        %dma_wait3A_196 = tpu.memref_slice %arg7[%rem3A_188, %dma_wait3A_194, %dma_wait3A_195] : memref<4x2x128xi32, #tpu.memory_space<vmem>> -> memref<1x2x128xi32, #tpu.memory_space<vmem>>
        %dma_wait3A_197 = tpu.memref_squeeze %dma_wait3A_196 : memref<1x2x128xi32, #tpu.memory_space<vmem>> -> memref<2x128xi32, #tpu.memory_space<vmem>>
        %dma_wait3A_198 = arith.constant 0 : i32
        %dma_wait3A_199 = tpu.memref_slice %arg3[%dma_wait3A_198, %mul3A_193] : memref<2x320000xi32, #tpu.memory_space<hbm>> -> memref<2x128xi32, #tpu.memory_space<hbm>>
        %dma_wait3A_200 = tpu.memref_slice %arg10[%rem3A_188] : memref<4x!tpu.dma_semaphore, #tpu.memory_space<semaphore_mem>> -> memref<1x!tpu.dma_semaphore, #tpu.memory_space<semaphore_mem>>
        %dma_wait3A_201 = tpu.memref_squeeze %dma_wait3A_200 : memref<1x!tpu.dma_semaphore, #tpu.memory_space<semaphore_mem>> -> memref<!tpu.dma_semaphore, #tpu.memory_space<semaphore_mem>>
        %dma_wait3A_202 = arith.constant 0 : i32
        %dma_wait3A_203 = arith.constant 0 : i32
        %dma_wait3A_204 = tpu.memref_slice %arg7[%rem3A_188, %dma_wait3A_202, %dma_wait3A_203] : memref<4x2x128xi32, #tpu.memory_space<vmem>> -> memref<1x2x128xi32, #tpu.memory_space<vmem>>
        %dma_wait3A_205 = tpu.memref_squeeze %dma_wait3A_204 : memref<1x2x128xi32, #tpu.memory_space<vmem>> -> memref<2x128xi32, #tpu.memory_space<vmem>>
        %dma_wait3A_206 = arith.constant 0 : i32
        %dma_wait3A_207 = tpu.memref_slice %arg3[%dma_wait3A_206, %mul3A_193] : memref<2x320000xi32, #tpu.memory_space<hbm>> -> memref<2x128xi32, #tpu.memory_space<hbm>>
        tpu.wait_dma2 semaphore(%dma_wait3A_201 : memref<!tpu.dma_semaphore, #tpu.memory_space<semaphore_mem>>) src(%dma_wait3A_207 : memref<2x128xi32, #tpu.memory_space<hbm>>) dst(%dma_wait3A_205 : memref<2x128xi32, #tpu.memory_space<vmem>>)
        %add3A_208 = arith.constant 1 : i32
        %add3A_209 = arith.addi %while3A_146, %add3A_208 : i32
        %sub3A_210 = arith.constant 1 : i32
        %sub3A_211 = arith.subi %sub3A_210, %rem3A_148 : i32
        %rem3A_212 = arith.constant 4 : i32
        %rem3A_213 = arith.remsi %add3A_209, %rem3A_212 : i32
        %dma_start3A_214 = arith.constant 0 : i32
        %dma_start3A_215 = arith.constant 0 : i32
        %dma_start3A_216 = tpu.memref_slice %arg8[%sub3A_211, %dma_start3A_215] : memref<2x128xf32, #tpu.memory_space<vmem>> -> memref<1x128xf32, #tpu.memory_space<vmem>>
        %dma_start3A_217 = tpu.memref_squeeze %dma_start3A_216 : memref<1x128xf32, #tpu.memory_space<vmem>> -> memref<128xf32, #tpu.memory_space<vmem>>
        %dma_start3A_218 = arith.constant 0 : i32
        %dma_start3A_219 = tpu.memref_slice %arg7[%rem3A_213, %dma_start3A_214, %dma_start3A_218] : memref<4x2x128xi32, #tpu.memory_space<vmem>> -> memref<1x1x128xi32, #tpu.memory_space<vmem>>
        %dma_start3A_220 = tpu.memref_squeeze %dma_start3A_219 : memref<1x1x128xi32, #tpu.memory_space<vmem>> -> memref<128xi32, #tpu.memory_space<vmem>>
        %dma_start3A_221 = arith.constant 0 : i32
        %dma_start3A_222 = tpu.memref_slice %arg6[%dma_start3A_221] : memref<10240xf32, #tpu.memory_space<vmem_shared>> -> memref<10240xf32, #tpu.memory_space<vmem_shared>>
        %dma_start3A_223 = tpu.memref_slice %arg11[%sub3A_211] : memref<2x!tpu.dma_semaphore, #tpu.memory_space<semaphore_mem>> -> memref<1x!tpu.dma_semaphore, #tpu.memory_space<semaphore_mem>>
        %dma_start3A_224 = tpu.memref_squeeze %dma_start3A_223 : memref<1x!tpu.dma_semaphore, #tpu.memory_space<semaphore_mem>> -> memref<!tpu.dma_semaphore, #tpu.memory_space<semaphore_mem>>
        tpu.enqueue_indirect_dma source(%dma_start3A_222 : memref<10240xf32, #tpu.memory_space<vmem_shared>>) target(%dma_start3A_217 : memref<128xf32, #tpu.memory_space<vmem>>) offsets(%dma_start3A_220 : memref<128xi32, #tpu.memory_space<vmem>>) semaphore(%dma_start3A_224 : memref<!tpu.dma_semaphore, #tpu.memory_space<semaphore_mem>>)
      } else {
      }
    }
    %while3A_126 = arith.constant 1 : i32
    scf.for %while3A_146 = %while3A_124 to %while3A_120 step %while3A_126  : i32 {
      %rem3A_147 = arith.constant 2 : i32
      %rem3A_148 = arith.remsi %while3A_146, %rem3A_147 : i32
      %rem3A_149 = arith.constant 4 : i32
      %rem3A_150 = arith.remsi %while3A_146, %rem3A_149 : i32
      %dma_wait3A_151 = arith.constant 0 : i32
      %dma_wait3A_152 = arith.constant 0 : i32
      %dma_wait3A_153 = tpu.memref_slice %arg8[%rem3A_148, %dma_wait3A_152] : memref<2x128xf32, #tpu.memory_space<vmem>> -> memref<1x128xf32, #tpu.memory_space<vmem>>
      %dma_wait3A_154 = tpu.memref_squeeze %dma_wait3A_153 : memref<1x128xf32, #tpu.memory_space<vmem>> -> memref<128xf32, #tpu.memory_space<vmem>>
      %dma_wait3A_155 = arith.constant 0 : i32
      %dma_wait3A_156 = tpu.memref_slice %arg7[%rem3A_150, %dma_wait3A_151, %dma_wait3A_155] : memref<4x2x128xi32, #tpu.memory_space<vmem>> -> memref<1x1x128xi32, #tpu.memory_space<vmem>>
      %dma_wait3A_157 = tpu.memref_squeeze %dma_wait3A_156 : memref<1x1x128xi32, #tpu.memory_space<vmem>> -> memref<128xi32, #tpu.memory_space<vmem>>
      %dma_wait3A_158 = arith.constant 0 : i32
      %dma_wait3A_159 = tpu.memref_slice %arg6[%dma_wait3A_158] : memref<10240xf32, #tpu.memory_space<vmem_shared>> -> memref<10240xf32, #tpu.memory_space<vmem_shared>>
      %dma_wait3A_160 = tpu.memref_slice %arg11[%rem3A_148] : memref<2x!tpu.dma_semaphore, #tpu.memory_space<semaphore_mem>> -> memref<1x!tpu.dma_semaphore, #tpu.memory_space<semaphore_mem>>
      %dma_wait3A_161 = tpu.memref_squeeze %dma_wait3A_160 : memref<1x!tpu.dma_semaphore, #tpu.memory_space<semaphore_mem>> -> memref<!tpu.dma_semaphore, #tpu.memory_space<semaphore_mem>>
      tpu.wait_indirect_dma semaphore(%dma_wait3A_161 : memref<!tpu.dma_semaphore, #tpu.memory_space<semaphore_mem>>) src(%dma_wait3A_159 : memref<10240xf32, #tpu.memory_space<vmem_shared>>) dst(%dma_wait3A_154 : memref<128xf32, #tpu.memory_space<vmem>>)
      %rem3A_162 = arith.constant 4 : i32
      %rem3A_163 = arith.remsi %while3A_146, %rem3A_162 : i32
      %dma_start3A_164 = arith.constant 1 : i32
      %dma_start3A_165 = arith.constant 0 : i32
      %dma_start3A_166 = tpu.memref_slice %arg8[%rem3A_148, %dma_start3A_165] : memref<2x128xf32, #tpu.memory_space<vmem>> -> memref<1x128xf32, #tpu.memory_space<vmem>>
      %dma_start3A_167 = tpu.memref_squeeze %dma_start3A_166 : memref<1x128xf32, #tpu.memory_space<vmem>> -> memref<128xf32, #tpu.memory_space<vmem>>
      %dma_start3A_168 = arith.constant 0 : i32
      %dma_start3A_169 = tpu.memref_slice %arg7[%rem3A_163, %dma_start3A_164, %dma_start3A_168] : memref<4x2x128xi32, #tpu.memory_space<vmem>> -> memref<1x1x128xi32, #tpu.memory_space<vmem>>
      %dma_start3A_170 = tpu.memref_squeeze %dma_start3A_169 : memref<1x1x128xi32, #tpu.memory_space<vmem>> -> memref<128xi32, #tpu.memory_space<vmem>>
      %dma_start3A_171 = arith.constant 0 : i32
      %dma_start3A_172 = tpu.memref_slice %arg9[%dma_start3A_171] : memref<10240xf32, #tpu.memory_space<vmem_shared>> -> memref<10240xf32, #tpu.memory_space<vmem_shared>>
      %dma_start3A_173 = tpu.memref_slice %arg12[%rem3A_148] : memref<2x!tpu.dma_semaphore, #tpu.memory_space<semaphore_mem>> -> memref<1x!tpu.dma_semaphore, #tpu.memory_space<semaphore_mem>>
      %dma_start3A_174 = tpu.memref_squeeze %dma_start3A_173 : memref<1x!tpu.dma_semaphore, #tpu.memory_space<semaphore_mem>> -> memref<!tpu.dma_semaphore, #tpu.memory_space<semaphore_mem>>
      tpu.enqueue_indirect_dma source(%dma_start3A_167 : memref<128xf32, #tpu.memory_space<vmem>>) target(%dma_start3A_172 : memref<10240xf32, #tpu.memory_space<vmem_shared>>) offsets(%dma_start3A_170 : memref<128xi32, #tpu.memory_space<vmem>>) semaphore(%dma_start3A_174 : memref<!tpu.dma_semaphore, #tpu.memory_space<semaphore_mem>>) {add = true}
      %ge3A = arith.constant 1 : i32
      %ge3A_175 = arith.cmpi sge, %while3A_146, %ge3A : i32
      %convert_element_type3A = arith.extui %ge3A_175 : i1 to i32
      %cond3A = arith.constant 0 : i32
      %cond3A_176 = arith.cmpi ne, %convert_element_type3A, %cond3A : i32
      scf.if %cond3A_176 {
        %sub3A_183 = arith.constant 1 : i32
        %sub3A_184 = arith.subi %while3A_146, %sub3A_183 : i32
        %sub3A_185 = arith.constant 1 : i32
        %sub3A_186 = arith.subi %sub3A_185, %rem3A_148 : i32
        %rem3A_187 = arith.constant 4 : i32
        %rem3A_188 = arith.remsi %sub3A_184, %rem3A_187 : i32
        %dma_wait3A_189 = arith.constant 1 : i32
        %dma_wait3A_190 = arith.constant 0 : i32
        %dma_wait3A_191 = tpu.memref_slice %arg8[%sub3A_186, %dma_wait3A_190] : memref<2x128xf32, #tpu.memory_space<vmem>> -> memref<1x128xf32, #tpu.memory_space<vmem>>
        %dma_wait3A_192 = tpu.memref_squeeze %dma_wait3A_191 : memref<1x128xf32, #tpu.memory_space<vmem>> -> memref<128xf32, #tpu.memory_space<vmem>>
        %dma_wait3A_193 = arith.constant 0 : i32
        %dma_wait3A_194 = tpu.memref_slice %arg7[%rem3A_188, %dma_wait3A_189, %dma_wait3A_193] : memref<4x2x128xi32, #tpu.memory_space<vmem>> -> memref<1x1x128xi32, #tpu.memory_space<vmem>>
        %dma_wait3A_195 = tpu.memref_squeeze %dma_wait3A_194 : memref<1x1x128xi32, #tpu.memory_space<vmem>> -> memref<128xi32, #tpu.memory_space<vmem>>
        %dma_wait3A_196 = arith.constant 0 : i32
        %dma_wait3A_197 = tpu.memref_slice %arg9[%dma_wait3A_196] : memref<10240xf32, #tpu.memory_space<vmem_shared>> -> memref<10240xf32, #tpu.memory_space<vmem_shared>>
        %dma_wait3A_198 = tpu.memref_slice %arg12[%sub3A_186] : memref<2x!tpu.dma_semaphore, #tpu.memory_space<semaphore_mem>> -> memref<1x!tpu.dma_semaphore, #tpu.memory_space<semaphore_mem>>
        %dma_wait3A_199 = tpu.memref_squeeze %dma_wait3A_198 : memref<1x!tpu.dma_semaphore, #tpu.memory_space<semaphore_mem>> -> memref<!tpu.dma_semaphore, #tpu.memory_space<semaphore_mem>>
        tpu.wait_indirect_dma semaphore(%dma_wait3A_199 : memref<!tpu.dma_semaphore, #tpu.memory_space<semaphore_mem>>) src(%dma_wait3A_192 : memref<128xf32, #tpu.memory_space<vmem>>) dst(%dma_wait3A_197 : memref<10240xf32, #tpu.memory_space<vmem_shared>>)
        %sub3A_200 = arith.constant 1 : i32
        %sub3A_201 = arith.subi %while3A_146, %sub3A_200 : i32
        %add3A_202 = arith.constant 4 : i32
        %add3A_203 = arith.addi %sub3A_201, %add3A_202 : i32
        %lt3A_204 = arith.cmpi slt, %add3A_203, %select_n3A : i32
        %convert_element_type3A_205 = arith.extui %lt3A_204 : i1 to i32
        %cond3A_206 = arith.constant 0 : i32
        %cond3A_207 = arith.cmpi ne, %convert_element_type3A_205, %cond3A_206 : i32
        scf.if %cond3A_207 {
          %sub3A_208 = arith.constant 1 : i32
          %sub3A_209 = arith.subi %while3A_146, %sub3A_208 : i32
          %add3A_210 = arith.constant 4 : i32
          %add3A_211 = arith.addi %sub3A_209, %add3A_210 : i32
          %sub3A_212 = arith.constant 1 : i32
          %sub3A_213 = arith.subi %while3A_146, %sub3A_212 : i32
          %rem3A_214 = arith.constant 4 : i32
          %rem3A_215 = arith.remsi %sub3A_213, %rem3A_214 : i32
          %mul3A_216 = arith.constant 32 : i32
          %mul3A_217 = arith.muli %mul3A_216, %add3A_211 : i32
          %add3A_218 = arith.addi %add3A, %mul3A_217 : i32
          %mul3A_219 = arith.constant 128 : i32
          %mul3A_220 = arith.muli %add3A_218, %mul3A_219 : i32
          %dma_start3A_221 = arith.constant 0 : i32
          %dma_start3A_222 = arith.constant 0 : i32
          %dma_start3A_223 = tpu.memref_slice %arg7[%rem3A_215, %dma_start3A_221, %dma_start3A_222] : memref<4x2x128xi32, #tpu.memory_space<vmem>> -> memref<1x2x128xi32, #tpu.memory_space<vmem>>
          %dma_start3A_224 = tpu.memref_squeeze %dma_start3A_223 : memref<1x2x128xi32, #tpu.memory_space<vmem>> -> memref<2x128xi32, #tpu.memory_space<vmem>>
          %dma_start3A_225 = arith.constant 0 : i32
          %dma_start3A_226 = tpu.memref_slice %arg3[%dma_start3A_225, %mul3A_220] : memref<2x320000xi32, #tpu.memory_space<hbm>> -> memref<2x128xi32, #tpu.memory_space<hbm>>
          %dma_start3A_227 = tpu.memref_slice %arg10[%rem3A_215] : memref<4x!tpu.dma_semaphore, #tpu.memory_space<semaphore_mem>> -> memref<1x!tpu.dma_semaphore, #tpu.memory_space<semaphore_mem>>
          %dma_start3A_228 = tpu.memref_squeeze %dma_start3A_227 : memref<1x!tpu.dma_semaphore, #tpu.memory_space<semaphore_mem>> -> memref<!tpu.dma_semaphore, #tpu.memory_space<semaphore_mem>>
          %dma_start3A_229 = arith.constant 0 : i32
          %dma_start3A_230 = arith.constant 0 : i32
          %dma_start3A_231 = tpu.memref_slice %arg7[%rem3A_215, %dma_start3A_229, %dma_start3A_230] : memref<4x2x128xi32, #tpu.memory_space<vmem>> -> memref<1x2x128xi32, #tpu.memory_space<vmem>>
          %dma_start3A_232 = tpu.memref_squeeze %dma_start3A_231 : memref<1x2x128xi32, #tpu.memory_space<vmem>> -> memref<2x128xi32, #tpu.memory_space<vmem>>
          %dma_start3A_233 = arith.constant 0 : i32
          %dma_start3A_234 = tpu.memref_slice %arg3[%dma_start3A_233, %mul3A_220] : memref<2x320000xi32, #tpu.memory_space<hbm>> -> memref<2x128xi32, #tpu.memory_space<hbm>>
          tpu.enqueue_dma source(%dma_start3A_234 : memref<2x128xi32, #tpu.memory_space<hbm>>) target(%dma_start3A_232 : memref<2x128xi32, #tpu.memory_space<vmem>>) target_semaphore(%dma_start3A_228 : memref<!tpu.dma_semaphore, #tpu.memory_space<semaphore_mem>>)
        } else {
        }
      } else {
      }
      %add3A_177 = arith.constant 1 : i32
      %add3A_178 = arith.addi %while3A_146, %add3A_177 : i32
      %lt3A_179 = arith.cmpi slt, %add3A_178, %select_n3A : i32
      %convert_element_type3A_180 = arith.extui %lt3A_179 : i1 to i32
      %cond3A_181 = arith.constant 0 : i32
      %cond3A_182 = arith.cmpi ne, %convert_element_type3A_180, %cond3A_181 : i32
      scf.if %cond3A_182 {
        %add3A_183 = arith.constant 1 : i32
        %add3A_184 = arith.addi %while3A_146, %add3A_183 : i32
        %add3A_185 = arith.constant 1 : i32
        %add3A_186 = arith.addi %while3A_146, %add3A_185 : i32
        %rem3A_187 = arith.constant 4 : i32
        %rem3A_188 = arith.remsi %add3A_186, %rem3A_187 : i32
        %mul3A_189 = arith.constant 32 : i32
        %mul3A_190 = arith.muli %mul3A_189, %add3A_184 : i32
        %add3A_191 = arith.addi %add3A, %mul3A_190 : i32
        %mul3A_192 = arith.constant 128 : i32
        %mul3A_193 = arith.muli %add3A_191, %mul3A_192 : i32
        %dma_wait3A_194 = arith.constant 0 : i32
        %dma_wait3A_195 = arith.constant 0 : i32
        %dma_wait3A_196 = tpu.memref_slice %arg7[%rem3A_188, %dma_wait3A_194, %dma_wait3A_195] : memref<4x2x128xi32, #tpu.memory_space<vmem>> -> memref<1x2x128xi32, #tpu.memory_space<vmem>>
        %dma_wait3A_197 = tpu.memref_squeeze %dma_wait3A_196 : memref<1x2x128xi32, #tpu.memory_space<vmem>> -> memref<2x128xi32, #tpu.memory_space<vmem>>
        %dma_wait3A_198 = arith.constant 0 : i32
        %dma_wait3A_199 = tpu.memref_slice %arg3[%dma_wait3A_198, %mul3A_193] : memref<2x320000xi32, #tpu.memory_space<hbm>> -> memref<2x128xi32, #tpu.memory_space<hbm>>
        %dma_wait3A_200 = tpu.memref_slice %arg10[%rem3A_188] : memref<4x!tpu.dma_semaphore, #tpu.memory_space<semaphore_mem>> -> memref<1x!tpu.dma_semaphore, #tpu.memory_space<semaphore_mem>>
        %dma_wait3A_201 = tpu.memref_squeeze %dma_wait3A_200 : memref<1x!tpu.dma_semaphore, #tpu.memory_space<semaphore_mem>> -> memref<!tpu.dma_semaphore, #tpu.memory_space<semaphore_mem>>
        %dma_wait3A_202 = arith.constant 0 : i32
        %dma_wait3A_203 = arith.constant 0 : i32
        %dma_wait3A_204 = tpu.memref_slice %arg7[%rem3A_188, %dma_wait3A_202, %dma_wait3A_203] : memref<4x2x128xi32, #tpu.memory_space<vmem>> -> memref<1x2x128xi32, #tpu.memory_space<vmem>>
        %dma_wait3A_205 = tpu.memref_squeeze %dma_wait3A_204 : memref<1x2x128xi32, #tpu.memory_space<vmem>> -> memref<2x128xi32, #tpu.memory_space<vmem>>
        %dma_wait3A_206 = arith.constant 0 : i32
        %dma_wait3A_207 = tpu.memref_slice %arg3[%dma_wait3A_206, %mul3A_193] : memref<2x320000xi32, #tpu.memory_space<hbm>> -> memref<2x128xi32, #tpu.memory_space<hbm>>
        tpu.wait_dma2 semaphore(%dma_wait3A_201 : memref<!tpu.dma_semaphore, #tpu.memory_space<semaphore_mem>>) src(%dma_wait3A_207 : memref<2x128xi32, #tpu.memory_space<hbm>>) dst(%dma_wait3A_205 : memref<2x128xi32, #tpu.memory_space<vmem>>)
        %add3A_208 = arith.constant 1 : i32
        %add3A_209 = arith.addi %while3A_146, %add3A_208 : i32
        %sub3A_210 = arith.constant 1 : i32
        %sub3A_211 = arith.subi %sub3A_210, %rem3A_148 : i32
        %rem3A_212 = arith.constant 4 : i32
        %rem3A_213 = arith.remsi %add3A_209, %rem3A_212 : i32
        %dma_start3A_214 = arith.constant 0 : i32
        %dma_start3A_215 = arith.constant 0 : i32
        %dma_start3A_216 = tpu.memref_slice %arg8[%sub3A_211, %dma_start3A_215] : memref<2x128xf32, #tpu.memory_space<vmem>> -> memref<1x128xf32, #tpu.memory_space<vmem>>
        %dma_start3A_217 = tpu.memref_squeeze %dma_start3A_216 : memref<1x128xf32, #tpu.memory_space<vmem>> -> memref<128xf32, #tpu.memory_space<vmem>>
        %dma_start3A_218 = arith.constant 0 : i32
        %dma_start3A_219 = tpu.memref_slice %arg7[%rem3A_213, %dma_start3A_214, %dma_start3A_218] : memref<4x2x128xi32, #tpu.memory_space<vmem>> -> memref<1x1x128xi32, #tpu.memory_space<vmem>>
        %dma_start3A_220 = tpu.memref_squeeze %dma_start3A_219 : memref<1x1x128xi32, #tpu.memory_space<vmem>> -> memref<128xi32, #tpu.memory_space<vmem>>
        %dma_start3A_221 = arith.constant 0 : i32
        %dma_start3A_222 = tpu.memref_slice %arg6[%dma_start3A_221] : memref<10240xf32, #tpu.memory_space<vmem_shared>> -> memref<10240xf32, #tpu.memory_space<vmem_shared>>
        %dma_start3A_223 = tpu.memref_slice %arg11[%sub3A_211] : memref<2x!tpu.dma_semaphore, #tpu.memory_space<semaphore_mem>> -> memref<1x!tpu.dma_semaphore, #tpu.memory_space<semaphore_mem>>
        %dma_start3A_224 = tpu.memref_squeeze %dma_start3A_223 : memref<1x!tpu.dma_semaphore, #tpu.memory_space<semaphore_mem>> -> memref<!tpu.dma_semaphore, #tpu.memory_space<semaphore_mem>>
        tpu.enqueue_indirect_dma source(%dma_start3A_222 : memref<10240xf32, #tpu.memory_space<vmem_shared>>) target(%dma_start3A_217 : memref<128xf32, #tpu.memory_space<vmem>>) offsets(%dma_start3A_220 : memref<128xi32, #tpu.memory_space<vmem>>) semaphore(%dma_start3A_224 : memref<!tpu.dma_semaphore, #tpu.memory_space<semaphore_mem>>)
      } else {
      }
    }
    %sub3A = arith.constant 1 : i32
    %sub3A_127 = arith.subi %select_n3A, %sub3A : i32
    %sub3A_128 = arith.constant 1 : i32
    %sub3A_129 = arith.subi %select_n3A, %sub3A_128 : i32
    %rem3A_130 = arith.constant 2 : i32
    %rem3A_131 = arith.remsi %sub3A_129, %rem3A_130 : i32
    %rem3A_132 = arith.constant 4 : i32
    %rem3A_133 = arith.remsi %sub3A_127, %rem3A_132 : i32
    %dma_wait3A_134 = arith.constant 1 : i32
    %dma_wait3A_135 = arith.constant 0 : i32
    %dma_wait3A_136 = tpu.memref_slice %arg8[%rem3A_131, %dma_wait3A_135] : memref<2x128xf32, #tpu.memory_space<vmem>> -> memref<1x128xf32, #tpu.memory_space<vmem>>
    %dma_wait3A_137 = tpu.memref_squeeze %dma_wait3A_136 : memref<1x128xf32, #tpu.memory_space<vmem>> -> memref<128xf32, #tpu.memory_space<vmem>>
    %dma_wait3A_138 = arith.constant 0 : i32
    %dma_wait3A_139 = tpu.memref_slice %arg7[%rem3A_133, %dma_wait3A_134, %dma_wait3A_138] : memref<4x2x128xi32, #tpu.memory_space<vmem>> -> memref<1x1x128xi32, #tpu.memory_space<vmem>>
    %dma_wait3A_140 = tpu.memref_squeeze %dma_wait3A_139 : memref<1x1x128xi32, #tpu.memory_space<vmem>> -> memref<128xi32, #tpu.memory_space<vmem>>
    %dma_wait3A_141 = arith.constant 0 : i32
    %dma_wait3A_142 = tpu.memref_slice %arg9[%dma_wait3A_141] : memref<10240xf32, #tpu.memory_space<vmem_shared>> -> memref<10240xf32, #tpu.memory_space<vmem_shared>>
    %dma_wait3A_143 = tpu.memref_slice %arg12[%rem3A_131] : memref<2x!tpu.dma_semaphore, #tpu.memory_space<semaphore_mem>> -> memref<1x!tpu.dma_semaphore, #tpu.memory_space<semaphore_mem>>
    %dma_wait3A_144 = tpu.memref_squeeze %dma_wait3A_143 : memref<1x!tpu.dma_semaphore, #tpu.memory_space<semaphore_mem>> -> memref<!tpu.dma_semaphore, #tpu.memory_space<semaphore_mem>>
    tpu.wait_indirect_dma semaphore(%dma_wait3A_144 : memref<!tpu.dma_semaphore, #tpu.memory_space<semaphore_mem>>) src(%dma_wait3A_137 : memref<128xf32, #tpu.memory_space<vmem>>) dst(%dma_wait3A_142 : memref<10240xf32, #tpu.memory_space<vmem_shared>>)
    %barrier3A_145 = arith.constant 0 : index
    tpu.barrier barrier_id(%barrier3A_145)
    "tpu.region"() ({
      %run_scoped3A = tpu.sem_alloc : memref<!tpu.dma_semaphore, #tpu.memory_space<semaphore_mem>>
      %dma_start3A_146 = tpu.memref_slice %arg5[%arg0, %mul3A_4] : memref<2x10240xf32, #tpu.memory_space<hbm>> -> memref<1x640xf32, #tpu.memory_space<hbm>>
      %dma_start3A_147 = tpu.memref_squeeze %dma_start3A_146 : memref<1x640xf32, #tpu.memory_space<hbm>> -> memref<640xf32, #tpu.memory_space<hbm>>
      %dma_start3A_148 = tpu.memref_slice %arg9[%mul3A_4] : memref<10240xf32, #tpu.memory_space<vmem_shared>> -> memref<640xf32, #tpu.memory_space<vmem_shared>>
      tpu.enqueue_dma source(%dma_start3A_148 : memref<640xf32, #tpu.memory_space<vmem_shared>>) target(%dma_start3A_147 : memref<640xf32, #tpu.memory_space<hbm>>) target_semaphore(%run_scoped3A : memref<!tpu.dma_semaphore, #tpu.memory_space<semaphore_mem>>)
      %dma_wait3A_149 = tpu.memref_slice %arg5[%arg0, %mul3A_4] : memref<2x10240xf32, #tpu.memory_space<hbm>> -> memref<1x640xf32, #tpu.memory_space<hbm>>
      %dma_wait3A_150 = tpu.memref_squeeze %dma_wait3A_149 : memref<1x640xf32, #tpu.memory_space<hbm>> -> memref<640xf32, #tpu.memory_space<hbm>>
      %dma_wait3A_151 = tpu.memref_slice %arg9[%mul3A_4] : memref<10240xf32, #tpu.memory_space<vmem_shared>> -> memref<640xf32, #tpu.memory_space<vmem_shared>>
      tpu.wait_dma2 semaphore(%run_scoped3A : memref<!tpu.dma_semaphore, #tpu.memory_space<semaphore_mem>>) src(%dma_wait3A_151 : memref<640xf32, #tpu.memory_space<vmem_shared>>) dst(%dma_wait3A_150 : memref<640xf32, #tpu.memory_space<hbm>>)
      tpu.yield
    }) : () -> ()
    return
  }
}

#map = affine_map<(d0, d1) -> (0, 0)>
module attributes {stable_mosaic.version = 14 : i64} {
  func.func @body(%arg0: i32, %arg1: i32, %arg2: memref<10240x128xf32, #tpu.memory_space<hbm>>, %arg3: memref<2x320000xi32, #tpu.memory_space<hbm>>, %arg4: memref<640x128xf32, #tpu.memory_space<hbm>>, %arg5: memref<10240x128xf32, #tpu.memory_space<hbm>>, %arg6: memref<10240x128xf32, #tpu.memory_space<hbm>>, %arg7: memref<4x2x128xi32, #tpu.memory_space<vmem>>, %arg8: memref<2x128x128xf32, #tpu.memory_space<vmem>>, %arg9: memref<10240x128xf32, #tpu.memory_space<vmem_shared>>, %arg10: memref<4x!tpu.dma_semaphore, #tpu.memory_space<semaphore_mem>>, %arg11: memref<2x!tpu.dma_semaphore, #tpu.memory_space<semaphore_mem>>, %arg12: memref<2x!tpu.dma_semaphore, #tpu.memory_space<semaphore_mem>>) attributes {dimension_semantics = [#tpu.dimension_semantics<core_parallel>, #tpu.dimension_semantics<subcore_parallel>], iteration_bounds = array<i64: 2, 16>, scalar_prefetch = 0 : i64, scratch_operands = 6 : i64, tpu.core_type = #tpu.core_type<sc_vector_subcore>, window_params = [{transform_indices = #map}, {transform_indices = #map}, {transform_indices = #map}, {transform_indices = #map}, {transform_indices = #map}]} {
    %mul3A = arith.constant 2 : i32
    %mul3A_0 = arith.muli %arg1, %mul3A : i32
    %add3A = arith.addi %mul3A_0, %arg0 : i32
    %lt3A = arith.constant 4 : i32
    %lt3A_1 = arith.cmpi slt, %add3A, %lt3A : i32
    %jit3A = arith.constant 79 : i32
    %jit3A_2 = arith.constant 78 : i32
    %select_n3A = arith.select %lt3A_1, %jit3A, %jit3A_2 : i32
    %mul3A_3 = arith.constant 640 : i32
    %mul3A_4 = arith.muli %arg1, %mul3A_3 : i32
    "tpu.region"() ({
      %run_scoped3A = tpu.sem_alloc : memref<!tpu.dma_semaphore, #tpu.memory_space<semaphore_mem>>
      %dma_start3A_157 = arith.constant 0 : i32
      %dma_start3A_158 = tpu.memref_slice %arg9[%mul3A_4, %dma_start3A_157] : memref<10240x128xf32, #tpu.memory_space<vmem_shared>> -> memref<640x128xf32, #tpu.memory_space<vmem_shared>>
      tpu.enqueue_dma source(%arg4 : memref<640x128xf32, #tpu.memory_space<hbm>>) target(%dma_start3A_158 : memref<640x128xf32, #tpu.memory_space<vmem_shared>>) target_semaphore(%run_scoped3A : memref<!tpu.dma_semaphore, #tpu.memory_space<semaphore_mem>>)
      %dma_wait3A_159 = arith.constant 0 : i32
      %dma_wait3A_160 = tpu.memref_slice %arg9[%mul3A_4, %dma_wait3A_159] : memref<10240x128xf32, #tpu.memory_space<vmem_shared>> -> memref<640x128xf32, #tpu.memory_space<vmem_shared>>
      tpu.wait_dma2 semaphore(%run_scoped3A : memref<!tpu.dma_semaphore, #tpu.memory_space<semaphore_mem>>) src(%arg4 : memref<640x128xf32, #tpu.memory_space<hbm>>) dst(%dma_wait3A_160 : memref<640x128xf32, #tpu.memory_space<vmem_shared>>)
      tpu.yield
    }) : () -> ()
    %barrier3A = arith.constant 0 : index
    tpu.barrier barrier_id(%barrier3A)
    %add3A_5 = arith.constant 0 : i32
    %add3A_6 = arith.addi %add3A, %add3A_5 : i32
    %mul3A_7 = arith.constant 128 : i32
    %mul3A_8 = arith.muli %add3A_6, %mul3A_7 : i32
    %dma_start3A = arith.constant 0 : i32
    %dma_start3A_9 = arith.constant 0 : i32
    %dma_start3A_10 = arith.constant 0 : i32
    %dma_start3A_11 = arith.constant 0 : i32
    %dma_start3A_12 = tpu.memref_slice %arg7[%dma_start3A, %dma_start3A_10, %dma_start3A_11] : memref<4x2x128xi32, #tpu.memory_space<vmem>> -> memref<1x2x128xi32, #tpu.memory_space<vmem>>
    %dma_start3A_13 = tpu.memref_squeeze %dma_start3A_12 : memref<1x2x128xi32, #tpu.memory_space<vmem>> -> memref<2x128xi32, #tpu.memory_space<vmem>>
    %dma_start3A_14 = arith.constant 0 : i32
    %dma_start3A_15 = tpu.memref_slice %arg3[%dma_start3A_14, %mul3A_8] : memref<2x320000xi32, #tpu.memory_space<hbm>> -> memref<2x128xi32, #tpu.memory_space<hbm>>
    %dma_start3A_16 = tpu.memref_slice %arg10[%dma_start3A_9] : memref<4x!tpu.dma_semaphore, #tpu.memory_space<semaphore_mem>> -> memref<1x!tpu.dma_semaphore, #tpu.memory_space<semaphore_mem>>
    %dma_start3A_17 = tpu.memref_squeeze %dma_start3A_16 : memref<1x!tpu.dma_semaphore, #tpu.memory_space<semaphore_mem>> -> memref<!tpu.dma_semaphore, #tpu.memory_space<semaphore_mem>>
    %dma_start3A_18 = arith.constant 0 : i32
    %dma_start3A_19 = arith.constant 0 : i32
    %dma_start3A_20 = tpu.memref_slice %arg7[%dma_start3A, %dma_start3A_18, %dma_start3A_19] : memref<4x2x128xi32, #tpu.memory_space<vmem>> -> memref<1x2x128xi32, #tpu.memory_space<vmem>>
    %dma_start3A_21 = tpu.memref_squeeze %dma_start3A_20 : memref<1x2x128xi32, #tpu.memory_space<vmem>> -> memref<2x128xi32, #tpu.memory_space<vmem>>
    %dma_start3A_22 = arith.constant 0 : i32
    %dma_start3A_23 = tpu.memref_slice %arg3[%dma_start3A_22, %mul3A_8] : memref<2x320000xi32, #tpu.memory_space<hbm>> -> memref<2x128xi32, #tpu.memory_space<hbm>>
    tpu.enqueue_dma source(%dma_start3A_23 : memref<2x128xi32, #tpu.memory_space<hbm>>) target(%dma_start3A_21 : memref<2x128xi32, #tpu.memory_space<vmem>>) target_semaphore(%dma_start3A_17 : memref<!tpu.dma_semaphore, #tpu.memory_space<semaphore_mem>>)
    %add3A_24 = arith.constant 32 : i32
    %add3A_25 = arith.addi %add3A, %add3A_24 : i32
    %mul3A_26 = arith.constant 128 : i32
    %mul3A_27 = arith.muli %add3A_25, %mul3A_26 : i32
    %dma_start3A_28 = arith.constant 1 : i32
    %dma_start3A_29 = arith.constant 1 : i32
    %dma_start3A_30 = arith.constant 0 : i32
    %dma_start3A_31 = arith.constant 0 : i32
    %dma_start3A_32 = tpu.memref_slice %arg7[%dma_start3A_28, %dma_start3A_30, %dma_start3A_31] : memref<4x2x128xi32, #tpu.memory_space<vmem>> -> memref<1x2x128xi32, #tpu.memory_space<vmem>>
    %dma_start3A_33 = tpu.memref_squeeze %dma_start3A_32 : memref<1x2x128xi32, #tpu.memory_space<vmem>> -> memref<2x128xi32, #tpu.memory_space<vmem>>
    %dma_start3A_34 = arith.constant 0 : i32
    %dma_start3A_35 = tpu.memref_slice %arg3[%dma_start3A_34, %mul3A_27] : memref<2x320000xi32, #tpu.memory_space<hbm>> -> memref<2x128xi32, #tpu.memory_space<hbm>>
    %dma_start3A_36 = tpu.memref_slice %arg10[%dma_start3A_29] : memref<4x!tpu.dma_semaphore, #tpu.memory_space<semaphore_mem>> -> memref<1x!tpu.dma_semaphore, #tpu.memory_space<semaphore_mem>>
    %dma_start3A_37 = tpu.memref_squeeze %dma_start3A_36 : memref<1x!tpu.dma_semaphore, #tpu.memory_space<semaphore_mem>> -> memref<!tpu.dma_semaphore, #tpu.memory_space<semaphore_mem>>
    %dma_start3A_38 = arith.constant 0 : i32
    %dma_start3A_39 = arith.constant 0 : i32
    %dma_start3A_40 = tpu.memref_slice %arg7[%dma_start3A_28, %dma_start3A_38, %dma_start3A_39] : memref<4x2x128xi32, #tpu.memory_space<vmem>> -> memref<1x2x128xi32, #tpu.memory_space<vmem>>
    %dma_start3A_41 = tpu.memref_squeeze %dma_start3A_40 : memref<1x2x128xi32, #tpu.memory_space<vmem>> -> memref<2x128xi32, #tpu.memory_space<vmem>>
    %dma_start3A_42 = arith.constant 0 : i32
    %dma_start3A_43 = tpu.memref_slice %arg3[%dma_start3A_42, %mul3A_27] : memref<2x320000xi32, #tpu.memory_space<hbm>> -> memref<2x128xi32, #tpu.memory_space<hbm>>
    tpu.enqueue_dma source(%dma_start3A_43 : memref<2x128xi32, #tpu.memory_space<hbm>>) target(%dma_start3A_41 : memref<2x128xi32, #tpu.memory_space<vmem>>) target_semaphore(%dma_start3A_37 : memref<!tpu.dma_semaphore, #tpu.memory_space<semaphore_mem>>)
    %add3A_44 = arith.constant 64 : i32
    %add3A_45 = arith.addi %add3A, %add3A_44 : i32
    %mul3A_46 = arith.constant 128 : i32
    %mul3A_47 = arith.muli %add3A_45, %mul3A_46 : i32
    %dma_start3A_48 = arith.constant 2 : i32
    %dma_start3A_49 = arith.constant 2 : i32
    %dma_start3A_50 = arith.constant 0 : i32
    %dma_start3A_51 = arith.constant 0 : i32
    %dma_start3A_52 = tpu.memref_slice %arg7[%dma_start3A_48, %dma_start3A_50, %dma_start3A_51] : memref<4x2x128xi32, #tpu.memory_space<vmem>> -> memref<1x2x128xi32, #tpu.memory_space<vmem>>
    %dma_start3A_53 = tpu.memref_squeeze %dma_start3A_52 : memref<1x2x128xi32, #tpu.memory_space<vmem>> -> memref<2x128xi32, #tpu.memory_space<vmem>>
    %dma_start3A_54 = arith.constant 0 : i32
    %dma_start3A_55 = tpu.memref_slice %arg3[%dma_start3A_54, %mul3A_47] : memref<2x320000xi32, #tpu.memory_space<hbm>> -> memref<2x128xi32, #tpu.memory_space<hbm>>
    %dma_start3A_56 = tpu.memref_slice %arg10[%dma_start3A_49] : memref<4x!tpu.dma_semaphore, #tpu.memory_space<semaphore_mem>> -> memref<1x!tpu.dma_semaphore, #tpu.memory_space<semaphore_mem>>
    %dma_start3A_57 = tpu.memref_squeeze %dma_start3A_56 : memref<1x!tpu.dma_semaphore, #tpu.memory_space<semaphore_mem>> -> memref<!tpu.dma_semaphore, #tpu.memory_space<semaphore_mem>>
    %dma_start3A_58 = arith.constant 0 : i32
    %dma_start3A_59 = arith.constant 0 : i32
    %dma_start3A_60 = tpu.memref_slice %arg7[%dma_start3A_48, %dma_start3A_58, %dma_start3A_59] : memref<4x2x128xi32, #tpu.memory_space<vmem>> -> memref<1x2x128xi32, #tpu.memory_space<vmem>>
    %dma_start3A_61 = tpu.memref_squeeze %dma_start3A_60 : memref<1x2x128xi32, #tpu.memory_space<vmem>> -> memref<2x128xi32, #tpu.memory_space<vmem>>
    %dma_start3A_62 = arith.constant 0 : i32
    %dma_start3A_63 = tpu.memref_slice %arg3[%dma_start3A_62, %mul3A_47] : memref<2x320000xi32, #tpu.memory_space<hbm>> -> memref<2x128xi32, #tpu.memory_space<hbm>>
    tpu.enqueue_dma source(%dma_start3A_63 : memref<2x128xi32, #tpu.memory_space<hbm>>) target(%dma_start3A_61 : memref<2x128xi32, #tpu.memory_space<vmem>>) target_semaphore(%dma_start3A_57 : memref<!tpu.dma_semaphore, #tpu.memory_space<semaphore_mem>>)
    %add3A_64 = arith.constant 96 : i32
    %add3A_65 = arith.addi %add3A, %add3A_64 : i32
    %mul3A_66 = arith.constant 128 : i32
    %mul3A_67 = arith.muli %add3A_65, %mul3A_66 : i32
    %dma_start3A_68 = arith.constant 3 : i32
    %dma_start3A_69 = arith.constant 3 : i32
    %dma_start3A_70 = arith.constant 0 : i32
    %dma_start3A_71 = arith.constant 0 : i32
    %dma_start3A_72 = tpu.memref_slice %arg7[%dma_start3A_68, %dma_start3A_70, %dma_start3A_71] : memref<4x2x128xi32, #tpu.memory_space<vmem>> -> memref<1x2x128xi32, #tpu.memory_space<vmem>>
    %dma_start3A_73 = tpu.memref_squeeze %dma_start3A_72 : memref<1x2x128xi32, #tpu.memory_space<vmem>> -> memref<2x128xi32, #tpu.memory_space<vmem>>
    %dma_start3A_74 = arith.constant 0 : i32
    %dma_start3A_75 = tpu.memref_slice %arg3[%dma_start3A_74, %mul3A_67] : memref<2x320000xi32, #tpu.memory_space<hbm>> -> memref<2x128xi32, #tpu.memory_space<hbm>>
    %dma_start3A_76 = tpu.memref_slice %arg10[%dma_start3A_69] : memref<4x!tpu.dma_semaphore, #tpu.memory_space<semaphore_mem>> -> memref<1x!tpu.dma_semaphore, #tpu.memory_space<semaphore_mem>>
    %dma_start3A_77 = tpu.memref_squeeze %dma_start3A_76 : memref<1x!tpu.dma_semaphore, #tpu.memory_space<semaphore_mem>> -> memref<!tpu.dma_semaphore, #tpu.memory_space<semaphore_mem>>
    %dma_start3A_78 = arith.constant 0 : i32
    %dma_start3A_79 = arith.constant 0 : i32
    %dma_start3A_80 = tpu.memref_slice %arg7[%dma_start3A_68, %dma_start3A_78, %dma_start3A_79] : memref<4x2x128xi32, #tpu.memory_space<vmem>> -> memref<1x2x128xi32, #tpu.memory_space<vmem>>
    %dma_start3A_81 = tpu.memref_squeeze %dma_start3A_80 : memref<1x2x128xi32, #tpu.memory_space<vmem>> -> memref<2x128xi32, #tpu.memory_space<vmem>>
    %dma_start3A_82 = arith.constant 0 : i32
    %dma_start3A_83 = tpu.memref_slice %arg3[%dma_start3A_82, %mul3A_67] : memref<2x320000xi32, #tpu.memory_space<hbm>> -> memref<2x128xi32, #tpu.memory_space<hbm>>
    tpu.enqueue_dma source(%dma_start3A_83 : memref<2x128xi32, #tpu.memory_space<hbm>>) target(%dma_start3A_81 : memref<2x128xi32, #tpu.memory_space<vmem>>) target_semaphore(%dma_start3A_77 : memref<!tpu.dma_semaphore, #tpu.memory_space<semaphore_mem>>)
    %add3A_84 = arith.constant 0 : i32
    %add3A_85 = arith.addi %add3A, %add3A_84 : i32
    %mul3A_86 = arith.constant 128 : i32
    %mul3A_87 = arith.muli %add3A_85, %mul3A_86 : i32
    %dma_wait3A = arith.constant 0 : i32
    %dma_wait3A_88 = arith.constant 0 : i32
    %dma_wait3A_89 = arith.constant 0 : i32
    %dma_wait3A_90 = arith.constant 0 : i32
    %dma_wait3A_91 = tpu.memref_slice %arg7[%dma_wait3A, %dma_wait3A_89, %dma_wait3A_90] : memref<4x2x128xi32, #tpu.memory_space<vmem>> -> memref<1x2x128xi32, #tpu.memory_space<vmem>>
    %dma_wait3A_92 = tpu.memref_squeeze %dma_wait3A_91 : memref<1x2x128xi32, #tpu.memory_space<vmem>> -> memref<2x128xi32, #tpu.memory_space<vmem>>
    %dma_wait3A_93 = arith.constant 0 : i32
    %dma_wait3A_94 = tpu.memref_slice %arg3[%dma_wait3A_93, %mul3A_87] : memref<2x320000xi32, #tpu.memory_space<hbm>> -> memref<2x128xi32, #tpu.memory_space<hbm>>
    %dma_wait3A_95 = tpu.memref_slice %arg10[%dma_wait3A_88] : memref<4x!tpu.dma_semaphore, #tpu.memory_space<semaphore_mem>> -> memref<1x!tpu.dma_semaphore, #tpu.memory_space<semaphore_mem>>
    %dma_wait3A_96 = tpu.memref_squeeze %dma_wait3A_95 : memref<1x!tpu.dma_semaphore, #tpu.memory_space<semaphore_mem>> -> memref<!tpu.dma_semaphore, #tpu.memory_space<semaphore_mem>>
    %dma_wait3A_97 = arith.constant 0 : i32
    %dma_wait3A_98 = arith.constant 0 : i32
    %dma_wait3A_99 = tpu.memref_slice %arg7[%dma_wait3A, %dma_wait3A_97, %dma_wait3A_98] : memref<4x2x128xi32, #tpu.memory_space<vmem>> -> memref<1x2x128xi32, #tpu.memory_space<vmem>>
    %dma_wait3A_100 = tpu.memref_squeeze %dma_wait3A_99 : memref<1x2x128xi32, #tpu.memory_space<vmem>> -> memref<2x128xi32, #tpu.memory_space<vmem>>
    %dma_wait3A_101 = arith.constant 0 : i32
    %dma_wait3A_102 = tpu.memref_slice %arg3[%dma_wait3A_101, %mul3A_87] : memref<2x320000xi32, #tpu.memory_space<hbm>> -> memref<2x128xi32, #tpu.memory_space<hbm>>
    tpu.wait_dma2 semaphore(%dma_wait3A_96 : memref<!tpu.dma_semaphore, #tpu.memory_space<semaphore_mem>>) src(%dma_wait3A_102 : memref<2x128xi32, #tpu.memory_space<hbm>>) dst(%dma_wait3A_100 : memref<2x128xi32, #tpu.memory_space<vmem>>)
    %rem3A = arith.constant 0 : i32
    %rem3A_103 = arith.constant 4 : i32
    %rem3A_104 = arith.remsi %rem3A, %rem3A_103 : i32
    %dma_start3A_105 = arith.constant 0 : i32
    %dma_start3A_106 = arith.constant 0 : i32
    %dma_start3A_107 = arith.constant 0 : i32
    %dma_start3A_108 = arith.constant 0 : i32
    %dma_start3A_109 = arith.constant 0 : i32
    %dma_start3A_110 = tpu.memref_slice %arg8[%dma_start3A_106, %dma_start3A_108, %dma_start3A_109] : memref<2x128x128xf32, #tpu.memory_space<vmem>> -> memref<1x128x128xf32, #tpu.memory_space<vmem>>
    %dma_start3A_111 = tpu.memref_squeeze %dma_start3A_110 : memref<1x128x128xf32, #tpu.memory_space<vmem>> -> memref<128x128xf32, #tpu.memory_space<vmem>>
    %dma_start3A_112 = arith.constant 0 : i32
    %dma_start3A_113 = tpu.memref_slice %arg7[%rem3A_104, %dma_start3A_105, %dma_start3A_112] : memref<4x2x128xi32, #tpu.memory_space<vmem>> -> memref<1x1x128xi32, #tpu.memory_space<vmem>>
    %dma_start3A_114 = tpu.memref_squeeze %dma_start3A_113 : memref<1x1x128xi32, #tpu.memory_space<vmem>> -> memref<128xi32, #tpu.memory_space<vmem>>
    %dma_start3A_115 = arith.constant 0 : i32
    %dma_start3A_116 = arith.constant 0 : i32
    %dma_start3A_117 = tpu.memref_slice %arg2[%dma_start3A_115, %dma_start3A_116] : memref<10240x128xf32, #tpu.memory_space<hbm>> -> memref<10240x128xf32, #tpu.memory_space<hbm>>
    %dma_start3A_118 = tpu.memref_slice %arg11[%dma_start3A_107] : memref<2x!tpu.dma_semaphore, #tpu.memory_space<semaphore_mem>> -> memref<1x!tpu.dma_semaphore, #tpu.memory_space<semaphore_mem>>
    %dma_start3A_119 = tpu.memref_squeeze %dma_start3A_118 : memref<1x!tpu.dma_semaphore, #tpu.memory_space<semaphore_mem>> -> memref<!tpu.dma_semaphore, #tpu.memory_space<semaphore_mem>>
    tpu.enqueue_indirect_dma source(%dma_start3A_117 : memref<10240x128xf32, #tpu.memory_space<hbm>>) target(%dma_start3A_111 : memref<128x128xf32, #tpu.memory_space<vmem>>) offsets(%dma_start3A_114 : memref<128xi32, #tpu.memory_space<vmem>>) semaphore(%dma_start3A_119 : memref<!tpu.dma_semaphore, #tpu.memory_space<semaphore_mem>>)
    %while3A = arith.constant 0 : i32
    %while3A_120 = arith.constant 0 : i32
    %while3A_121 = arith.subi %select_n3A, %while3A_120 : i32
    %while3A_122 = arith.addi %while3A_120, %while3A_121 : i32
    %while3A_123 = arith.constant 1 : i32
    %while3A_124 = arith.divsi %while3A_121, %while3A_123 : i32
    %while3A_125 = arith.muli %while3A_124, %while3A_123 : i32
    %while3A_126 = arith.addi %while3A_120, %while3A_125 : i32
    %while3A_127 = arith.constant 1 : i32
    scf.for %while3A_157 = %while3A_120 to %while3A_126 step %while3A_127  : i32 {
      %rem3A_158 = arith.constant 2 : i32
      %rem3A_159 = arith.remsi %while3A_157, %rem3A_158 : i32
      %rem3A_160 = arith.constant 4 : i32
      %rem3A_161 = arith.remsi %while3A_157, %rem3A_160 : i32
      %dma_wait3A_162 = arith.constant 0 : i32
      %dma_wait3A_163 = arith.constant 0 : i32
      %dma_wait3A_164 = arith.constant 0 : i32
      %dma_wait3A_165 = tpu.memref_slice %arg8[%rem3A_159, %dma_wait3A_163, %dma_wait3A_164] : memref<2x128x128xf32, #tpu.memory_space<vmem>> -> memref<1x128x128xf32, #tpu.memory_space<vmem>>
      %dma_wait3A_166 = tpu.memref_squeeze %dma_wait3A_165 : memref<1x128x128xf32, #tpu.memory_space<vmem>> -> memref<128x128xf32, #tpu.memory_space<vmem>>
      %dma_wait3A_167 = arith.constant 0 : i32
      %dma_wait3A_168 = tpu.memref_slice %arg7[%rem3A_161, %dma_wait3A_162, %dma_wait3A_167] : memref<4x2x128xi32, #tpu.memory_space<vmem>> -> memref<1x1x128xi32, #tpu.memory_space<vmem>>
      %dma_wait3A_169 = tpu.memref_squeeze %dma_wait3A_168 : memref<1x1x128xi32, #tpu.memory_space<vmem>> -> memref<128xi32, #tpu.memory_space<vmem>>
      %dma_wait3A_170 = arith.constant 0 : i32
      %dma_wait3A_171 = arith.constant 0 : i32
      %dma_wait3A_172 = tpu.memref_slice %arg2[%dma_wait3A_170, %dma_wait3A_171] : memref<10240x128xf32, #tpu.memory_space<hbm>> -> memref<10240x128xf32, #tpu.memory_space<hbm>>
      %dma_wait3A_173 = tpu.memref_slice %arg11[%rem3A_159] : memref<2x!tpu.dma_semaphore, #tpu.memory_space<semaphore_mem>> -> memref<1x!tpu.dma_semaphore, #tpu.memory_space<semaphore_mem>>
      %dma_wait3A_174 = tpu.memref_squeeze %dma_wait3A_173 : memref<1x!tpu.dma_semaphore, #tpu.memory_space<semaphore_mem>> -> memref<!tpu.dma_semaphore, #tpu.memory_space<semaphore_mem>>
      tpu.wait_indirect_dma semaphore(%dma_wait3A_174 : memref<!tpu.dma_semaphore, #tpu.memory_space<semaphore_mem>>) src(%dma_wait3A_172 : memref<10240x128xf32, #tpu.memory_space<hbm>>) dst(%dma_wait3A_166 : memref<128x128xf32, #tpu.memory_space<vmem>>)
      %rem3A_175 = arith.constant 4 : i32
      %rem3A_176 = arith.remsi %while3A_157, %rem3A_175 : i32
      %dma_start3A_177 = arith.constant 1 : i32
      %dma_start3A_178 = arith.constant 0 : i32
      %dma_start3A_179 = arith.constant 0 : i32
      %dma_start3A_180 = tpu.memref_slice %arg8[%rem3A_159, %dma_start3A_178, %dma_start3A_179] : memref<2x128x128xf32, #tpu.memory_space<vmem>> -> memref<1x128x128xf32, #tpu.memory_space<vmem>>
      %dma_start3A_181 = tpu.memref_squeeze %dma_start3A_180 : memref<1x128x128xf32, #tpu.memory_space<vmem>> -> memref<128x128xf32, #tpu.memory_space<vmem>>
      %dma_start3A_182 = arith.constant 0 : i32
      %dma_start3A_183 = tpu.memref_slice %arg7[%rem3A_176, %dma_start3A_177, %dma_start3A_182] : memref<4x2x128xi32, #tpu.memory_space<vmem>> -> memref<1x1x128xi32, #tpu.memory_space<vmem>>
      %dma_start3A_184 = tpu.memref_squeeze %dma_start3A_183 : memref<1x1x128xi32, #tpu.memory_space<vmem>> -> memref<128xi32, #tpu.memory_space<vmem>>
      %dma_start3A_185 = arith.constant 0 : i32
      %dma_start3A_186 = arith.constant 0 : i32
      %dma_start3A_187 = tpu.memref_slice %arg9[%dma_start3A_185, %dma_start3A_186] : memref<10240x128xf32, #tpu.memory_space<vmem_shared>> -> memref<10240x128xf32, #tpu.memory_space<vmem_shared>>
      %dma_start3A_188 = tpu.memref_slice %arg12[%rem3A_159] : memref<2x!tpu.dma_semaphore, #tpu.memory_space<semaphore_mem>> -> memref<1x!tpu.dma_semaphore, #tpu.memory_space<semaphore_mem>>
      %dma_start3A_189 = tpu.memref_squeeze %dma_start3A_188 : memref<1x!tpu.dma_semaphore, #tpu.memory_space<semaphore_mem>> -> memref<!tpu.dma_semaphore, #tpu.memory_space<semaphore_mem>>
      tpu.enqueue_indirect_dma source(%dma_start3A_181 : memref<128x128xf32, #tpu.memory_space<vmem>>) target(%dma_start3A_187 : memref<10240x128xf32, #tpu.memory_space<vmem_shared>>) offsets(%dma_start3A_184 : memref<128xi32, #tpu.memory_space<vmem>>) semaphore(%dma_start3A_189 : memref<!tpu.dma_semaphore, #tpu.memory_space<semaphore_mem>>) {add = true}
      %ge3A = arith.constant 1 : i32
      %ge3A_190 = arith.cmpi sge, %while3A_157, %ge3A : i32
      %convert_element_type3A_191 = arith.extui %ge3A_190 : i1 to i32
      %cond3A_192 = arith.constant 0 : i32
      %cond3A_193 = arith.cmpi ne, %convert_element_type3A_191, %cond3A_192 : i32
      scf.if %cond3A_193 {
        %sub3A_200 = arith.constant 1 : i32
        %sub3A_201 = arith.subi %while3A_157, %sub3A_200 : i32
        %sub3A_202 = arith.constant 1 : i32
        %sub3A_203 = arith.subi %sub3A_202, %rem3A_159 : i32
        %rem3A_204 = arith.constant 4 : i32
        %rem3A_205 = arith.remsi %sub3A_201, %rem3A_204 : i32
        %dma_wait3A_206 = arith.constant 1 : i32
        %dma_wait3A_207 = arith.constant 0 : i32
        %dma_wait3A_208 = arith.constant 0 : i32
        %dma_wait3A_209 = tpu.memref_slice %arg8[%sub3A_203, %dma_wait3A_207, %dma_wait3A_208] : memref<2x128x128xf32, #tpu.memory_space<vmem>> -> memref<1x128x128xf32, #tpu.memory_space<vmem>>
        %dma_wait3A_210 = tpu.memref_squeeze %dma_wait3A_209 : memref<1x128x128xf32, #tpu.memory_space<vmem>> -> memref<128x128xf32, #tpu.memory_space<vmem>>
        %dma_wait3A_211 = arith.constant 0 : i32
        %dma_wait3A_212 = tpu.memref_slice %arg7[%rem3A_205, %dma_wait3A_206, %dma_wait3A_211] : memref<4x2x128xi32, #tpu.memory_space<vmem>> -> memref<1x1x128xi32, #tpu.memory_space<vmem>>
        %dma_wait3A_213 = tpu.memref_squeeze %dma_wait3A_212 : memref<1x1x128xi32, #tpu.memory_space<vmem>> -> memref<128xi32, #tpu.memory_space<vmem>>
        %dma_wait3A_214 = arith.constant 0 : i32
        %dma_wait3A_215 = arith.constant 0 : i32
        %dma_wait3A_216 = tpu.memref_slice %arg9[%dma_wait3A_214, %dma_wait3A_215] : memref<10240x128xf32, #tpu.memory_space<vmem_shared>> -> memref<10240x128xf32, #tpu.memory_space<vmem_shared>>
        %dma_wait3A_217 = tpu.memref_slice %arg12[%sub3A_203] : memref<2x!tpu.dma_semaphore, #tpu.memory_space<semaphore_mem>> -> memref<1x!tpu.dma_semaphore, #tpu.memory_space<semaphore_mem>>
        %dma_wait3A_218 = tpu.memref_squeeze %dma_wait3A_217 : memref<1x!tpu.dma_semaphore, #tpu.memory_space<semaphore_mem>> -> memref<!tpu.dma_semaphore, #tpu.memory_space<semaphore_mem>>
        tpu.wait_indirect_dma semaphore(%dma_wait3A_218 : memref<!tpu.dma_semaphore, #tpu.memory_space<semaphore_mem>>) src(%dma_wait3A_210 : memref<128x128xf32, #tpu.memory_space<vmem>>) dst(%dma_wait3A_216 : memref<10240x128xf32, #tpu.memory_space<vmem_shared>>)
        %sub3A_219 = arith.constant 1 : i32
        %sub3A_220 = arith.subi %while3A_157, %sub3A_219 : i32
        %add3A_221 = arith.constant 4 : i32
        %add3A_222 = arith.addi %sub3A_220, %add3A_221 : i32
        %lt3A_223 = arith.cmpi slt, %add3A_222, %select_n3A : i32
        %convert_element_type3A_224 = arith.extui %lt3A_223 : i1 to i32
        %cond3A_225 = arith.constant 0 : i32
        %cond3A_226 = arith.cmpi ne, %convert_element_type3A_224, %cond3A_225 : i32
        scf.if %cond3A_226 {
          %sub3A_227 = arith.constant 1 : i32
          %sub3A_228 = arith.subi %while3A_157, %sub3A_227 : i32
          %add3A_229 = arith.constant 4 : i32
          %add3A_230 = arith.addi %sub3A_228, %add3A_229 : i32
          %sub3A_231 = arith.constant 1 : i32
          %sub3A_232 = arith.subi %while3A_157, %sub3A_231 : i32
          %rem3A_233 = arith.constant 4 : i32
          %rem3A_234 = arith.remsi %sub3A_232, %rem3A_233 : i32
          %mul3A_235 = arith.constant 32 : i32
          %mul3A_236 = arith.muli %mul3A_235, %add3A_230 : i32
          %add3A_237 = arith.addi %add3A, %mul3A_236 : i32
          %mul3A_238 = arith.constant 128 : i32
          %mul3A_239 = arith.muli %add3A_237, %mul3A_238 : i32
          %dma_start3A_240 = arith.constant 0 : i32
          %dma_start3A_241 = arith.constant 0 : i32
          %dma_start3A_242 = tpu.memref_slice %arg7[%rem3A_234, %dma_start3A_240, %dma_start3A_241] : memref<4x2x128xi32, #tpu.memory_space<vmem>> -> memref<1x2x128xi32, #tpu.memory_space<vmem>>
          %dma_start3A_243 = tpu.memref_squeeze %dma_start3A_242 : memref<1x2x128xi32, #tpu.memory_space<vmem>> -> memref<2x128xi32, #tpu.memory_space<vmem>>
          %dma_start3A_244 = arith.constant 0 : i32
          %dma_start3A_245 = tpu.memref_slice %arg3[%dma_start3A_244, %mul3A_239] : memref<2x320000xi32, #tpu.memory_space<hbm>> -> memref<2x128xi32, #tpu.memory_space<hbm>>
          %dma_start3A_246 = tpu.memref_slice %arg10[%rem3A_234] : memref<4x!tpu.dma_semaphore, #tpu.memory_space<semaphore_mem>> -> memref<1x!tpu.dma_semaphore, #tpu.memory_space<semaphore_mem>>
          %dma_start3A_247 = tpu.memref_squeeze %dma_start3A_246 : memref<1x!tpu.dma_semaphore, #tpu.memory_space<semaphore_mem>> -> memref<!tpu.dma_semaphore, #tpu.memory_space<semaphore_mem>>
          %dma_start3A_248 = arith.constant 0 : i32
          %dma_start3A_249 = arith.constant 0 : i32
          %dma_start3A_250 = tpu.memref_slice %arg7[%rem3A_234, %dma_start3A_248, %dma_start3A_249] : memref<4x2x128xi32, #tpu.memory_space<vmem>> -> memref<1x2x128xi32, #tpu.memory_space<vmem>>
          %dma_start3A_251 = tpu.memref_squeeze %dma_start3A_250 : memref<1x2x128xi32, #tpu.memory_space<vmem>> -> memref<2x128xi32, #tpu.memory_space<vmem>>
          %dma_start3A_252 = arith.constant 0 : i32
          %dma_start3A_253 = tpu.memref_slice %arg3[%dma_start3A_252, %mul3A_239] : memref<2x320000xi32, #tpu.memory_space<hbm>> -> memref<2x128xi32, #tpu.memory_space<hbm>>
          tpu.enqueue_dma source(%dma_start3A_253 : memref<2x128xi32, #tpu.memory_space<hbm>>) target(%dma_start3A_251 : memref<2x128xi32, #tpu.memory_space<vmem>>) target_semaphore(%dma_start3A_247 : memref<!tpu.dma_semaphore, #tpu.memory_space<semaphore_mem>>)
        } else {
        }
      } else {
      }
      %add3A_194 = arith.constant 1 : i32
      %add3A_195 = arith.addi %while3A_157, %add3A_194 : i32
      %lt3A_196 = arith.cmpi slt, %add3A_195, %select_n3A : i32
      %convert_element_type3A_197 = arith.extui %lt3A_196 : i1 to i32
      %cond3A_198 = arith.constant 0 : i32
      %cond3A_199 = arith.cmpi ne, %convert_element_type3A_197, %cond3A_198 : i32
      scf.if %cond3A_199 {
        %add3A_200 = arith.constant 1 : i32
        %add3A_201 = arith.addi %while3A_157, %add3A_200 : i32
        %add3A_202 = arith.constant 1 : i32
        %add3A_203 = arith.addi %while3A_157, %add3A_202 : i32
        %rem3A_204 = arith.constant 4 : i32
        %rem3A_205 = arith.remsi %add3A_203, %rem3A_204 : i32
        %mul3A_206 = arith.constant 32 : i32
        %mul3A_207 = arith.muli %mul3A_206, %add3A_201 : i32
        %add3A_208 = arith.addi %add3A, %mul3A_207 : i32
        %mul3A_209 = arith.constant 128 : i32
        %mul3A_210 = arith.muli %add3A_208, %mul3A_209 : i32
        %dma_wait3A_211 = arith.constant 0 : i32
        %dma_wait3A_212 = arith.constant 0 : i32
        %dma_wait3A_213 = tpu.memref_slice %arg7[%rem3A_205, %dma_wait3A_211, %dma_wait3A_212] : memref<4x2x128xi32, #tpu.memory_space<vmem>> -> memref<1x2x128xi32, #tpu.memory_space<vmem>>
        %dma_wait3A_214 = tpu.memref_squeeze %dma_wait3A_213 : memref<1x2x128xi32, #tpu.memory_space<vmem>> -> memref<2x128xi32, #tpu.memory_space<vmem>>
        %dma_wait3A_215 = arith.constant 0 : i32
        %dma_wait3A_216 = tpu.memref_slice %arg3[%dma_wait3A_215, %mul3A_210] : memref<2x320000xi32, #tpu.memory_space<hbm>> -> memref<2x128xi32, #tpu.memory_space<hbm>>
        %dma_wait3A_217 = tpu.memref_slice %arg10[%rem3A_205] : memref<4x!tpu.dma_semaphore, #tpu.memory_space<semaphore_mem>> -> memref<1x!tpu.dma_semaphore, #tpu.memory_space<semaphore_mem>>
        %dma_wait3A_218 = tpu.memref_squeeze %dma_wait3A_217 : memref<1x!tpu.dma_semaphore, #tpu.memory_space<semaphore_mem>> -> memref<!tpu.dma_semaphore, #tpu.memory_space<semaphore_mem>>
        %dma_wait3A_219 = arith.constant 0 : i32
        %dma_wait3A_220 = arith.constant 0 : i32
        %dma_wait3A_221 = tpu.memref_slice %arg7[%rem3A_205, %dma_wait3A_219, %dma_wait3A_220] : memref<4x2x128xi32, #tpu.memory_space<vmem>> -> memref<1x2x128xi32, #tpu.memory_space<vmem>>
        %dma_wait3A_222 = tpu.memref_squeeze %dma_wait3A_221 : memref<1x2x128xi32, #tpu.memory_space<vmem>> -> memref<2x128xi32, #tpu.memory_space<vmem>>
        %dma_wait3A_223 = arith.constant 0 : i32
        %dma_wait3A_224 = tpu.memref_slice %arg3[%dma_wait3A_223, %mul3A_210] : memref<2x320000xi32, #tpu.memory_space<hbm>> -> memref<2x128xi32, #tpu.memory_space<hbm>>
        tpu.wait_dma2 semaphore(%dma_wait3A_218 : memref<!tpu.dma_semaphore, #tpu.memory_space<semaphore_mem>>) src(%dma_wait3A_224 : memref<2x128xi32, #tpu.memory_space<hbm>>) dst(%dma_wait3A_222 : memref<2x128xi32, #tpu.memory_space<vmem>>)
        %add3A_225 = arith.constant 1 : i32
        %add3A_226 = arith.addi %while3A_157, %add3A_225 : i32
        %sub3A_227 = arith.constant 1 : i32
        %sub3A_228 = arith.subi %sub3A_227, %rem3A_159 : i32
        %rem3A_229 = arith.constant 4 : i32
        %rem3A_230 = arith.remsi %add3A_226, %rem3A_229 : i32
        %dma_start3A_231 = arith.constant 0 : i32
        %dma_start3A_232 = arith.constant 0 : i32
        %dma_start3A_233 = arith.constant 0 : i32
        %dma_start3A_234 = tpu.memref_slice %arg8[%sub3A_228, %dma_start3A_232, %dma_start3A_233] : memref<2x128x128xf32, #tpu.memory_space<vmem>> -> memref<1x128x128xf32, #tpu.memory_space<vmem>>
        %dma_start3A_235 = tpu.memref_squeeze %dma_start3A_234 : memref<1x128x128xf32, #tpu.memory_space<vmem>> -> memref<128x128xf32, #tpu.memory_space<vmem>>
        %dma_start3A_236 = arith.constant 0 : i32
        %dma_start3A_237 = tpu.memref_slice %arg7[%rem3A_230, %dma_start3A_231, %dma_start3A_236] : memref<4x2x128xi32, #tpu.memory_space<vmem>> -> memref<1x1x128xi32, #tpu.memory_space<vmem>>
        %dma_start3A_238 = tpu.memref_squeeze %dma_start3A_237 : memref<1x1x128xi32, #tpu.memory_space<vmem>> -> memref<128xi32, #tpu.memory_space<vmem>>
        %dma_start3A_239 = arith.constant 0 : i32
        %dma_start3A_240 = arith.constant 0 : i32
        %dma_start3A_241 = tpu.memref_slice %arg2[%dma_start3A_239, %dma_start3A_240] : memref<10240x128xf32, #tpu.memory_space<hbm>> -> memref<10240x128xf32, #tpu.memory_space<hbm>>
        %dma_start3A_242 = tpu.memref_slice %arg11[%sub3A_228] : memref<2x!tpu.dma_semaphore, #tpu.memory_space<semaphore_mem>> -> memref<1x!tpu.dma_semaphore, #tpu.memory_space<semaphore_mem>>
        %dma_start3A_243 = tpu.memref_squeeze %dma_start3A_242 : memref<1x!tpu.dma_semaphore, #tpu.memory_space<semaphore_mem>> -> memref<!tpu.dma_semaphore, #tpu.memory_space<semaphore_mem>>
        tpu.enqueue_indirect_dma source(%dma_start3A_241 : memref<10240x128xf32, #tpu.memory_space<hbm>>) target(%dma_start3A_235 : memref<128x128xf32, #tpu.memory_space<vmem>>) offsets(%dma_start3A_238 : memref<128xi32, #tpu.memory_space<vmem>>) semaphore(%dma_start3A_243 : memref<!tpu.dma_semaphore, #tpu.memory_space<semaphore_mem>>)
      } else {
      }
    }
    %while3A_128 = arith.constant 1 : i32
    scf.for %while3A_157 = %while3A_126 to %while3A_122 step %while3A_128  : i32 {
      %rem3A_158 = arith.constant 2 : i32
      %rem3A_159 = arith.remsi %while3A_157, %rem3A_158 : i32
      %rem3A_160 = arith.constant 4 : i32
      %rem3A_161 = arith.remsi %while3A_157, %rem3A_160 : i32
      %dma_wait3A_162 = arith.constant 0 : i32
      %dma_wait3A_163 = arith.constant 0 : i32
      %dma_wait3A_164 = arith.constant 0 : i32
      %dma_wait3A_165 = tpu.memref_slice %arg8[%rem3A_159, %dma_wait3A_163, %dma_wait3A_164] : memref<2x128x128xf32, #tpu.memory_space<vmem>> -> memref<1x128x128xf32, #tpu.memory_space<vmem>>
      %dma_wait3A_166 = tpu.memref_squeeze %dma_wait3A_165 : memref<1x128x128xf32, #tpu.memory_space<vmem>> -> memref<128x128xf32, #tpu.memory_space<vmem>>
      %dma_wait3A_167 = arith.constant 0 : i32
      %dma_wait3A_168 = tpu.memref_slice %arg7[%rem3A_161, %dma_wait3A_162, %dma_wait3A_167] : memref<4x2x128xi32, #tpu.memory_space<vmem>> -> memref<1x1x128xi32, #tpu.memory_space<vmem>>
      %dma_wait3A_169 = tpu.memref_squeeze %dma_wait3A_168 : memref<1x1x128xi32, #tpu.memory_space<vmem>> -> memref<128xi32, #tpu.memory_space<vmem>>
      %dma_wait3A_170 = arith.constant 0 : i32
      %dma_wait3A_171 = arith.constant 0 : i32
      %dma_wait3A_172 = tpu.memref_slice %arg2[%dma_wait3A_170, %dma_wait3A_171] : memref<10240x128xf32, #tpu.memory_space<hbm>> -> memref<10240x128xf32, #tpu.memory_space<hbm>>
      %dma_wait3A_173 = tpu.memref_slice %arg11[%rem3A_159] : memref<2x!tpu.dma_semaphore, #tpu.memory_space<semaphore_mem>> -> memref<1x!tpu.dma_semaphore, #tpu.memory_space<semaphore_mem>>
      %dma_wait3A_174 = tpu.memref_squeeze %dma_wait3A_173 : memref<1x!tpu.dma_semaphore, #tpu.memory_space<semaphore_mem>> -> memref<!tpu.dma_semaphore, #tpu.memory_space<semaphore_mem>>
      tpu.wait_indirect_dma semaphore(%dma_wait3A_174 : memref<!tpu.dma_semaphore, #tpu.memory_space<semaphore_mem>>) src(%dma_wait3A_172 : memref<10240x128xf32, #tpu.memory_space<hbm>>) dst(%dma_wait3A_166 : memref<128x128xf32, #tpu.memory_space<vmem>>)
      %rem3A_175 = arith.constant 4 : i32
      %rem3A_176 = arith.remsi %while3A_157, %rem3A_175 : i32
      %dma_start3A_177 = arith.constant 1 : i32
      %dma_start3A_178 = arith.constant 0 : i32
      %dma_start3A_179 = arith.constant 0 : i32
      %dma_start3A_180 = tpu.memref_slice %arg8[%rem3A_159, %dma_start3A_178, %dma_start3A_179] : memref<2x128x128xf32, #tpu.memory_space<vmem>> -> memref<1x128x128xf32, #tpu.memory_space<vmem>>
      %dma_start3A_181 = tpu.memref_squeeze %dma_start3A_180 : memref<1x128x128xf32, #tpu.memory_space<vmem>> -> memref<128x128xf32, #tpu.memory_space<vmem>>
      %dma_start3A_182 = arith.constant 0 : i32
      %dma_start3A_183 = tpu.memref_slice %arg7[%rem3A_176, %dma_start3A_177, %dma_start3A_182] : memref<4x2x128xi32, #tpu.memory_space<vmem>> -> memref<1x1x128xi32, #tpu.memory_space<vmem>>
      %dma_start3A_184 = tpu.memref_squeeze %dma_start3A_183 : memref<1x1x128xi32, #tpu.memory_space<vmem>> -> memref<128xi32, #tpu.memory_space<vmem>>
      %dma_start3A_185 = arith.constant 0 : i32
      %dma_start3A_186 = arith.constant 0 : i32
      %dma_start3A_187 = tpu.memref_slice %arg9[%dma_start3A_185, %dma_start3A_186] : memref<10240x128xf32, #tpu.memory_space<vmem_shared>> -> memref<10240x128xf32, #tpu.memory_space<vmem_shared>>
      %dma_start3A_188 = tpu.memref_slice %arg12[%rem3A_159] : memref<2x!tpu.dma_semaphore, #tpu.memory_space<semaphore_mem>> -> memref<1x!tpu.dma_semaphore, #tpu.memory_space<semaphore_mem>>
      %dma_start3A_189 = tpu.memref_squeeze %dma_start3A_188 : memref<1x!tpu.dma_semaphore, #tpu.memory_space<semaphore_mem>> -> memref<!tpu.dma_semaphore, #tpu.memory_space<semaphore_mem>>
      tpu.enqueue_indirect_dma source(%dma_start3A_181 : memref<128x128xf32, #tpu.memory_space<vmem>>) target(%dma_start3A_187 : memref<10240x128xf32, #tpu.memory_space<vmem_shared>>) offsets(%dma_start3A_184 : memref<128xi32, #tpu.memory_space<vmem>>) semaphore(%dma_start3A_189 : memref<!tpu.dma_semaphore, #tpu.memory_space<semaphore_mem>>) {add = true}
      %ge3A = arith.constant 1 : i32
      %ge3A_190 = arith.cmpi sge, %while3A_157, %ge3A : i32
      %convert_element_type3A_191 = arith.extui %ge3A_190 : i1 to i32
      %cond3A_192 = arith.constant 0 : i32
      %cond3A_193 = arith.cmpi ne, %convert_element_type3A_191, %cond3A_192 : i32
      scf.if %cond3A_193 {
        %sub3A_200 = arith.constant 1 : i32
        %sub3A_201 = arith.subi %while3A_157, %sub3A_200 : i32
        %sub3A_202 = arith.constant 1 : i32
        %sub3A_203 = arith.subi %sub3A_202, %rem3A_159 : i32
        %rem3A_204 = arith.constant 4 : i32
        %rem3A_205 = arith.remsi %sub3A_201, %rem3A_204 : i32
        %dma_wait3A_206 = arith.constant 1 : i32
        %dma_wait3A_207 = arith.constant 0 : i32
        %dma_wait3A_208 = arith.constant 0 : i32
        %dma_wait3A_209 = tpu.memref_slice %arg8[%sub3A_203, %dma_wait3A_207, %dma_wait3A_208] : memref<2x128x128xf32, #tpu.memory_space<vmem>> -> memref<1x128x128xf32, #tpu.memory_space<vmem>>
        %dma_wait3A_210 = tpu.memref_squeeze %dma_wait3A_209 : memref<1x128x128xf32, #tpu.memory_space<vmem>> -> memref<128x128xf32, #tpu.memory_space<vmem>>
        %dma_wait3A_211 = arith.constant 0 : i32
        %dma_wait3A_212 = tpu.memref_slice %arg7[%rem3A_205, %dma_wait3A_206, %dma_wait3A_211] : memref<4x2x128xi32, #tpu.memory_space<vmem>> -> memref<1x1x128xi32, #tpu.memory_space<vmem>>
        %dma_wait3A_213 = tpu.memref_squeeze %dma_wait3A_212 : memref<1x1x128xi32, #tpu.memory_space<vmem>> -> memref<128xi32, #tpu.memory_space<vmem>>
        %dma_wait3A_214 = arith.constant 0 : i32
        %dma_wait3A_215 = arith.constant 0 : i32
        %dma_wait3A_216 = tpu.memref_slice %arg9[%dma_wait3A_214, %dma_wait3A_215] : memref<10240x128xf32, #tpu.memory_space<vmem_shared>> -> memref<10240x128xf32, #tpu.memory_space<vmem_shared>>
        %dma_wait3A_217 = tpu.memref_slice %arg12[%sub3A_203] : memref<2x!tpu.dma_semaphore, #tpu.memory_space<semaphore_mem>> -> memref<1x!tpu.dma_semaphore, #tpu.memory_space<semaphore_mem>>
        %dma_wait3A_218 = tpu.memref_squeeze %dma_wait3A_217 : memref<1x!tpu.dma_semaphore, #tpu.memory_space<semaphore_mem>> -> memref<!tpu.dma_semaphore, #tpu.memory_space<semaphore_mem>>
        tpu.wait_indirect_dma semaphore(%dma_wait3A_218 : memref<!tpu.dma_semaphore, #tpu.memory_space<semaphore_mem>>) src(%dma_wait3A_210 : memref<128x128xf32, #tpu.memory_space<vmem>>) dst(%dma_wait3A_216 : memref<10240x128xf32, #tpu.memory_space<vmem_shared>>)
        %sub3A_219 = arith.constant 1 : i32
        %sub3A_220 = arith.subi %while3A_157, %sub3A_219 : i32
        %add3A_221 = arith.constant 4 : i32
        %add3A_222 = arith.addi %sub3A_220, %add3A_221 : i32
        %lt3A_223 = arith.cmpi slt, %add3A_222, %select_n3A : i32
        %convert_element_type3A_224 = arith.extui %lt3A_223 : i1 to i32
        %cond3A_225 = arith.constant 0 : i32
        %cond3A_226 = arith.cmpi ne, %convert_element_type3A_224, %cond3A_225 : i32
        scf.if %cond3A_226 {
          %sub3A_227 = arith.constant 1 : i32
          %sub3A_228 = arith.subi %while3A_157, %sub3A_227 : i32
          %add3A_229 = arith.constant 4 : i32
          %add3A_230 = arith.addi %sub3A_228, %add3A_229 : i32
          %sub3A_231 = arith.constant 1 : i32
          %sub3A_232 = arith.subi %while3A_157, %sub3A_231 : i32
          %rem3A_233 = arith.constant 4 : i32
          %rem3A_234 = arith.remsi %sub3A_232, %rem3A_233 : i32
          %mul3A_235 = arith.constant 32 : i32
          %mul3A_236 = arith.muli %mul3A_235, %add3A_230 : i32
          %add3A_237 = arith.addi %add3A, %mul3A_236 : i32
          %mul3A_238 = arith.constant 128 : i32
          %mul3A_239 = arith.muli %add3A_237, %mul3A_238 : i32
          %dma_start3A_240 = arith.constant 0 : i32
          %dma_start3A_241 = arith.constant 0 : i32
          %dma_start3A_242 = tpu.memref_slice %arg7[%rem3A_234, %dma_start3A_240, %dma_start3A_241] : memref<4x2x128xi32, #tpu.memory_space<vmem>> -> memref<1x2x128xi32, #tpu.memory_space<vmem>>
          %dma_start3A_243 = tpu.memref_squeeze %dma_start3A_242 : memref<1x2x128xi32, #tpu.memory_space<vmem>> -> memref<2x128xi32, #tpu.memory_space<vmem>>
          %dma_start3A_244 = arith.constant 0 : i32
          %dma_start3A_245 = tpu.memref_slice %arg3[%dma_start3A_244, %mul3A_239] : memref<2x320000xi32, #tpu.memory_space<hbm>> -> memref<2x128xi32, #tpu.memory_space<hbm>>
          %dma_start3A_246 = tpu.memref_slice %arg10[%rem3A_234] : memref<4x!tpu.dma_semaphore, #tpu.memory_space<semaphore_mem>> -> memref<1x!tpu.dma_semaphore, #tpu.memory_space<semaphore_mem>>
          %dma_start3A_247 = tpu.memref_squeeze %dma_start3A_246 : memref<1x!tpu.dma_semaphore, #tpu.memory_space<semaphore_mem>> -> memref<!tpu.dma_semaphore, #tpu.memory_space<semaphore_mem>>
          %dma_start3A_248 = arith.constant 0 : i32
          %dma_start3A_249 = arith.constant 0 : i32
          %dma_start3A_250 = tpu.memref_slice %arg7[%rem3A_234, %dma_start3A_248, %dma_start3A_249] : memref<4x2x128xi32, #tpu.memory_space<vmem>> -> memref<1x2x128xi32, #tpu.memory_space<vmem>>
          %dma_start3A_251 = tpu.memref_squeeze %dma_start3A_250 : memref<1x2x128xi32, #tpu.memory_space<vmem>> -> memref<2x128xi32, #tpu.memory_space<vmem>>
          %dma_start3A_252 = arith.constant 0 : i32
          %dma_start3A_253 = tpu.memref_slice %arg3[%dma_start3A_252, %mul3A_239] : memref<2x320000xi32, #tpu.memory_space<hbm>> -> memref<2x128xi32, #tpu.memory_space<hbm>>
          tpu.enqueue_dma source(%dma_start3A_253 : memref<2x128xi32, #tpu.memory_space<hbm>>) target(%dma_start3A_251 : memref<2x128xi32, #tpu.memory_space<vmem>>) target_semaphore(%dma_start3A_247 : memref<!tpu.dma_semaphore, #tpu.memory_space<semaphore_mem>>)
        } else {
        }
      } else {
      }
      %add3A_194 = arith.constant 1 : i32
      %add3A_195 = arith.addi %while3A_157, %add3A_194 : i32
      %lt3A_196 = arith.cmpi slt, %add3A_195, %select_n3A : i32
      %convert_element_type3A_197 = arith.extui %lt3A_196 : i1 to i32
      %cond3A_198 = arith.constant 0 : i32
      %cond3A_199 = arith.cmpi ne, %convert_element_type3A_197, %cond3A_198 : i32
      scf.if %cond3A_199 {
        %add3A_200 = arith.constant 1 : i32
        %add3A_201 = arith.addi %while3A_157, %add3A_200 : i32
        %add3A_202 = arith.constant 1 : i32
        %add3A_203 = arith.addi %while3A_157, %add3A_202 : i32
        %rem3A_204 = arith.constant 4 : i32
        %rem3A_205 = arith.remsi %add3A_203, %rem3A_204 : i32
        %mul3A_206 = arith.constant 32 : i32
        %mul3A_207 = arith.muli %mul3A_206, %add3A_201 : i32
        %add3A_208 = arith.addi %add3A, %mul3A_207 : i32
        %mul3A_209 = arith.constant 128 : i32
        %mul3A_210 = arith.muli %add3A_208, %mul3A_209 : i32
        %dma_wait3A_211 = arith.constant 0 : i32
        %dma_wait3A_212 = arith.constant 0 : i32
        %dma_wait3A_213 = tpu.memref_slice %arg7[%rem3A_205, %dma_wait3A_211, %dma_wait3A_212] : memref<4x2x128xi32, #tpu.memory_space<vmem>> -> memref<1x2x128xi32, #tpu.memory_space<vmem>>
        %dma_wait3A_214 = tpu.memref_squeeze %dma_wait3A_213 : memref<1x2x128xi32, #tpu.memory_space<vmem>> -> memref<2x128xi32, #tpu.memory_space<vmem>>
        %dma_wait3A_215 = arith.constant 0 : i32
        %dma_wait3A_216 = tpu.memref_slice %arg3[%dma_wait3A_215, %mul3A_210] : memref<2x320000xi32, #tpu.memory_space<hbm>> -> memref<2x128xi32, #tpu.memory_space<hbm>>
        %dma_wait3A_217 = tpu.memref_slice %arg10[%rem3A_205] : memref<4x!tpu.dma_semaphore, #tpu.memory_space<semaphore_mem>> -> memref<1x!tpu.dma_semaphore, #tpu.memory_space<semaphore_mem>>
        %dma_wait3A_218 = tpu.memref_squeeze %dma_wait3A_217 : memref<1x!tpu.dma_semaphore, #tpu.memory_space<semaphore_mem>> -> memref<!tpu.dma_semaphore, #tpu.memory_space<semaphore_mem>>
        %dma_wait3A_219 = arith.constant 0 : i32
        %dma_wait3A_220 = arith.constant 0 : i32
        %dma_wait3A_221 = tpu.memref_slice %arg7[%rem3A_205, %dma_wait3A_219, %dma_wait3A_220] : memref<4x2x128xi32, #tpu.memory_space<vmem>> -> memref<1x2x128xi32, #tpu.memory_space<vmem>>
        %dma_wait3A_222 = tpu.memref_squeeze %dma_wait3A_221 : memref<1x2x128xi32, #tpu.memory_space<vmem>> -> memref<2x128xi32, #tpu.memory_space<vmem>>
        %dma_wait3A_223 = arith.constant 0 : i32
        %dma_wait3A_224 = tpu.memref_slice %arg3[%dma_wait3A_223, %mul3A_210] : memref<2x320000xi32, #tpu.memory_space<hbm>> -> memref<2x128xi32, #tpu.memory_space<hbm>>
        tpu.wait_dma2 semaphore(%dma_wait3A_218 : memref<!tpu.dma_semaphore, #tpu.memory_space<semaphore_mem>>) src(%dma_wait3A_224 : memref<2x128xi32, #tpu.memory_space<hbm>>) dst(%dma_wait3A_222 : memref<2x128xi32, #tpu.memory_space<vmem>>)
        %add3A_225 = arith.constant 1 : i32
        %add3A_226 = arith.addi %while3A_157, %add3A_225 : i32
        %sub3A_227 = arith.constant 1 : i32
        %sub3A_228 = arith.subi %sub3A_227, %rem3A_159 : i32
        %rem3A_229 = arith.constant 4 : i32
        %rem3A_230 = arith.remsi %add3A_226, %rem3A_229 : i32
        %dma_start3A_231 = arith.constant 0 : i32
        %dma_start3A_232 = arith.constant 0 : i32
        %dma_start3A_233 = arith.constant 0 : i32
        %dma_start3A_234 = tpu.memref_slice %arg8[%sub3A_228, %dma_start3A_232, %dma_start3A_233] : memref<2x128x128xf32, #tpu.memory_space<vmem>> -> memref<1x128x128xf32, #tpu.memory_space<vmem>>
        %dma_start3A_235 = tpu.memref_squeeze %dma_start3A_234 : memref<1x128x128xf32, #tpu.memory_space<vmem>> -> memref<128x128xf32, #tpu.memory_space<vmem>>
        %dma_start3A_236 = arith.constant 0 : i32
        %dma_start3A_237 = tpu.memref_slice %arg7[%rem3A_230, %dma_start3A_231, %dma_start3A_236] : memref<4x2x128xi32, #tpu.memory_space<vmem>> -> memref<1x1x128xi32, #tpu.memory_space<vmem>>
        %dma_start3A_238 = tpu.memref_squeeze %dma_start3A_237 : memref<1x1x128xi32, #tpu.memory_space<vmem>> -> memref<128xi32, #tpu.memory_space<vmem>>
        %dma_start3A_239 = arith.constant 0 : i32
        %dma_start3A_240 = arith.constant 0 : i32
        %dma_start3A_241 = tpu.memref_slice %arg2[%dma_start3A_239, %dma_start3A_240] : memref<10240x128xf32, #tpu.memory_space<hbm>> -> memref<10240x128xf32, #tpu.memory_space<hbm>>
        %dma_start3A_242 = tpu.memref_slice %arg11[%sub3A_228] : memref<2x!tpu.dma_semaphore, #tpu.memory_space<semaphore_mem>> -> memref<1x!tpu.dma_semaphore, #tpu.memory_space<semaphore_mem>>
        %dma_start3A_243 = tpu.memref_squeeze %dma_start3A_242 : memref<1x!tpu.dma_semaphore, #tpu.memory_space<semaphore_mem>> -> memref<!tpu.dma_semaphore, #tpu.memory_space<semaphore_mem>>
        tpu.enqueue_indirect_dma source(%dma_start3A_241 : memref<10240x128xf32, #tpu.memory_space<hbm>>) target(%dma_start3A_235 : memref<128x128xf32, #tpu.memory_space<vmem>>) offsets(%dma_start3A_238 : memref<128xi32, #tpu.memory_space<vmem>>) semaphore(%dma_start3A_243 : memref<!tpu.dma_semaphore, #tpu.memory_space<semaphore_mem>>)
      } else {
      }
    }
    %sub3A = arith.constant 1 : i32
    %sub3A_129 = arith.subi %select_n3A, %sub3A : i32
    %sub3A_130 = arith.constant 1 : i32
    %sub3A_131 = arith.subi %select_n3A, %sub3A_130 : i32
    %rem3A_132 = arith.constant 2 : i32
    %rem3A_133 = arith.remsi %sub3A_131, %rem3A_132 : i32
    %rem3A_134 = arith.constant 4 : i32
    %rem3A_135 = arith.remsi %sub3A_129, %rem3A_134 : i32
    %dma_wait3A_136 = arith.constant 1 : i32
    %dma_wait3A_137 = arith.constant 0 : i32
    %dma_wait3A_138 = arith.constant 0 : i32
    %dma_wait3A_139 = tpu.memref_slice %arg8[%rem3A_133, %dma_wait3A_137, %dma_wait3A_138] : memref<2x128x128xf32, #tpu.memory_space<vmem>> -> memref<1x128x128xf32, #tpu.memory_space<vmem>>
    %dma_wait3A_140 = tpu.memref_squeeze %dma_wait3A_139 : memref<1x128x128xf32, #tpu.memory_space<vmem>> -> memref<128x128xf32, #tpu.memory_space<vmem>>
    %dma_wait3A_141 = arith.constant 0 : i32
    %dma_wait3A_142 = tpu.memref_slice %arg7[%rem3A_135, %dma_wait3A_136, %dma_wait3A_141] : memref<4x2x128xi32, #tpu.memory_space<vmem>> -> memref<1x1x128xi32, #tpu.memory_space<vmem>>
    %dma_wait3A_143 = tpu.memref_squeeze %dma_wait3A_142 : memref<1x1x128xi32, #tpu.memory_space<vmem>> -> memref<128xi32, #tpu.memory_space<vmem>>
    %dma_wait3A_144 = arith.constant 0 : i32
    %dma_wait3A_145 = arith.constant 0 : i32
    %dma_wait3A_146 = tpu.memref_slice %arg9[%dma_wait3A_144, %dma_wait3A_145] : memref<10240x128xf32, #tpu.memory_space<vmem_shared>> -> memref<10240x128xf32, #tpu.memory_space<vmem_shared>>
    %dma_wait3A_147 = tpu.memref_slice %arg12[%rem3A_133] : memref<2x!tpu.dma_semaphore, #tpu.memory_space<semaphore_mem>> -> memref<1x!tpu.dma_semaphore, #tpu.memory_space<semaphore_mem>>
    %dma_wait3A_148 = tpu.memref_squeeze %dma_wait3A_147 : memref<1x!tpu.dma_semaphore, #tpu.memory_space<semaphore_mem>> -> memref<!tpu.dma_semaphore, #tpu.memory_space<semaphore_mem>>
    tpu.wait_indirect_dma semaphore(%dma_wait3A_148 : memref<!tpu.dma_semaphore, #tpu.memory_space<semaphore_mem>>) src(%dma_wait3A_140 : memref<128x128xf32, #tpu.memory_space<vmem>>) dst(%dma_wait3A_146 : memref<10240x128xf32, #tpu.memory_space<vmem_shared>>)
    %barrier3A_149 = arith.constant 0 : index
    tpu.barrier barrier_id(%barrier3A_149)
    %eq3A = arith.constant 0 : i32
    %eq3A_150 = arith.cmpi eq, %arg0, %eq3A : i32
    %convert_element_type3A = arith.extui %eq3A_150 : i1 to i32
    %cond3A = arith.constant 0 : i32
    %cond3A_151 = arith.cmpi ne, %convert_element_type3A, %cond3A : i32
    scf.if %cond3A_151 {
      "tpu.region"() ({
        %run_scoped3A = tpu.sem_alloc : memref<!tpu.dma_semaphore, #tpu.memory_space<semaphore_mem>>
        %dma_start3A_157 = arith.constant 0 : i32
        %dma_start3A_158 = tpu.memref_slice %arg5[%mul3A_4, %dma_start3A_157] : memref<10240x128xf32, #tpu.memory_space<hbm>> -> memref<640x128xf32, #tpu.memory_space<hbm>>
        %dma_start3A_159 = arith.constant 0 : i32
        %dma_start3A_160 = tpu.memref_slice %arg9[%mul3A_4, %dma_start3A_159] : memref<10240x128xf32, #tpu.memory_space<vmem_shared>> -> memref<640x128xf32, #tpu.memory_space<vmem_shared>>
        tpu.enqueue_dma source(%dma_start3A_160 : memref<640x128xf32, #tpu.memory_space<vmem_shared>>) target(%dma_start3A_158 : memref<640x128xf32, #tpu.memory_space<hbm>>) target_semaphore(%run_scoped3A : memref<!tpu.dma_semaphore, #tpu.memory_space<semaphore_mem>>)
        %dma_wait3A_161 = arith.constant 0 : i32
        %dma_wait3A_162 = tpu.memref_slice %arg5[%mul3A_4, %dma_wait3A_161] : memref<10240x128xf32, #tpu.memory_space<hbm>> -> memref<640x128xf32, #tpu.memory_space<hbm>>
        %dma_wait3A_163 = arith.constant 0 : i32
        %dma_wait3A_164 = tpu.memref_slice %arg9[%mul3A_4, %dma_wait3A_163] : memref<10240x128xf32, #tpu.memory_space<vmem_shared>> -> memref<640x128xf32, #tpu.memory_space<vmem_shared>>
        tpu.wait_dma2 semaphore(%run_scoped3A : memref<!tpu.dma_semaphore, #tpu.memory_space<semaphore_mem>>) src(%dma_wait3A_164 : memref<640x128xf32, #tpu.memory_space<vmem_shared>>) dst(%dma_wait3A_162 : memref<640x128xf32, #tpu.memory_space<hbm>>)
        tpu.yield
      }) : () -> ()
    } else {
    }
    %eq3A_152 = arith.constant 1 : i32
    %eq3A_153 = arith.cmpi eq, %arg0, %eq3A_152 : i32
    %convert_element_type3A_154 = arith.extui %eq3A_153 : i1 to i32
    %cond3A_155 = arith.constant 0 : i32
    %cond3A_156 = arith.cmpi ne, %convert_element_type3A_154, %cond3A_155 : i32
    scf.if %cond3A_156 {
      "tpu.region"() ({
        %run_scoped3A = tpu.sem_alloc : memref<!tpu.dma_semaphore, #tpu.memory_space<semaphore_mem>>
        %dma_start3A_157 = arith.constant 0 : i32
        %dma_start3A_158 = tpu.memref_slice %arg6[%mul3A_4, %dma_start3A_157] : memref<10240x128xf32, #tpu.memory_space<hbm>> -> memref<640x128xf32, #tpu.memory_space<hbm>>
        %dma_start3A_159 = arith.constant 0 : i32
        %dma_start3A_160 = tpu.memref_slice %arg9[%mul3A_4, %dma_start3A_159] : memref<10240x128xf32, #tpu.memory_space<vmem_shared>> -> memref<640x128xf32, #tpu.memory_space<vmem_shared>>
        tpu.enqueue_dma source(%dma_start3A_160 : memref<640x128xf32, #tpu.memory_space<vmem_shared>>) target(%dma_start3A_158 : memref<640x128xf32, #tpu.memory_space<hbm>>) target_semaphore(%run_scoped3A : memref<!tpu.dma_semaphore, #tpu.memory_space<semaphore_mem>>)
        %dma_wait3A_161 = arith.constant 0 : i32
        %dma_wait3A_162 = tpu.memref_slice %arg6[%mul3A_4, %dma_wait3A_161] : memref<10240x128xf32, #tpu.memory_space<hbm>> -> memref<640x128xf32, #tpu.memory_space<hbm>>
        %dma_wait3A_163 = arith.constant 0 : i32
        %dma_wait3A_164 = tpu.memref_slice %arg9[%mul3A_4, %dma_wait3A_163] : memref<10240x128xf32, #tpu.memory_space<vmem_shared>> -> memref<640x128xf32, #tpu.memory_space<vmem_shared>>
        tpu.wait_dma2 semaphore(%run_scoped3A : memref<!tpu.dma_semaphore, #tpu.memory_space<semaphore_mem>>) src(%dma_wait3A_164 : memref<640x128xf32, #tpu.memory_space<vmem_shared>>) dst(%dma_wait3A_162 : memref<640x128xf32, #tpu.memory_space<hbm>>)
        tpu.yield
      }) : () -> ()
    } else {
    }
    return
  }
}

#map = affine_map<(d0, d1) -> (0, 0)>
#map1 = affine_map<(d0, d1) -> (0)>
module attributes {stable_mosaic.version = 14 : i64} {
  func.func @body(%arg0: i32, %arg1: i32, %arg2: memref<2x320000xi32, #tpu.memory_space<hbm>>, %arg3: memref<128xf32, #tpu.memory_space<hbm>>, %arg4: memref<640xf32, #tpu.memory_space<hbm>>, %arg5: memref<2x10240xf32, #tpu.memory_space<hbm>>, %arg6: memref<4x2x128xi32, #tpu.memory_space<vmem>>, %arg7: memref<128xf32, #tpu.memory_space<vmem>>, %arg8: memref<10240xf32, #tpu.memory_space<vmem_shared>>, %arg9: memref<4x!tpu.dma_semaphore, #tpu.memory_space<semaphore_mem>>, %arg10: memref<2x!tpu.dma_semaphore, #tpu.memory_space<semaphore_mem>>) attributes {dimension_semantics = [#tpu.dimension_semantics<core_parallel>, #tpu.dimension_semantics<subcore_parallel>], iteration_bounds = array<i64: 2, 16>, scalar_prefetch = 0 : i64, scratch_operands = 5 : i64, tpu.core_type = #tpu.core_type<sc_vector_subcore>, window_params = [{transform_indices = #map}, {transform_indices = #map1}, {transform_indices = #map1}, {transform_indices = #map}]} {
    %mul3A = arith.constant 2 : i32
    %mul3A_0 = arith.muli %arg1, %mul3A : i32
    %add3A = arith.addi %mul3A_0, %arg0 : i32
    %lt3A = arith.constant 4 : i32
    %lt3A_1 = arith.cmpi slt, %add3A, %lt3A : i32
    %jit3A = arith.constant 79 : i32
    %jit3A_2 = arith.constant 78 : i32
    %select_n3A = arith.select %lt3A_1, %jit3A, %jit3A_2 : i32
    %mul3A_3 = arith.constant 640 : i32
    %mul3A_4 = arith.muli %arg1, %mul3A_3 : i32
    "tpu.region"() ({
      %run_scoped3A = tpu.sem_alloc : memref<!tpu.dma_semaphore, #tpu.memory_space<semaphore_mem>>
      %dma_start3A_107 = tpu.memref_slice %arg8[%mul3A_4] : memref<10240xf32, #tpu.memory_space<vmem_shared>> -> memref<640xf32, #tpu.memory_space<vmem_shared>>
      tpu.enqueue_dma source(%arg4 : memref<640xf32, #tpu.memory_space<hbm>>) target(%dma_start3A_107 : memref<640xf32, #tpu.memory_space<vmem_shared>>) target_semaphore(%run_scoped3A : memref<!tpu.dma_semaphore, #tpu.memory_space<semaphore_mem>>)
      %dma_wait3A_108 = tpu.memref_slice %arg8[%mul3A_4] : memref<10240xf32, #tpu.memory_space<vmem_shared>> -> memref<640xf32, #tpu.memory_space<vmem_shared>>
      tpu.wait_dma2 semaphore(%run_scoped3A : memref<!tpu.dma_semaphore, #tpu.memory_space<semaphore_mem>>) src(%arg4 : memref<640xf32, #tpu.memory_space<hbm>>) dst(%dma_wait3A_108 : memref<640xf32, #tpu.memory_space<vmem_shared>>)
      tpu.yield
    }) : () -> ()
    "tpu.region"() ({
      %run_scoped3A = tpu.sem_alloc : memref<!tpu.dma_semaphore, #tpu.memory_space<semaphore_mem>>
      tpu.enqueue_dma source(%arg3 : memref<128xf32, #tpu.memory_space<hbm>>) target(%arg7 : memref<128xf32, #tpu.memory_space<vmem>>) target_semaphore(%run_scoped3A : memref<!tpu.dma_semaphore, #tpu.memory_space<semaphore_mem>>)
      tpu.wait_dma2 semaphore(%run_scoped3A : memref<!tpu.dma_semaphore, #tpu.memory_space<semaphore_mem>>) src(%arg3 : memref<128xf32, #tpu.memory_space<hbm>>) dst(%arg7 : memref<128xf32, #tpu.memory_space<vmem>>)
      tpu.yield
    }) : () -> ()
    %barrier3A = arith.constant 0 : index
    tpu.barrier barrier_id(%barrier3A)
    %add3A_5 = arith.constant 0 : i32
    %add3A_6 = arith.addi %add3A, %add3A_5 : i32
    %mul3A_7 = arith.constant 128 : i32
    %mul3A_8 = arith.muli %add3A_6, %mul3A_7 : i32
    %dma_start3A = arith.constant 0 : i32
    %dma_start3A_9 = arith.constant 0 : i32
    %dma_start3A_10 = arith.constant 0 : i32
    %dma_start3A_11 = arith.constant 0 : i32
    %dma_start3A_12 = tpu.memref_slice %arg6[%dma_start3A, %dma_start3A_10, %dma_start3A_11] : memref<4x2x128xi32, #tpu.memory_space<vmem>> -> memref<1x2x128xi32, #tpu.memory_space<vmem>>
    %dma_start3A_13 = tpu.memref_squeeze %dma_start3A_12 : memref<1x2x128xi32, #tpu.memory_space<vmem>> -> memref<2x128xi32, #tpu.memory_space<vmem>>
    %dma_start3A_14 = arith.constant 0 : i32
    %dma_start3A_15 = tpu.memref_slice %arg2[%dma_start3A_14, %mul3A_8] : memref<2x320000xi32, #tpu.memory_space<hbm>> -> memref<2x128xi32, #tpu.memory_space<hbm>>
    %dma_start3A_16 = tpu.memref_slice %arg9[%dma_start3A_9] : memref<4x!tpu.dma_semaphore, #tpu.memory_space<semaphore_mem>> -> memref<1x!tpu.dma_semaphore, #tpu.memory_space<semaphore_mem>>
    %dma_start3A_17 = tpu.memref_squeeze %dma_start3A_16 : memref<1x!tpu.dma_semaphore, #tpu.memory_space<semaphore_mem>> -> memref<!tpu.dma_semaphore, #tpu.memory_space<semaphore_mem>>
    %dma_start3A_18 = arith.constant 0 : i32
    %dma_start3A_19 = arith.constant 0 : i32
    %dma_start3A_20 = tpu.memref_slice %arg6[%dma_start3A, %dma_start3A_18, %dma_start3A_19] : memref<4x2x128xi32, #tpu.memory_space<vmem>> -> memref<1x2x128xi32, #tpu.memory_space<vmem>>
    %dma_start3A_21 = tpu.memref_squeeze %dma_start3A_20 : memref<1x2x128xi32, #tpu.memory_space<vmem>> -> memref<2x128xi32, #tpu.memory_space<vmem>>
    %dma_start3A_22 = arith.constant 0 : i32
    %dma_start3A_23 = tpu.memref_slice %arg2[%dma_start3A_22, %mul3A_8] : memref<2x320000xi32, #tpu.memory_space<hbm>> -> memref<2x128xi32, #tpu.memory_space<hbm>>
    tpu.enqueue_dma source(%dma_start3A_23 : memref<2x128xi32, #tpu.memory_space<hbm>>) target(%dma_start3A_21 : memref<2x128xi32, #tpu.memory_space<vmem>>) target_semaphore(%dma_start3A_17 : memref<!tpu.dma_semaphore, #tpu.memory_space<semaphore_mem>>)
    %add3A_24 = arith.constant 32 : i32
    %add3A_25 = arith.addi %add3A, %add3A_24 : i32
    %mul3A_26 = arith.constant 128 : i32
    %mul3A_27 = arith.muli %add3A_25, %mul3A_26 : i32
    %dma_start3A_28 = arith.constant 1 : i32
    %dma_start3A_29 = arith.constant 1 : i32
    %dma_start3A_30 = arith.constant 0 : i32
    %dma_start3A_31 = arith.constant 0 : i32
    %dma_start3A_32 = tpu.memref_slice %arg6[%dma_start3A_28, %dma_start3A_30, %dma_start3A_31] : memref<4x2x128xi32, #tpu.memory_space<vmem>> -> memref<1x2x128xi32, #tpu.memory_space<vmem>>
    %dma_start3A_33 = tpu.memref_squeeze %dma_start3A_32 : memref<1x2x128xi32, #tpu.memory_space<vmem>> -> memref<2x128xi32, #tpu.memory_space<vmem>>
    %dma_start3A_34 = arith.constant 0 : i32
    %dma_start3A_35 = tpu.memref_slice %arg2[%dma_start3A_34, %mul3A_27] : memref<2x320000xi32, #tpu.memory_space<hbm>> -> memref<2x128xi32, #tpu.memory_space<hbm>>
    %dma_start3A_36 = tpu.memref_slice %arg9[%dma_start3A_29] : memref<4x!tpu.dma_semaphore, #tpu.memory_space<semaphore_mem>> -> memref<1x!tpu.dma_semaphore, #tpu.memory_space<semaphore_mem>>
    %dma_start3A_37 = tpu.memref_squeeze %dma_start3A_36 : memref<1x!tpu.dma_semaphore, #tpu.memory_space<semaphore_mem>> -> memref<!tpu.dma_semaphore, #tpu.memory_space<semaphore_mem>>
    %dma_start3A_38 = arith.constant 0 : i32
    %dma_start3A_39 = arith.constant 0 : i32
    %dma_start3A_40 = tpu.memref_slice %arg6[%dma_start3A_28, %dma_start3A_38, %dma_start3A_39] : memref<4x2x128xi32, #tpu.memory_space<vmem>> -> memref<1x2x128xi32, #tpu.memory_space<vmem>>
    %dma_start3A_41 = tpu.memref_squeeze %dma_start3A_40 : memref<1x2x128xi32, #tpu.memory_space<vmem>> -> memref<2x128xi32, #tpu.memory_space<vmem>>
    %dma_start3A_42 = arith.constant 0 : i32
    %dma_start3A_43 = tpu.memref_slice %arg2[%dma_start3A_42, %mul3A_27] : memref<2x320000xi32, #tpu.memory_space<hbm>> -> memref<2x128xi32, #tpu.memory_space<hbm>>
    tpu.enqueue_dma source(%dma_start3A_43 : memref<2x128xi32, #tpu.memory_space<hbm>>) target(%dma_start3A_41 : memref<2x128xi32, #tpu.memory_space<vmem>>) target_semaphore(%dma_start3A_37 : memref<!tpu.dma_semaphore, #tpu.memory_space<semaphore_mem>>)
    %add3A_44 = arith.constant 64 : i32
    %add3A_45 = arith.addi %add3A, %add3A_44 : i32
    %mul3A_46 = arith.constant 128 : i32
    %mul3A_47 = arith.muli %add3A_45, %mul3A_46 : i32
    %dma_start3A_48 = arith.constant 2 : i32
    %dma_start3A_49 = arith.constant 2 : i32
    %dma_start3A_50 = arith.constant 0 : i32
    %dma_start3A_51 = arith.constant 0 : i32
    %dma_start3A_52 = tpu.memref_slice %arg6[%dma_start3A_48, %dma_start3A_50, %dma_start3A_51] : memref<4x2x128xi32, #tpu.memory_space<vmem>> -> memref<1x2x128xi32, #tpu.memory_space<vmem>>
    %dma_start3A_53 = tpu.memref_squeeze %dma_start3A_52 : memref<1x2x128xi32, #tpu.memory_space<vmem>> -> memref<2x128xi32, #tpu.memory_space<vmem>>
    %dma_start3A_54 = arith.constant 0 : i32
    %dma_start3A_55 = tpu.memref_slice %arg2[%dma_start3A_54, %mul3A_47] : memref<2x320000xi32, #tpu.memory_space<hbm>> -> memref<2x128xi32, #tpu.memory_space<hbm>>
    %dma_start3A_56 = tpu.memref_slice %arg9[%dma_start3A_49] : memref<4x!tpu.dma_semaphore, #tpu.memory_space<semaphore_mem>> -> memref<1x!tpu.dma_semaphore, #tpu.memory_space<semaphore_mem>>
    %dma_start3A_57 = tpu.memref_squeeze %dma_start3A_56 : memref<1x!tpu.dma_semaphore, #tpu.memory_space<semaphore_mem>> -> memref<!tpu.dma_semaphore, #tpu.memory_space<semaphore_mem>>
    %dma_start3A_58 = arith.constant 0 : i32
    %dma_start3A_59 = arith.constant 0 : i32
    %dma_start3A_60 = tpu.memref_slice %arg6[%dma_start3A_48, %dma_start3A_58, %dma_start3A_59] : memref<4x2x128xi32, #tpu.memory_space<vmem>> -> memref<1x2x128xi32, #tpu.memory_space<vmem>>
    %dma_start3A_61 = tpu.memref_squeeze %dma_start3A_60 : memref<1x2x128xi32, #tpu.memory_space<vmem>> -> memref<2x128xi32, #tpu.memory_space<vmem>>
    %dma_start3A_62 = arith.constant 0 : i32
    %dma_start3A_63 = tpu.memref_slice %arg2[%dma_start3A_62, %mul3A_47] : memref<2x320000xi32, #tpu.memory_space<hbm>> -> memref<2x128xi32, #tpu.memory_space<hbm>>
    tpu.enqueue_dma source(%dma_start3A_63 : memref<2x128xi32, #tpu.memory_space<hbm>>) target(%dma_start3A_61 : memref<2x128xi32, #tpu.memory_space<vmem>>) target_semaphore(%dma_start3A_57 : memref<!tpu.dma_semaphore, #tpu.memory_space<semaphore_mem>>)
    %add3A_64 = arith.constant 96 : i32
    %add3A_65 = arith.addi %add3A, %add3A_64 : i32
    %mul3A_66 = arith.constant 128 : i32
    %mul3A_67 = arith.muli %add3A_65, %mul3A_66 : i32
    %dma_start3A_68 = arith.constant 3 : i32
    %dma_start3A_69 = arith.constant 3 : i32
    %dma_start3A_70 = arith.constant 0 : i32
    %dma_start3A_71 = arith.constant 0 : i32
    %dma_start3A_72 = tpu.memref_slice %arg6[%dma_start3A_68, %dma_start3A_70, %dma_start3A_71] : memref<4x2x128xi32, #tpu.memory_space<vmem>> -> memref<1x2x128xi32, #tpu.memory_space<vmem>>
    %dma_start3A_73 = tpu.memref_squeeze %dma_start3A_72 : memref<1x2x128xi32, #tpu.memory_space<vmem>> -> memref<2x128xi32, #tpu.memory_space<vmem>>
    %dma_start3A_74 = arith.constant 0 : i32
    %dma_start3A_75 = tpu.memref_slice %arg2[%dma_start3A_74, %mul3A_67] : memref<2x320000xi32, #tpu.memory_space<hbm>> -> memref<2x128xi32, #tpu.memory_space<hbm>>
    %dma_start3A_76 = tpu.memref_slice %arg9[%dma_start3A_69] : memref<4x!tpu.dma_semaphore, #tpu.memory_space<semaphore_mem>> -> memref<1x!tpu.dma_semaphore, #tpu.memory_space<semaphore_mem>>
    %dma_start3A_77 = tpu.memref_squeeze %dma_start3A_76 : memref<1x!tpu.dma_semaphore, #tpu.memory_space<semaphore_mem>> -> memref<!tpu.dma_semaphore, #tpu.memory_space<semaphore_mem>>
    %dma_start3A_78 = arith.constant 0 : i32
    %dma_start3A_79 = arith.constant 0 : i32
    %dma_start3A_80 = tpu.memref_slice %arg6[%dma_start3A_68, %dma_start3A_78, %dma_start3A_79] : memref<4x2x128xi32, #tpu.memory_space<vmem>> -> memref<1x2x128xi32, #tpu.memory_space<vmem>>
    %dma_start3A_81 = tpu.memref_squeeze %dma_start3A_80 : memref<1x2x128xi32, #tpu.memory_space<vmem>> -> memref<2x128xi32, #tpu.memory_space<vmem>>
    %dma_start3A_82 = arith.constant 0 : i32
    %dma_start3A_83 = tpu.memref_slice %arg2[%dma_start3A_82, %mul3A_67] : memref<2x320000xi32, #tpu.memory_space<hbm>> -> memref<2x128xi32, #tpu.memory_space<hbm>>
    tpu.enqueue_dma source(%dma_start3A_83 : memref<2x128xi32, #tpu.memory_space<hbm>>) target(%dma_start3A_81 : memref<2x128xi32, #tpu.memory_space<vmem>>) target_semaphore(%dma_start3A_77 : memref<!tpu.dma_semaphore, #tpu.memory_space<semaphore_mem>>)
    %while3A = arith.constant 0 : i32
    %while3A_84 = arith.constant 0 : i32
    %while3A_85 = arith.subi %select_n3A, %while3A_84 : i32
    %while3A_86 = arith.addi %while3A_84, %while3A_85 : i32
    %while3A_87 = arith.constant 1 : i32
    %while3A_88 = arith.divsi %while3A_85, %while3A_87 : i32
    %while3A_89 = arith.muli %while3A_88, %while3A_87 : i32
    %while3A_90 = arith.addi %while3A_84, %while3A_89 : i32
    %while3A_91 = arith.constant 1 : i32
    scf.for %while3A_107 = %while3A_84 to %while3A_90 step %while3A_91  : i32 {
      %rem3A_108 = arith.constant 2 : i32
      %rem3A_109 = arith.remsi %while3A_107, %rem3A_108 : i32
      %rem3A_110 = arith.constant 4 : i32
      %rem3A_111 = arith.remsi %while3A_107, %rem3A_110 : i32
      %mul3A_112 = arith.constant 32 : i32
      %mul3A_113 = arith.muli %mul3A_112, %while3A_107 : i32
      %add3A_114 = arith.addi %add3A, %mul3A_113 : i32
      %mul3A_115 = arith.constant 128 : i32
      %mul3A_116 = arith.muli %add3A_114, %mul3A_115 : i32
      %dma_wait3A_117 = arith.constant 0 : i32
      %dma_wait3A_118 = arith.constant 0 : i32
      %dma_wait3A_119 = tpu.memref_slice %arg6[%rem3A_111, %dma_wait3A_117, %dma_wait3A_118] : memref<4x2x128xi32, #tpu.memory_space<vmem>> -> memref<1x2x128xi32, #tpu.memory_space<vmem>>
      %dma_wait3A_120 = tpu.memref_squeeze %dma_wait3A_119 : memref<1x2x128xi32, #tpu.memory_space<vmem>> -> memref<2x128xi32, #tpu.memory_space<vmem>>
      %dma_wait3A_121 = arith.constant 0 : i32
      %dma_wait3A_122 = tpu.memref_slice %arg2[%dma_wait3A_121, %mul3A_116] : memref<2x320000xi32, #tpu.memory_space<hbm>> -> memref<2x128xi32, #tpu.memory_space<hbm>>
      %dma_wait3A_123 = tpu.memref_slice %arg9[%rem3A_111] : memref<4x!tpu.dma_semaphore, #tpu.memory_space<semaphore_mem>> -> memref<1x!tpu.dma_semaphore, #tpu.memory_space<semaphore_mem>>
      %dma_wait3A_124 = tpu.memref_squeeze %dma_wait3A_123 : memref<1x!tpu.dma_semaphore, #tpu.memory_space<semaphore_mem>> -> memref<!tpu.dma_semaphore, #tpu.memory_space<semaphore_mem>>
      %dma_wait3A_125 = arith.constant 0 : i32
      %dma_wait3A_126 = arith.constant 0 : i32
      %dma_wait3A_127 = tpu.memref_slice %arg6[%rem3A_111, %dma_wait3A_125, %dma_wait3A_126] : memref<4x2x128xi32, #tpu.memory_space<vmem>> -> memref<1x2x128xi32, #tpu.memory_space<vmem>>
      %dma_wait3A_128 = tpu.memref_squeeze %dma_wait3A_127 : memref<1x2x128xi32, #tpu.memory_space<vmem>> -> memref<2x128xi32, #tpu.memory_space<vmem>>
      %dma_wait3A_129 = arith.constant 0 : i32
      %dma_wait3A_130 = tpu.memref_slice %arg2[%dma_wait3A_129, %mul3A_116] : memref<2x320000xi32, #tpu.memory_space<hbm>> -> memref<2x128xi32, #tpu.memory_space<hbm>>
      tpu.wait_dma2 semaphore(%dma_wait3A_124 : memref<!tpu.dma_semaphore, #tpu.memory_space<semaphore_mem>>) src(%dma_wait3A_130 : memref<2x128xi32, #tpu.memory_space<hbm>>) dst(%dma_wait3A_128 : memref<2x128xi32, #tpu.memory_space<vmem>>)
      %rem3A_131 = arith.constant 4 : i32
      %rem3A_132 = arith.remsi %while3A_107, %rem3A_131 : i32
      %dma_start3A_133 = arith.constant 1 : i32
      %dma_start3A_134 = arith.constant 0 : i32
      %dma_start3A_135 = tpu.memref_slice %arg6[%rem3A_132, %dma_start3A_133, %dma_start3A_134] : memref<4x2x128xi32, #tpu.memory_space<vmem>> -> memref<1x1x128xi32, #tpu.memory_space<vmem>>
      %dma_start3A_136 = tpu.memref_squeeze %dma_start3A_135 : memref<1x1x128xi32, #tpu.memory_space<vmem>> -> memref<128xi32, #tpu.memory_space<vmem>>
      %dma_start3A_137 = arith.constant 0 : i32
      %dma_start3A_138 = tpu.memref_slice %arg8[%dma_start3A_137] : memref<10240xf32, #tpu.memory_space<vmem_shared>> -> memref<10240xf32, #tpu.memory_space<vmem_shared>>
      %dma_start3A_139 = tpu.memref_slice %arg10[%rem3A_109] : memref<2x!tpu.dma_semaphore, #tpu.memory_space<semaphore_mem>> -> memref<1x!tpu.dma_semaphore, #tpu.memory_space<semaphore_mem>>
      %dma_start3A_140 = tpu.memref_squeeze %dma_start3A_139 : memref<1x!tpu.dma_semaphore, #tpu.memory_space<semaphore_mem>> -> memref<!tpu.dma_semaphore, #tpu.memory_space<semaphore_mem>>
      tpu.enqueue_indirect_dma source(%arg7 : memref<128xf32, #tpu.memory_space<vmem>>) target(%dma_start3A_138 : memref<10240xf32, #tpu.memory_space<vmem_shared>>) offsets(%dma_start3A_136 : memref<128xi32, #tpu.memory_space<vmem>>) semaphore(%dma_start3A_140 : memref<!tpu.dma_semaphore, #tpu.memory_space<semaphore_mem>>) {add = true}
      %ge3A = arith.constant 1 : i32
      %ge3A_141 = arith.cmpi sge, %while3A_107, %ge3A : i32
      %convert_element_type3A = arith.extui %ge3A_141 : i1 to i32
      %cond3A = arith.constant 0 : i32
      %cond3A_142 = arith.cmpi ne, %convert_element_type3A, %cond3A : i32
      scf.if %cond3A_142 {
        %sub3A_143 = arith.constant 1 : i32
        %sub3A_144 = arith.subi %while3A_107, %sub3A_143 : i32
        %sub3A_145 = arith.constant 1 : i32
        %sub3A_146 = arith.subi %sub3A_145, %rem3A_109 : i32
        %rem3A_147 = arith.constant 4 : i32
        %rem3A_148 = arith.remsi %sub3A_144, %rem3A_147 : i32
        %dma_wait3A_149 = arith.constant 1 : i32
        %dma_wait3A_150 = arith.constant 0 : i32
        %dma_wait3A_151 = tpu.memref_slice %arg6[%rem3A_148, %dma_wait3A_149, %dma_wait3A_150] : memref<4x2x128xi32, #tpu.memory_space<vmem>> -> memref<1x1x128xi32, #tpu.memory_space<vmem>>
        %dma_wait3A_152 = tpu.memref_squeeze %dma_wait3A_151 : memref<1x1x128xi32, #tpu.memory_space<vmem>> -> memref<128xi32, #tpu.memory_space<vmem>>
        %dma_wait3A_153 = arith.constant 0 : i32
        %dma_wait3A_154 = tpu.memref_slice %arg8[%dma_wait3A_153] : memref<10240xf32, #tpu.memory_space<vmem_shared>> -> memref<10240xf32, #tpu.memory_space<vmem_shared>>
        %dma_wait3A_155 = tpu.memref_slice %arg10[%sub3A_146] : memref<2x!tpu.dma_semaphore, #tpu.memory_space<semaphore_mem>> -> memref<1x!tpu.dma_semaphore, #tpu.memory_space<semaphore_mem>>
        %dma_wait3A_156 = tpu.memref_squeeze %dma_wait3A_155 : memref<1x!tpu.dma_semaphore, #tpu.memory_space<semaphore_mem>> -> memref<!tpu.dma_semaphore, #tpu.memory_space<semaphore_mem>>
        tpu.wait_indirect_dma semaphore(%dma_wait3A_156 : memref<!tpu.dma_semaphore, #tpu.memory_space<semaphore_mem>>) src(%arg7 : memref<128xf32, #tpu.memory_space<vmem>>) dst(%dma_wait3A_154 : memref<10240xf32, #tpu.memory_space<vmem_shared>>)
        %sub3A_157 = arith.constant 1 : i32
        %sub3A_158 = arith.subi %while3A_107, %sub3A_157 : i32
        %add3A_159 = arith.constant 4 : i32
        %add3A_160 = arith.addi %sub3A_158, %add3A_159 : i32
        %lt3A_161 = arith.cmpi slt, %add3A_160, %select_n3A : i32
        %convert_element_type3A_162 = arith.extui %lt3A_161 : i1 to i32
        %cond3A_163 = arith.constant 0 : i32
        %cond3A_164 = arith.cmpi ne, %convert_element_type3A_162, %cond3A_163 : i32
        scf.if %cond3A_164 {
          %sub3A_165 = arith.constant 1 : i32
          %sub3A_166 = arith.subi %while3A_107, %sub3A_165 : i32
          %add3A_167 = arith.constant 4 : i32
          %add3A_168 = arith.addi %sub3A_166, %add3A_167 : i32
          %sub3A_169 = arith.constant 1 : i32
          %sub3A_170 = arith.subi %while3A_107, %sub3A_169 : i32
          %rem3A_171 = arith.constant 4 : i32
          %rem3A_172 = arith.remsi %sub3A_170, %rem3A_171 : i32
          %mul3A_173 = arith.constant 32 : i32
          %mul3A_174 = arith.muli %mul3A_173, %add3A_168 : i32
          %add3A_175 = arith.addi %add3A, %mul3A_174 : i32
          %mul3A_176 = arith.constant 128 : i32
          %mul3A_177 = arith.muli %add3A_175, %mul3A_176 : i32
          %dma_start3A_178 = arith.constant 0 : i32
          %dma_start3A_179 = arith.constant 0 : i32
          %dma_start3A_180 = tpu.memref_slice %arg6[%rem3A_172, %dma_start3A_178, %dma_start3A_179] : memref<4x2x128xi32, #tpu.memory_space<vmem>> -> memref<1x2x128xi32, #tpu.memory_space<vmem>>
          %dma_start3A_181 = tpu.memref_squeeze %dma_start3A_180 : memref<1x2x128xi32, #tpu.memory_space<vmem>> -> memref<2x128xi32, #tpu.memory_space<vmem>>
          %dma_start3A_182 = arith.constant 0 : i32
          %dma_start3A_183 = tpu.memref_slice %arg2[%dma_start3A_182, %mul3A_177] : memref<2x320000xi32, #tpu.memory_space<hbm>> -> memref<2x128xi32, #tpu.memory_space<hbm>>
          %dma_start3A_184 = tpu.memref_slice %arg9[%rem3A_172] : memref<4x!tpu.dma_semaphore, #tpu.memory_space<semaphore_mem>> -> memref<1x!tpu.dma_semaphore, #tpu.memory_space<semaphore_mem>>
          %dma_start3A_185 = tpu.memref_squeeze %dma_start3A_184 : memref<1x!tpu.dma_semaphore, #tpu.memory_space<semaphore_mem>> -> memref<!tpu.dma_semaphore, #tpu.memory_space<semaphore_mem>>
          %dma_start3A_186 = arith.constant 0 : i32
          %dma_start3A_187 = arith.constant 0 : i32
          %dma_start3A_188 = tpu.memref_slice %arg6[%rem3A_172, %dma_start3A_186, %dma_start3A_187] : memref<4x2x128xi32, #tpu.memory_space<vmem>> -> memref<1x2x128xi32, #tpu.memory_space<vmem>>
          %dma_start3A_189 = tpu.memref_squeeze %dma_start3A_188 : memref<1x2x128xi32, #tpu.memory_space<vmem>> -> memref<2x128xi32, #tpu.memory_space<vmem>>
          %dma_start3A_190 = arith.constant 0 : i32
          %dma_start3A_191 = tpu.memref_slice %arg2[%dma_start3A_190, %mul3A_177] : memref<2x320000xi32, #tpu.memory_space<hbm>> -> memref<2x128xi32, #tpu.memory_space<hbm>>
          tpu.enqueue_dma source(%dma_start3A_191 : memref<2x128xi32, #tpu.memory_space<hbm>>) target(%dma_start3A_189 : memref<2x128xi32, #tpu.memory_space<vmem>>) target_semaphore(%dma_start3A_185 : memref<!tpu.dma_semaphore, #tpu.memory_space<semaphore_mem>>)
        } else {
        }
      } else {
      }
    }
    %while3A_92 = arith.constant 1 : i32
    scf.for %while3A_107 = %while3A_90 to %while3A_86 step %while3A_92  : i32 {
      %rem3A_108 = arith.constant 2 : i32
      %rem3A_109 = arith.remsi %while3A_107, %rem3A_108 : i32
      %rem3A_110 = arith.constant 4 : i32
      %rem3A_111 = arith.remsi %while3A_107, %rem3A_110 : i32
      %mul3A_112 = arith.constant 32 : i32
      %mul3A_113 = arith.muli %mul3A_112, %while3A_107 : i32
      %add3A_114 = arith.addi %add3A, %mul3A_113 : i32
      %mul3A_115 = arith.constant 128 : i32
      %mul3A_116 = arith.muli %add3A_114, %mul3A_115 : i32
      %dma_wait3A_117 = arith.constant 0 : i32
      %dma_wait3A_118 = arith.constant 0 : i32
      %dma_wait3A_119 = tpu.memref_slice %arg6[%rem3A_111, %dma_wait3A_117, %dma_wait3A_118] : memref<4x2x128xi32, #tpu.memory_space<vmem>> -> memref<1x2x128xi32, #tpu.memory_space<vmem>>
      %dma_wait3A_120 = tpu.memref_squeeze %dma_wait3A_119 : memref<1x2x128xi32, #tpu.memory_space<vmem>> -> memref<2x128xi32, #tpu.memory_space<vmem>>
      %dma_wait3A_121 = arith.constant 0 : i32
      %dma_wait3A_122 = tpu.memref_slice %arg2[%dma_wait3A_121, %mul3A_116] : memref<2x320000xi32, #tpu.memory_space<hbm>> -> memref<2x128xi32, #tpu.memory_space<hbm>>
      %dma_wait3A_123 = tpu.memref_slice %arg9[%rem3A_111] : memref<4x!tpu.dma_semaphore, #tpu.memory_space<semaphore_mem>> -> memref<1x!tpu.dma_semaphore, #tpu.memory_space<semaphore_mem>>
      %dma_wait3A_124 = tpu.memref_squeeze %dma_wait3A_123 : memref<1x!tpu.dma_semaphore, #tpu.memory_space<semaphore_mem>> -> memref<!tpu.dma_semaphore, #tpu.memory_space<semaphore_mem>>
      %dma_wait3A_125 = arith.constant 0 : i32
      %dma_wait3A_126 = arith.constant 0 : i32
      %dma_wait3A_127 = tpu.memref_slice %arg6[%rem3A_111, %dma_wait3A_125, %dma_wait3A_126] : memref<4x2x128xi32, #tpu.memory_space<vmem>> -> memref<1x2x128xi32, #tpu.memory_space<vmem>>
      %dma_wait3A_128 = tpu.memref_squeeze %dma_wait3A_127 : memref<1x2x128xi32, #tpu.memory_space<vmem>> -> memref<2x128xi32, #tpu.memory_space<vmem>>
      %dma_wait3A_129 = arith.constant 0 : i32
      %dma_wait3A_130 = tpu.memref_slice %arg2[%dma_wait3A_129, %mul3A_116] : memref<2x320000xi32, #tpu.memory_space<hbm>> -> memref<2x128xi32, #tpu.memory_space<hbm>>
      tpu.wait_dma2 semaphore(%dma_wait3A_124 : memref<!tpu.dma_semaphore, #tpu.memory_space<semaphore_mem>>) src(%dma_wait3A_130 : memref<2x128xi32, #tpu.memory_space<hbm>>) dst(%dma_wait3A_128 : memref<2x128xi32, #tpu.memory_space<vmem>>)
      %rem3A_131 = arith.constant 4 : i32
      %rem3A_132 = arith.remsi %while3A_107, %rem3A_131 : i32
      %dma_start3A_133 = arith.constant 1 : i32
      %dma_start3A_134 = arith.constant 0 : i32
      %dma_start3A_135 = tpu.memref_slice %arg6[%rem3A_132, %dma_start3A_133, %dma_start3A_134] : memref<4x2x128xi32, #tpu.memory_space<vmem>> -> memref<1x1x128xi32, #tpu.memory_space<vmem>>
      %dma_start3A_136 = tpu.memref_squeeze %dma_start3A_135 : memref<1x1x128xi32, #tpu.memory_space<vmem>> -> memref<128xi32, #tpu.memory_space<vmem>>
      %dma_start3A_137 = arith.constant 0 : i32
      %dma_start3A_138 = tpu.memref_slice %arg8[%dma_start3A_137] : memref<10240xf32, #tpu.memory_space<vmem_shared>> -> memref<10240xf32, #tpu.memory_space<vmem_shared>>
      %dma_start3A_139 = tpu.memref_slice %arg10[%rem3A_109] : memref<2x!tpu.dma_semaphore, #tpu.memory_space<semaphore_mem>> -> memref<1x!tpu.dma_semaphore, #tpu.memory_space<semaphore_mem>>
      %dma_start3A_140 = tpu.memref_squeeze %dma_start3A_139 : memref<1x!tpu.dma_semaphore, #tpu.memory_space<semaphore_mem>> -> memref<!tpu.dma_semaphore, #tpu.memory_space<semaphore_mem>>
      tpu.enqueue_indirect_dma source(%arg7 : memref<128xf32, #tpu.memory_space<vmem>>) target(%dma_start3A_138 : memref<10240xf32, #tpu.memory_space<vmem_shared>>) offsets(%dma_start3A_136 : memref<128xi32, #tpu.memory_space<vmem>>) semaphore(%dma_start3A_140 : memref<!tpu.dma_semaphore, #tpu.memory_space<semaphore_mem>>) {add = true}
      %ge3A = arith.constant 1 : i32
      %ge3A_141 = arith.cmpi sge, %while3A_107, %ge3A : i32
      %convert_element_type3A = arith.extui %ge3A_141 : i1 to i32
      %cond3A = arith.constant 0 : i32
      %cond3A_142 = arith.cmpi ne, %convert_element_type3A, %cond3A : i32
      scf.if %cond3A_142 {
        %sub3A_143 = arith.constant 1 : i32
        %sub3A_144 = arith.subi %while3A_107, %sub3A_143 : i32
        %sub3A_145 = arith.constant 1 : i32
        %sub3A_146 = arith.subi %sub3A_145, %rem3A_109 : i32
        %rem3A_147 = arith.constant 4 : i32
        %rem3A_148 = arith.remsi %sub3A_144, %rem3A_147 : i32
        %dma_wait3A_149 = arith.constant 1 : i32
        %dma_wait3A_150 = arith.constant 0 : i32
        %dma_wait3A_151 = tpu.memref_slice %arg6[%rem3A_148, %dma_wait3A_149, %dma_wait3A_150] : memref<4x2x128xi32, #tpu.memory_space<vmem>> -> memref<1x1x128xi32, #tpu.memory_space<vmem>>
        %dma_wait3A_152 = tpu.memref_squeeze %dma_wait3A_151 : memref<1x1x128xi32, #tpu.memory_space<vmem>> -> memref<128xi32, #tpu.memory_space<vmem>>
        %dma_wait3A_153 = arith.constant 0 : i32
        %dma_wait3A_154 = tpu.memref_slice %arg8[%dma_wait3A_153] : memref<10240xf32, #tpu.memory_space<vmem_shared>> -> memref<10240xf32, #tpu.memory_space<vmem_shared>>
        %dma_wait3A_155 = tpu.memref_slice %arg10[%sub3A_146] : memref<2x!tpu.dma_semaphore, #tpu.memory_space<semaphore_mem>> -> memref<1x!tpu.dma_semaphore, #tpu.memory_space<semaphore_mem>>
        %dma_wait3A_156 = tpu.memref_squeeze %dma_wait3A_155 : memref<1x!tpu.dma_semaphore, #tpu.memory_space<semaphore_mem>> -> memref<!tpu.dma_semaphore, #tpu.memory_space<semaphore_mem>>
        tpu.wait_indirect_dma semaphore(%dma_wait3A_156 : memref<!tpu.dma_semaphore, #tpu.memory_space<semaphore_mem>>) src(%arg7 : memref<128xf32, #tpu.memory_space<vmem>>) dst(%dma_wait3A_154 : memref<10240xf32, #tpu.memory_space<vmem_shared>>)
        %sub3A_157 = arith.constant 1 : i32
        %sub3A_158 = arith.subi %while3A_107, %sub3A_157 : i32
        %add3A_159 = arith.constant 4 : i32
        %add3A_160 = arith.addi %sub3A_158, %add3A_159 : i32
        %lt3A_161 = arith.cmpi slt, %add3A_160, %select_n3A : i32
        %convert_element_type3A_162 = arith.extui %lt3A_161 : i1 to i32
        %cond3A_163 = arith.constant 0 : i32
        %cond3A_164 = arith.cmpi ne, %convert_element_type3A_162, %cond3A_163 : i32
        scf.if %cond3A_164 {
          %sub3A_165 = arith.constant 1 : i32
          %sub3A_166 = arith.subi %while3A_107, %sub3A_165 : i32
          %add3A_167 = arith.constant 4 : i32
          %add3A_168 = arith.addi %sub3A_166, %add3A_167 : i32
          %sub3A_169 = arith.constant 1 : i32
          %sub3A_170 = arith.subi %while3A_107, %sub3A_169 : i32
          %rem3A_171 = arith.constant 4 : i32
          %rem3A_172 = arith.remsi %sub3A_170, %rem3A_171 : i32
          %mul3A_173 = arith.constant 32 : i32
          %mul3A_174 = arith.muli %mul3A_173, %add3A_168 : i32
          %add3A_175 = arith.addi %add3A, %mul3A_174 : i32
          %mul3A_176 = arith.constant 128 : i32
          %mul3A_177 = arith.muli %add3A_175, %mul3A_176 : i32
          %dma_start3A_178 = arith.constant 0 : i32
          %dma_start3A_179 = arith.constant 0 : i32
          %dma_start3A_180 = tpu.memref_slice %arg6[%rem3A_172, %dma_start3A_178, %dma_start3A_179] : memref<4x2x128xi32, #tpu.memory_space<vmem>> -> memref<1x2x128xi32, #tpu.memory_space<vmem>>
          %dma_start3A_181 = tpu.memref_squeeze %dma_start3A_180 : memref<1x2x128xi32, #tpu.memory_space<vmem>> -> memref<2x128xi32, #tpu.memory_space<vmem>>
          %dma_start3A_182 = arith.constant 0 : i32
          %dma_start3A_183 = tpu.memref_slice %arg2[%dma_start3A_182, %mul3A_177] : memref<2x320000xi32, #tpu.memory_space<hbm>> -> memref<2x128xi32, #tpu.memory_space<hbm>>
          %dma_start3A_184 = tpu.memref_slice %arg9[%rem3A_172] : memref<4x!tpu.dma_semaphore, #tpu.memory_space<semaphore_mem>> -> memref<1x!tpu.dma_semaphore, #tpu.memory_space<semaphore_mem>>
          %dma_start3A_185 = tpu.memref_squeeze %dma_start3A_184 : memref<1x!tpu.dma_semaphore, #tpu.memory_space<semaphore_mem>> -> memref<!tpu.dma_semaphore, #tpu.memory_space<semaphore_mem>>
          %dma_start3A_186 = arith.constant 0 : i32
          %dma_start3A_187 = arith.constant 0 : i32
          %dma_start3A_188 = tpu.memref_slice %arg6[%rem3A_172, %dma_start3A_186, %dma_start3A_187] : memref<4x2x128xi32, #tpu.memory_space<vmem>> -> memref<1x2x128xi32, #tpu.memory_space<vmem>>
          %dma_start3A_189 = tpu.memref_squeeze %dma_start3A_188 : memref<1x2x128xi32, #tpu.memory_space<vmem>> -> memref<2x128xi32, #tpu.memory_space<vmem>>
          %dma_start3A_190 = arith.constant 0 : i32
          %dma_start3A_191 = tpu.memref_slice %arg2[%dma_start3A_190, %mul3A_177] : memref<2x320000xi32, #tpu.memory_space<hbm>> -> memref<2x128xi32, #tpu.memory_space<hbm>>
          tpu.enqueue_dma source(%dma_start3A_191 : memref<2x128xi32, #tpu.memory_space<hbm>>) target(%dma_start3A_189 : memref<2x128xi32, #tpu.memory_space<vmem>>) target_semaphore(%dma_start3A_185 : memref<!tpu.dma_semaphore, #tpu.memory_space<semaphore_mem>>)
        } else {
        }
      } else {
      }
    }
    %sub3A = arith.constant 1 : i32
    %sub3A_93 = arith.subi %select_n3A, %sub3A : i32
    %sub3A_94 = arith.constant 1 : i32
    %sub3A_95 = arith.subi %select_n3A, %sub3A_94 : i32
    %rem3A = arith.constant 2 : i32
    %rem3A_96 = arith.remsi %sub3A_95, %rem3A : i32
    %rem3A_97 = arith.constant 4 : i32
    %rem3A_98 = arith.remsi %sub3A_93, %rem3A_97 : i32
    %dma_wait3A = arith.constant 1 : i32
    %dma_wait3A_99 = arith.constant 0 : i32
    %dma_wait3A_100 = tpu.memref_slice %arg6[%rem3A_98, %dma_wait3A, %dma_wait3A_99] : memref<4x2x128xi32, #tpu.memory_space<vmem>> -> memref<1x1x128xi32, #tpu.memory_space<vmem>>
    %dma_wait3A_101 = tpu.memref_squeeze %dma_wait3A_100 : memref<1x1x128xi32, #tpu.memory_space<vmem>> -> memref<128xi32, #tpu.memory_space<vmem>>
    %dma_wait3A_102 = arith.constant 0 : i32
    %dma_wait3A_103 = tpu.memref_slice %arg8[%dma_wait3A_102] : memref<10240xf32, #tpu.memory_space<vmem_shared>> -> memref<10240xf32, #tpu.memory_space<vmem_shared>>
    %dma_wait3A_104 = tpu.memref_slice %arg10[%rem3A_96] : memref<2x!tpu.dma_semaphore, #tpu.memory_space<semaphore_mem>> -> memref<1x!tpu.dma_semaphore, #tpu.memory_space<semaphore_mem>>
    %dma_wait3A_105 = tpu.memref_squeeze %dma_wait3A_104 : memref<1x!tpu.dma_semaphore, #tpu.memory_space<semaphore_mem>> -> memref<!tpu.dma_semaphore, #tpu.memory_space<semaphore_mem>>
    tpu.wait_indirect_dma semaphore(%dma_wait3A_105 : memref<!tpu.dma_semaphore, #tpu.memory_space<semaphore_mem>>) src(%arg7 : memref<128xf32, #tpu.memory_space<vmem>>) dst(%dma_wait3A_103 : memref<10240xf32, #tpu.memory_space<vmem_shared>>)
    %barrier3A_106 = arith.constant 0 : index
    tpu.barrier barrier_id(%barrier3A_106)
    "tpu.region"() ({
      %run_scoped3A = tpu.sem_alloc : memref<!tpu.dma_semaphore, #tpu.memory_space<semaphore_mem>>
      %dma_start3A_107 = tpu.memref_slice %arg5[%arg0, %mul3A_4] : memref<2x10240xf32, #tpu.memory_space<hbm>> -> memref<1x640xf32, #tpu.memory_space<hbm>>
      %dma_start3A_108 = tpu.memref_squeeze %dma_start3A_107 : memref<1x640xf32, #tpu.memory_space<hbm>> -> memref<640xf32, #tpu.memory_space<hbm>>
      %dma_start3A_109 = tpu.memref_slice %arg8[%mul3A_4] : memref<10240xf32, #tpu.memory_space<vmem_shared>> -> memref<640xf32, #tpu.memory_space<vmem_shared>>
      tpu.enqueue_dma source(%dma_start3A_109 : memref<640xf32, #tpu.memory_space<vmem_shared>>) target(%dma_start3A_108 : memref<640xf32, #tpu.memory_space<hbm>>) target_semaphore(%run_scoped3A : memref<!tpu.dma_semaphore, #tpu.memory_space<semaphore_mem>>)
      %dma_wait3A_110 = tpu.memref_slice %arg5[%arg0, %mul3A_4] : memref<2x10240xf32, #tpu.memory_space<hbm>> -> memref<1x640xf32, #tpu.memory_space<hbm>>
      %dma_wait3A_111 = tpu.memref_squeeze %dma_wait3A_110 : memref<1x640xf32, #tpu.memory_space<hbm>> -> memref<640xf32, #tpu.memory_space<hbm>>
      %dma_wait3A_112 = tpu.memref_slice %arg8[%mul3A_4] : memref<10240xf32, #tpu.memory_space<vmem_shared>> -> memref<640xf32, #tpu.memory_space<vmem_shared>>
      tpu.wait_dma2 semaphore(%run_scoped3A : memref<!tpu.dma_semaphore, #tpu.memory_space<semaphore_mem>>) src(%dma_wait3A_112 : memref<640xf32, #tpu.memory_space<vmem_shared>>) dst(%dma_wait3A_111 : memref<640xf32, #tpu.memory_space<hbm>>)
      tpu.yield
    }) : () -> ()
    return
  }
}

module attributes {stable_mosaic.version = 14 : i64} {
  func.func @_tc1(%arg0: memref<10240x168xf32, #tpu.memory_space<vmem>>, %arg1: memref<168x128xf32, #tpu.memory_space<vmem>>, %arg2: memref<2x10240x1xf32, #tpu.memory_space<vmem>>, %arg3: memref<10240x128xf32, #tpu.memory_space<vmem>>, %arg4: memref<10240x1xf32, #tpu.memory_space<vmem>>) attributes {dimension_semantics = [], scalar_prefetch = 0 : i64, scratch_operands = 0 : i64, tpu.core_type = #tpu.core_type<tc>} {
    %get3A = arith.constant 0 : index
    %get3A_0 = arith.constant 0 : index
    %get3A_1 = arith.constant 0 : index
    %get3A_2 = vector.load %arg2[%get3A, %get3A_0, %get3A_1] : memref<2x10240x1xf32, #tpu.memory_space<vmem>>, vector<1x10240x1xf32>
    %get3A_3 = vector.shape_cast %get3A_2 : vector<1x10240x1xf32> to vector<10240x1xf32>
    %get3A_4 = arith.constant 1 : index
    %get3A_5 = arith.constant 0 : index
    %get3A_6 = arith.constant 0 : index
    %get3A_7 = vector.load %arg2[%get3A_4, %get3A_5, %get3A_6] : memref<2x10240x1xf32, #tpu.memory_space<vmem>>, vector<1x10240x1xf32>
    %get3A_8 = vector.shape_cast %get3A_7 : vector<1x10240x1xf32> to vector<10240x1xf32>
    %add3A = arith.addf %get3A_3, %get3A_8 : vector<10240x1xf32>
    %add3A_9 = arith.constant 1.000000e+00 : f32
    %add3A_10 = vector.broadcast %add3A_9 : f32 to vector<10240x1xf32>
    %add3A_11 = arith.addf %add3A, %add3A_10 : vector<10240x1xf32>
    %rsqrt3A = math.rsqrt %add3A_11 : vector<10240x1xf32>
    %get3A_12 = arith.constant 0 : index
    %get3A_13 = arith.constant 0 : index
    %get3A_14 = vector.load %arg0[%get3A_12, %get3A_13] : memref<10240x168xf32, #tpu.memory_space<vmem>>, vector<10240x168xf32>
    %get3A_15 = arith.constant 0 : index
    %get3A_16 = arith.constant 0 : index
    %get3A_17 = vector.load %arg1[%get3A_15, %get3A_16] : memref<168x128xf32, #tpu.memory_space<vmem>>, vector<168x128xf32>
    %dot_general3A = arith.constant dense<0.000000e+00> : vector<10240x128xf32>
    %dot_general3A_18 = tpu.matmul %get3A_14, %get3A_17, %dot_general3A {dimension_numbers = #tpu.dot_dimension_numbers<[1], [0], [0], [1], [0, 0, 1, 1], [], []>, transpose_lhs_hint = false} : vector<10240x168xf32>, vector<168x128xf32>, vector<10240x128xf32> -> vector<10240x128xf32>
    %mul3A = vector.broadcast %rsqrt3A : vector<10240x1xf32> to vector<10240x128xf32>
    %mul3A_19 = arith.mulf %dot_general3A_18, %mul3A : vector<10240x128xf32>
    %swap3A = arith.constant 0 : index
    %swap3A_20 = arith.constant 0 : index
    %swap3A_21 = vector.load %arg3[%swap3A, %swap3A_20] : memref<10240x128xf32, #tpu.memory_space<vmem>>, vector<10240x128xf32>
    tpu.vector_store %arg3[%swap3A, %swap3A_20], %mul3A_19 {strides = array<i32>} : memref<10240x128xf32, #tpu.memory_space<vmem>>, vector<10240x128xf32>,
    %swap3A_22 = arith.constant 0 : index
    %swap3A_23 = arith.constant 0 : index
    %swap3A_24 = vector.load %arg4[%swap3A_22, %swap3A_23] : memref<10240x1xf32, #tpu.memory_space<vmem>>, vector<10240x1xf32>
    tpu.vector_store %arg4[%swap3A_22, %swap3A_23], %rsqrt3A {strides = array<i32>} : memref<10240x1xf32, #tpu.memory_space<vmem>>, vector<10240x1xf32>,
    return
  }
}

module attributes {stable_mosaic.version = 14 : i64} {
  func.func @_tc2(%arg0: memref<10240x128xf32, #tpu.memory_space<vmem>>, %arg1: memref<10240x128xf32, #tpu.memory_space<vmem>>, %arg2: memref<10240x128xf32, #tpu.memory_space<vmem>>, %arg3: memref<10240x1xf32, #tpu.memory_space<vmem>>, %arg4: memref<1x128xf32, #tpu.memory_space<vmem>>, %arg5: memref<128x1xf32, #tpu.memory_space<vmem>>, %arg6: memref<10240x1xf32, #tpu.memory_space<vmem>>) attributes {dimension_semantics = [], scalar_prefetch = 0 : i64, scratch_operands = 0 : i64, tpu.core_type = #tpu.core_type<tc>} {
    %get3A = arith.constant 0 : index
    %get3A_0 = arith.constant 0 : index
    %get3A_1 = vector.load %arg0[%get3A, %get3A_0] : memref<10240x128xf32, #tpu.memory_space<vmem>>, vector<10240x128xf32>
    %get3A_2 = arith.constant 0 : index
    %get3A_3 = arith.constant 0 : index
    %get3A_4 = vector.load %arg1[%get3A_2, %get3A_3] : memref<10240x128xf32, #tpu.memory_space<vmem>>, vector<10240x128xf32>
    %add3A = arith.addf %get3A_1, %get3A_4 : vector<10240x128xf32>
    %get3A_5 = arith.constant 0 : index
    %get3A_6 = arith.constant 0 : index
    %get3A_7 = vector.load %arg2[%get3A_5, %get3A_6] : memref<10240x128xf32, #tpu.memory_space<vmem>>, vector<10240x128xf32>
    %add3A_8 = arith.addf %add3A, %get3A_7 : vector<10240x128xf32>
    %get3A_9 = arith.constant 0 : index
    %get3A_10 = arith.constant 0 : index
    %get3A_11 = vector.load %arg3[%get3A_9, %get3A_10] : memref<10240x1xf32, #tpu.memory_space<vmem>>, vector<10240x1xf32>
    %mul3A = vector.broadcast %get3A_11 : vector<10240x1xf32> to vector<10240x128xf32>
    %mul3A_12 = arith.mulf %add3A_8, %mul3A : vector<10240x128xf32>
    %get3A_13 = arith.constant 0 : index
    %get3A_14 = arith.constant 0 : index
    %get3A_15 = vector.load %arg4[%get3A_13, %get3A_14] : memref<1x128xf32, #tpu.memory_space<vmem>>, vector<1x128xf32>
    %add3A_16 = vector.broadcast %get3A_15 : vector<1x128xf32> to vector<10240x128xf32>
    %add3A_17 = arith.addf %mul3A_12, %add3A_16 : vector<10240x128xf32>
    %max3A = arith.constant 0.000000e+00 : f32
    %max3A_18 = vector.broadcast %max3A : f32 to vector<10240x128xf32>
    %max3A_19 = arith.maximumf %add3A_17, %max3A_18 : vector<10240x128xf32>
    %get3A_20 = arith.constant 0 : index
    %get3A_21 = arith.constant 0 : index
    %get3A_22 = vector.load %arg5[%get3A_20, %get3A_21] : memref<128x1xf32, #tpu.memory_space<vmem>>, vector<128x1xf32>
    %dot_general3A = arith.constant dense<0.000000e+00> : vector<10240x1xf32>
    %dot_general3A_23 = tpu.matmul %max3A_19, %get3A_22, %dot_general3A {dimension_numbers = #tpu.dot_dimension_numbers<[1], [0], [0], [1], [0, 0, 1, 1], [], []>, transpose_lhs_hint = false} : vector<10240x128xf32>, vector<128x1xf32>, vector<10240x1xf32> -> vector<10240x1xf32>
    %get3A_24 = arith.constant 0 : index
    %get3A_25 = arith.constant 0 : index
    %get3A_26 = vector.load %arg3[%get3A_24, %get3A_25] : memref<10240x1xf32, #tpu.memory_space<vmem>>, vector<10240x1xf32>
    %mul3A_27 = arith.mulf %dot_general3A_23, %get3A_26 : vector<10240x1xf32>
    %swap3A = arith.constant 0 : index
    %swap3A_28 = arith.constant 0 : index
    %swap3A_29 = vector.load %arg6[%swap3A, %swap3A_28] : memref<10240x1xf32, #tpu.memory_space<vmem>>, vector<10240x1xf32>
    tpu.vector_store %arg6[%swap3A, %swap3A_28], %mul3A_27 {strides = array<i32>} : memref<10240x1xf32, #tpu.memory_space<vmem>>, vector<10240x1xf32>,
    return
  }
}

module attributes {stable_mosaic.version = 14 : i64} {
  func.func @_tc3(%arg0: memref<2x10240x1xf32, #tpu.memory_space<vmem>>, %arg1: memref<10240x1xf32, #tpu.memory_space<vmem>>, %arg2: memref<10240x1xf32, #tpu.memory_space<vmem>>, %arg3: memref<1x1xf32, #tpu.memory_space<vmem>>, %arg4: memref<10240x1xf32, #tpu.memory_space<vmem>>) attributes {dimension_semantics = [], scalar_prefetch = 0 : i64, scratch_operands = 0 : i64, tpu.core_type = #tpu.core_type<tc>} {
    %get3A = arith.constant 0 : index
    %get3A_0 = arith.constant 0 : index
    %get3A_1 = arith.constant 0 : index
    %get3A_2 = vector.load %arg0[%get3A, %get3A_0, %get3A_1] : memref<2x10240x1xf32, #tpu.memory_space<vmem>>, vector<1x10240x1xf32>
    %get3A_3 = vector.shape_cast %get3A_2 : vector<1x10240x1xf32> to vector<10240x1xf32>
    %get3A_4 = arith.constant 1 : index
    %get3A_5 = arith.constant 0 : index
    %get3A_6 = arith.constant 0 : index
    %get3A_7 = vector.load %arg0[%get3A_4, %get3A_5, %get3A_6] : memref<2x10240x1xf32, #tpu.memory_space<vmem>>, vector<1x10240x1xf32>
    %get3A_8 = vector.shape_cast %get3A_7 : vector<1x10240x1xf32> to vector<10240x1xf32>
    %add3A = arith.addf %get3A_3, %get3A_8 : vector<10240x1xf32>
    %get3A_9 = arith.constant 0 : index
    %get3A_10 = arith.constant 0 : index
    %get3A_11 = vector.load %arg1[%get3A_9, %get3A_10] : memref<10240x1xf32, #tpu.memory_space<vmem>>, vector<10240x1xf32>
    %add3A_12 = arith.addf %add3A, %get3A_11 : vector<10240x1xf32>
    %get3A_13 = arith.constant 0 : index
    %get3A_14 = arith.constant 0 : index
    %get3A_15 = vector.load %arg2[%get3A_13, %get3A_14] : memref<10240x1xf32, #tpu.memory_space<vmem>>, vector<10240x1xf32>
    %mul3A = arith.mulf %add3A_12, %get3A_15 : vector<10240x1xf32>
    %get3A_16 = arith.constant 0 : index
    %get3A_17 = arith.constant 0 : index
    %get3A_18 = vector.load %arg3[%get3A_16, %get3A_17] : memref<1x1xf32, #tpu.memory_space<vmem>>, vector<1x1xf32>
    %add3A_19 = vector.broadcast %get3A_18 : vector<1x1xf32> to vector<10240x1xf32>
    %add3A_20 = arith.addf %mul3A, %add3A_19 : vector<10240x1xf32>
    %logistic3A = arith.negf %add3A_20 : vector<10240x1xf32>
    %logistic3A_21 = math.exp %logistic3A : vector<10240x1xf32>
    %logistic3A_22 = arith.constant 1.000000e+00 : f32
    %logistic3A_23 = vector.broadcast %logistic3A_22 : f32 to vector<10240x1xf32>
    %logistic3A_24 = arith.addf %logistic3A_23, %logistic3A_21 : vector<10240x1xf32>
    %logistic3A_25 = arith.divf %logistic3A_23, %logistic3A_24 : vector<10240x1xf32>
    %swap3A = arith.constant 0 : index
    %swap3A_26 = arith.constant 0 : index
    %swap3A_27 = vector.load %arg4[%swap3A, %swap3A_26] : memref<10240x1xf32, #tpu.memory_space<vmem>>, vector<10240x1xf32>
    tpu.vector_store %arg4[%swap3A, %swap3A_26], %logistic3A_25 {strides = array<i32>} : memref<10240x1xf32, #tpu.memory_space<vmem>>, vector<10240x1xf32>,
    return
  }
}

</mosaic_0001>

<sc_bundles>
// kernel: kernel.11.cloned.1.call-start
scs
__scs_entry_jumppad:
0x0: {  	(pc) =	sbr.rel $0x88, $3  }
0x1: {  	(tag) =	ssettag $0x0;
	lr =	simm.s32 $0x1  }
0x2: {  	[smem:$0x3F9B] =	sst lr;
	_ =	strace $0xD0000000  }
0x3: {  	_ = 	snop  }
0x4: {  	_ = 	snop  }
0x5: {  	_ = 	snop  }
0x6: {  	_ = 	snop  }
0x7: {  	_ = 	snop  }
__scs_overlays_trampoline_lowered:
0x8: {  	[smem:$0x3FAA] =	sst s0  }
0x9: {  	[smem:$0x3FAB] =	sst s1  }
0xa: {  	[smem:$0x3FAC] =	sst s2  }
0xb: {  	[smem:$0x3FAD] =	sst s3  }
0xc: {  	[smem:$0x3FAE] =	sst s4  }
0xd: {  	[smem:$0x3FAF] =	sst s5  }
0xe: {  	[smem:$0x3FB0] =	sst s6  }
0xf: {  	[smem:$0x3FB1] =	sst s7  }
0x10: {  	[smem:$0x3FB2] =	sst s8  }
0x11: {  	[smem:$0x3FB3] =	sst s9;
	s0 =	simm.s32 @!p0 $0x0  }
0x12: {  	s1 =	sld [smem:$0x3F99];
	s0 =	simm.s32 @p0 $0x1  }
0x13: {  	[smem:$0x3FB4] =	sst s0;
	s0 =	simm.s32 @!p1 $0x0  }
0x14: {  	s2 =	sld [smem:$0x3F98];
	s0 =	simm.s32 @p1 $0x1  }
0x15: {  	[smem:$0x3FB5] =	sst s0;
	s0 =	simm.s32 @!p2 $0x0  }
0x16: {  	s3 =	sld [smem:$0x3FDB];
	s0 =	simm.s32 @p2 $0x1  }
0x17: {  	s4 =	simm.s32 $0x1BF5;
	[smem:$0x3FB7] =	sst s0  }
0x18: {  	s0 =	sld [smem:$0x3F9A];
	_ =	swait.ge [sflag:s4], $0x0  }
0x19: {  	s7 =	sld [smem:$0x3F9B]  }
0x1a: {  	s8 =	sadd.s32 $0xFFFFE003, lr  }
0x1b: {  	s9 =	sadd.s32 $0xFFFFFEF7, lr;
	s5 =	simm.s32 $0xFFFFFFFF;
	p2 =	slt.u32 s8, $0xFFFFF086  }
0x1c: {  	p1 =	slt.u32 s9, $0xF7A;
	s5 =	simm.s32 @!p2 $0x0  }
0x1d: {  	s5 =	simm.s32 @p1 $0x1;
	p0 =	seq.s32 s7, s2  }
0x1e: {  	s7 =	smul.u32 @!p0 $0xF7A, s2;
	p2 =	seq.s32 @!p0 s5, $0x0  }
0x1f: {  	s9 =	smul.u32 $0xF7A, s1;
	s8 =	simm.s32 @!p0 $0x1BF5;
	p2 =	por !p2, p0  }
0x20: {  	[sflag:s8] =	ssyncset.s32 @!p0 $0xFFFFF086;
	s6 =	sadd.s32 @!p0 s3, s7;
	s7 =	simm.s32 @!p0 $0x108  }
0x21: {  	s3 =	sadd.s32 s3, s9;
	s6 =	sadd.s32 @!p0 $0x88, s6;
	s7 =	simm.s32 @p2 $0x1082  }
0x22: {  	[simem:s7], [sflag:s8] =	dma.local @!p0 [hbm:s6], $0xF7A  }
0x23: {  	s9 =	sor.u32 $0xD0000000, s2;
	s6 =	simm.s32 $0x108;
	_ =	swait.ge @!p0 [sflag:s8], $0x0  }
0x24: {  	s3 =	sadd.s32 $0x88, s3;
	s6 =	simm.s32 @!p1 $0x1082;
	[sflag:s4] =	ssyncset.s32 $0xFFFFF086  }
0x25: {  	[simem:s6], [sflag:s4] =	dma.local [hbm:s3], $0xF7A  }
0x26: {  	[smem:$0x3F9B] =	sst s1;
	(tag) =	ssettag s2;
	_ =	strace s9  }
0x27: {  	s1 =	sld [smem:$0x3FAB]  }
0x28: {  	s2 =	sld [smem:$0x3FAC]  }
0x29: {  	s4 =	sld [smem:$0x3FAE]  }
0x2a: {  	p0 =	seq.s32 s5, $0x0;
	s5 =	sld [smem:$0x3FAF]  }
0x2b: {  	s6 =	sld [smem:$0x3FB0]  }
0x2c: {  	s7 =	sld [smem:$0x3FB1]  }
0x2d: {  	s3 =	simm.s32 $0x108;
	s8 =	sld [smem:$0x3FB2]  }
0x2e: {  	s3 =	simm.s32 @!p0 $0x1082;
	s9 =	sld [smem:$0x3FB3]  }
0x2f: {  	lr =	sadd.s32 s0, s3;
	s0 =	sld [smem:$0x3FAA]  }
0x30: {  	s3 =	sld [smem:$0x3FAD]  }
0x31: {  	[smem:$0x3FB6] =	sst s10  }
0x32: {  	s10 =	sld [smem:$0x3FB4];
	_ =	sdelay $0x3  }
0x33: {  	p0 =	seq.s32 s10, $0x1;
	s10 =	sld [smem:$0x3FB6];
	_ =	sdelay $0x3  }
0x34: {  	[smem:$0x3FB6] =	sst s10  }
0x35: {  	s10 =	sld [smem:$0x3FB5];
	_ =	sdelay $0x3  }
0x36: {  	p1 =	seq.s32 s10, $0x1;
	s10 =	sld [smem:$0x3FB6];
	_ =	sdelay $0x3  }
0x37: {  	[smem:$0x3FB6] =	sst s10  }
0x38: {  	s10 =	sld [smem:$0x3FB7]  }
0x39: {  	_ = 	snop;
	(pc) =	sbr.ind lr, $3  }
0x3a: {  	_ = 	snop  }
0x3b: {  	_ = 	snop  }
0x3c: {  	p2 =	seq.s32 s10, $0x1;
	s10 =	sld [smem:$0x3FB6]  }
0x3d: {  	_ =	shalt  }
0x3e: {  	_ =	shalt  }
0x3f: {  	_ =	shalt  }
0x40: {  	_ =	shalt  }
0x41: {  	_ =	shalt  }
0x42: {  	_ =	shalt  }
0x43: {  	_ =	shalt  }
0x44: {  	_ =	shalt  }
0x45: {  	_ =	shalt  }
0x46: {  	_ =	shalt  }
0x47: {  	_ =	shalt  }
0x48: {  	_ =	shalt  }
0x49: {  	_ =	shalt  }
0x4a: {  	_ =	shalt  }
0x4b: {  	_ =	shalt  }
0x4c: {  	_ =	shalt  }
0x4d: {  	_ =	shalt  }
0x4e: {  	_ =	shalt  }
0x4f: {  	_ =	shalt  }
0x50: {  	_ =	shalt  }
0x51: {  	_ =	shalt  }
0x52: {  	_ =	shalt  }
0x53: {  	_ =	shalt  }
0x54: {  	_ =	shalt  }
0x55: {  	_ =	shalt  }
0x56: {  	_ =	shalt  }
0x57: {  	_ =	shalt  }
0x58: {  	_ =	shalt  }
0x59: {  	_ =	shalt  }
0x5a: {  	_ =	shalt  }
0x5b: {  	_ =	shalt  }
0x5c: {  	_ =	shalt  }
0x5d: {  	_ =	shalt  }
0x5e: {  	_ =	shalt  }
0x5f: {  	_ =	shalt  }
0x60: {  	_ =	shalt  }
0x61: {  	_ =	shalt  }
0x62: {  	_ =	shalt  }
0x63: {  	_ =	shalt  }
0x64: {  	_ =	shalt  }
0x65: {  	_ =	shalt  }
0x66: {  	_ =	shalt  }
0x67: {  	_ =	shalt  }
0x68: {  	_ =	shalt  }
0x69: {  	_ =	shalt  }
0x6a: {  	_ =	shalt  }
0x6b: {  	_ =	shalt  }
0x6c: {  	_ =	shalt  }
0x6d: {  	_ =	shalt  }
0x6e: {  	_ =	shalt  }
0x6f: {  	_ =	shalt  }
0x70: {  	_ =	shalt  }
0x71: {  	_ =	shalt  }
0x72: {  	_ =	shalt  }
0x73: {  	_ =	shalt  }
0x74: {  	_ =	shalt  }
0x75: {  	_ =	shalt  }
0x76: {  	_ =	shalt  }
0x77: {  	_ =	shalt  }
0x78: {  	_ =	shalt  }
0x79: {  	_ =	shalt  }
0x7a: {  	_ =	shalt  }
0x7b: {  	_ =	shalt  }
0x7c: {  	_ =	shalt  }
0x7d: {  	_ =	shalt  }
0x7e: {  	_ =	shalt  }
0x7f: {  	_ =	shalt  }
0x80: {  	_ =	shalt  }
0x81: {  	_ =	shalt  }
0x82: {  	_ =	shalt  }
0x83: {  	_ =	shalt  }
0x84: {  	_ =	shalt  }
0x85: {  	_ =	shalt  }
0x86: {  	_ =	shalt  }
0x87: {  	_ =	shalt  }
.Lfunc_end0:
.L_simem_size_0:
called_computation.1_lowered:
.L_overlay_start_0:
0x88: {  	s2 =	sld [smem:$0x3FD9]  }
0x89: {  	s3 =	sld [smem:$0x3FFE];
	_ =	sdelay $0x1  }
0x8a: {  	s1 =	srdreg.scid  }
0x8b: {  	s0 =	sand.u32 $0x1, s1  }
0x8c: {  	s17 =	sshll.u32 s0, $0xA;
	s2 =	sadd.s32 s3, s2  }
0x8d: {  	s2 =	sadd.s32 s2, s17  }
0x8e: {  	[smem:$0x3FC2] =	sst s2  }
0x8f: {  	_ = 	snop  }
0x90: {  	s2 =	sld [smem:$0x3FC8];
	(tm) =	ssettm $0x1  }
0x91: {  	s18 =	sld [smem:$0x3FFB];
	_ =	sdelay $0x3  }
0x92: {  	_ =	strace s18  }
0x93: {  	s3 =	sld [smem:$0x3FFC];
	_ =	sdelay $0x3  }
0x94: {  	_ =	strace s3  }
0x95: {  	s3 =	sld [smem:$0x3FFD];
	_ =	sdelay $0x3  }
0x96: {  	_ =	strace s3  }
0x97: {  	_ =	strace $0x8FFFFFFF  }
0x98: {  	s19 =	sld [smem:$0x3FDB];
	_ =	sdelay $0x1  }
0x99: {  	s4 =	simm.s32 $_scs_section_size  }
0x9a: {  	s5 =	simm.s32 $_size__tile_overlayer_lowered;
	s6 =	simm.s32 $_tile_overlayer_lowered  }
0x9b: {  	s22 =	simm.s32 $0x1BFF;
	s21 =	sshll.u32 s6, $0x1;
	s3 =	sadd.s32 s4, s19  }
0x9c: {  	s7 =	simm.s32 $0x0;
	s20 =	sshll.u32 s5, $0x1;
	s5 =	sadd.s32 s21, s3  }
0x9d: {  	[timem:s7], [sflag:s22] =	dma.local [hbm:s5], s20  }
0x9e: {  	_ =	swait.ge [sflag:s22], s20  }
0x9f: {  	s4 =	ssub.s32 $0x0, s20;
	[sflag:s22] =	ssyncset.done $0x0  }
0xa0: {  	[sflag:s22] =	ssyncadd.s32 s4;
	_ =	sdelay $0x1  }
0xa1: {  	s23 =	simm.s32 $0x1B8B  }
0xa2: {  	_ =	swait.ge [sflag:s23], $0x1  }
0xa3: {  	[sflag:s23] =	ssyncset.done $0x0  }
0xa4: {  	s25 =	simm.s32 $0x1B8E;
	s24 =	sld [smem:$0x3FFE];
	[sflag:s23] =	ssyncadd.s32 $0xFFFFFFFF  }
0xa5: {  	s26 =	simm.s32 $execute0_lowered;
	[smem:$0x3FD2] =	sst s25  }
0xa6: {  	s5 =	sshll.u32 s26, $0x1;
	_ =	strace $0x80000049;
	[dreg:$0x1] =	wrdreg $0xFFFFFFFF  }
0xa7: {  	s28 =	simm.s32 $_size_execute0_lowered;
	s3 =	sadd.s32 s3, s5;
	[dreg:$0x0] =	wrdreg $0x0  }
0xa8: {  	s5 =	sshll.u32 s28, $0x1;
	[dreg:$0x2] =	wrdreg s3  }
0xa9: {  	[dreg:$0x3] =	wrdreg s5  }
0xaa: {  	[dreg:$0x4] =	wrdreg $0xC0  }
0xab: {  	_ =	task [dreg:s7], $0x5FFFF  }
0xac: {  	[dreg:$0x1] =	wrdreg $0xFFFFFFFF  }
0xad: {  	[dreg:$0x0] =	wrdreg $0x60  }
0xae: {  	[dreg:$0x2] =	wrdreg s24  }
0xaf: {  	[dreg:$0x3] =	wrdreg s2  }
0xb0: {  	[dreg:$0x4] =	wrdreg $0x84000  }
0xb1: {  	[dreg:$0x5] =	wrdreg $0x9  }
0xb2: {  	_ =	task.clear_ibuf [dreg:s7], $0x6FFFF;
	_ =	strace $0x90000049  }
0xb3: {  	s29 =	simm.s32 $0x9;
	_ =	strace $0x8000004B  }
0xb4: {  	_ =	swait.ge [sflag:s29], $0x1  }
0xb5: {  	[sflag:s29] =	ssyncadd.s32 $0xFFFFFFFF  }
0xb6: {  	_ =	strace $0x9000004B  }
0xb7: {  	_ =	sfence  }
0xb8: {  	s30 =	sld [smem:$0x0];
	_ =	sdelay $0x2  }
0xb9: {  	s31 =	sshll.u32 s1, $0xD;
	s1 =	sshrl.u32 s1, $0x2  }
0xba: {  	s3 =	sand.u32 $0x4000, s31;
	s1 =	sadd.s32 s1, s30  }
0xbb: {  	s0 =	sor.u32 s3, s0;
	s1 =	sshll.u32 s1, $0x11  }
0xbc: {  	s0 =	sor.u32 s1, s0  }
0xbd: {  	s0 =	sadd.s32 $0x8F2B, s0  }
0xbe: {  	[sflag:s0] =	ssyncadd.remote.s32 $0x1  }
0xbf: {  	_ =	sfence.sel $0xFFFF  }
0xc0: {  	[dreg:$0x0] =	wrdreg $0xFFFFFFFF;
	(pc) =	sbr.abs _section_cstart, $3  }
0xc1: {  	[dreg:$0x1] =	wrdreg $0xFFFFFFFF  }
0xc2: {  	_ =	task.clear_ibuf [dreg:s7], $0x2FFFF;
	_ =	strace $0x9FFFFFFF  }
0xc3: {  	(tm) =	ssettm $0x7FFFFFFF  }
tec
execute0_lowered:
.L_overlay_start_1:
0x0: {  	(tag) =	ssettag $0x1  }
0x1: {  	s0 =	rddreg [dreg:$0x0]  }
0x2: {  	s3 =	rddreg [dreg:$0x1]  }
0x3: {  	s1 =	rddreg [dreg:$0x2];
	s4 =	srdreg.scid;
	s2 =	simm.s32 $0x0  }
0x4: {  	s22 =	stileid.u32;
	s18 =	simm.s32 $0x7D600;
	s28 =	simm.s32 $0x0  }
0x5: {  	s13 =	sand.u32 $0x1, s4;
	[smem:$0x7FF] =	sst s2;
	s4 =	sadd.s32 $0x2E00, s0  }
0x6: {  	s5 =	sadd.s32 $0x52E00, s0;
	p0 =	slt.u32 s22, $0x2;
	s23 =	smul.u32 $0x50000, s22  }
0x7: {  	s8 =	sshll.u32 s22, $0x6;
	s15 =	sshll.u32 s22, $0x9;
	s25 =	smul.u32 $0x2800, s22  }
0x8: {  	s22 =	simm.s32 $0x1;
	s6 =	ssub.s32 $0x2, s13;
	_ =	strace $0x8000004A  }
0x9: {  	[dreg:$0x4] =	wrdreg s5;
	s9 =	sshll.u32 s13, $0x5;
	s16 =	sshll.u32 s13, $0x8  }
0xa: {  	s7 =	sshrl.u32 s6, $0x1;
	s9 =	sor.u32 s9, s8;
	s15 =	sor.u32 s16, s15  }
0xb: {  	s14 =	ssub.s32 s6, s7;
	s6 =	simm.s32 $0x4F;
	s7 =	sshrl.u32 s23, $0x2  }
0xc: {  	s19 =	sor.u32 $0xA000, s15;
	s30 =	sor.u32 $0x8000, s15;
	s23 =	simm.s32 $0x80  }
0xd: {  	s6 =	simm.s32 @!p0 $0x4E;
	s17 =	sadd.s32 s7, s1;
	s7 =	sor.u32 $0x1C09, s8  }
0xe: {  	s8 =	sadd.s32 s3, s9;
	p0 =	seq.s32 s13, $0x1;
	s13 =	smax.u32 s14, $0x1  }
0xf: {  	s26 =	sshrl.u32 s19, $0x3;
	s31 =	sshrl.u32 s30, $0x3;
	s19 =	simm.s32 $0x100  }
0x10: {  	s12 =	sxor.u32 $0xFFFFFFFF, s6;
	s9 =	sadd.s32 $0x400, s8;
	s24 =	sadd.s32 $0x800, s8  }
0x11: {  	s11 =	sadd.s32 $0xC00, s8;
	s18 =	simm.s32 @!p0 $0x55600;
	s29 =	sadd.s32 s26, s3  }
0x12: {  	s16 =	sadd.s32 s31, s3;
	s17 =	sshrl.u32 s17, $0x3;
	[dreg:$0x5] =	wrdreg s9  }
0x13: {  	[dreg:$0x6] =	wrdreg s24;
	s12 =	sand.u32 $0x1, s12;
	s0 =	sadd.s32 s18, s0  }
0x14: {  	s15 =	sadd.s32 $0xFFFFFC00, s29;
	s18 =	simm.s32 $0x9;
	s24 =	simm.s32 $0x400  }
0x15: {  	s12 =	sadd.s32 $0x7, s12;
	s14 =	sadd.s32 s0, s25;
	s25 =	simm.s32 $0x5  }
.LBB2_1:
0x16: {  	s0 =	rddreg [dreg:$0x4]  }
0x17: {  	[spmem:s17], [sflag:s7] =	dma.local [hbm:s0], $0x2800  }
0x18: {  	_ =	swait.ge [sflag:s18], $0x2800  }
0x19: {  	[sflag:s18] =	ssyncset.done $0x0  }
0x1a: {  	[sflag:s18] =	ssyncadd.s32 $0xFFFFD800  }
0x1b: {  	[bflag:$0x0] =	sbarrier.arrive $0xFFFF  }
0x1c: {  	[tilespmem:s2], [sflag:$0x1] =	stream.linear.gather [hbm4b:s8+s2], $0x100, $0x38;
	[tilespmem:$0x1C400] =	vst v63  }
0x1d: {  	s20 =	rddreg [dreg:$0x5]  }
0x1e: {  	[tilespmem:s19], [sflag:$0x2] =	stream.linear.gather [hbm4b:s20+s2], $0x100, $0x38;
	[tilespmem:$0x1C400] =	vst v63  }
0x1f: {  	s3 =	simm.s32 $0x200;
	s21 =	rddreg [dreg:$0x6]  }
0x20: {  	[tilespmem:s3], [sflag:$0x3] =	stream.linear.gather [hbm4b:s21+s2], $0x100, $0x38;
	[tilespmem:$0x1C400] =	vst v63  }
0x21: {  	s26 =	simm.s32 $0x300  }
0x22: {  	[tilespmem:s26], [sflag:$0x4] =	stream.linear.gather [hbm4b:s11+s2], $0x100, $0x38;
	[tilespmem:$0x1C400] =	vst v63  }
0x23: {  	_ =	swait.ge [sflag:s22], $0x100  }
0x24: {  	[sflag:s22] =	ssyncset.done $0x0  }
0x25: {  	[sflag:s22] =	ssyncadd.s32 $0xFFFFFF00  }
0x26: {  	[tilespmem:s24], [sflag:$0x5] =	stream.indirect.gather [hbm4b:s4+s23], $0x80, s2, s23, $0xb8;
	[tilespmem:$0x1C400] =	vst v63  }
0x27: {  	_ =	swait.ge [sflag:s25], $0x4000  }
0x28: {  	[sflag:s25] =	ssyncset.done $0x0  }
0x29: {  	s30 =	simm.s32 $0x2;
	[sflag:s25] =	ssyncadd.s32 $0xFFFFC000  }
0x2a: {  	[spmem:s1] =	stream.indirect.scatter.add.f32 [tilespmem:s24], [sflag:$0x7], $0x80, s23, s23, $0xb8;
	[tilespmem:$0x1C400] =	vst v63  }
0x2b: {  	s5 =	simm.s32 $0x1;
	s29 =	simm.s32 $0x400;
	_ =	swait.ge [sflag:s30], $0x100  }
0x2c: {  	s0 =	sand.u32 $0x1, s5;
	s31 =	sand.u32 $0xC00, s29;
	[sflag:s30] =	ssyncset.done $0x0  }
0x2d: {  	s20 =	sadd.s32 $0x5, s0;
	s3 =	simm.s32 $0x4400;
	[sflag:s30] =	ssyncadd.s32 $0xFFFFFF00  }
0x2e: {  	[tilespmem:s3], [sflag:$0x6] =	stream.indirect.gather [hbm4b:s4+s23], $0x80, s19, s23, $0xb8;
	[tilespmem:$0x1C400] =	vst v63  }
0x2f: {  	s9 =	sshll.u32 s0, $0xE;
	s31 =	sshrl.u32 s31, $0x2;
	_ =	swait.ge [sflag:s20], $0x4000  }
0x30: {  	s10 =	sor.u32 $0x80, s31;
	s21 =	sxor.u32 $0x1, s0;
	[sflag:s20] =	ssyncset.done $0x0  }
0x31: {  	s0 =	sadd.s32 $0x7, s0;
	s3 =	sor.u32 $0x400, s9;
	[sflag:s20] =	ssyncadd.s32 $0xFFFFC000  }
0x32: {  	[spmem:s1] =	stream.indirect.scatter.add.f32 [tilespmem:s3], [sflag:s0], $0x80, s10, s23, $0xb8;
	[tilespmem:$0x1C400] =	vst v63  }
0x33: {  	p0 =	sle.u32 s6, $0x4;
	s31 =	sadd.s32 $0x7, s21;
	s0 =	simm.s32 $0x4  }
0x34: {  	_ =	swait.ge [sflag:s31], $0x4000;
	s0 =	sand.u32 @!p0 $0x3, s0  }
0x35: {  	s3 =	sadd.s32 @!p0 $0x0, s16;
	[sflag:s31] =	ssyncset.done $0x0;
	s20 =	sshll.u32 @!p0 s0, $0x8  }
0x36: {  	s0 =	sadd.s32 @!p0 $0x1, s0;
	[sflag:s31] =	ssyncadd.s32 $0xFFFFC000;
	s31 =	simm.s32 @!p0 $0x0  }
0x37: {  	[tilespmem:s20], [sflag:s0] =	stream.linear.gather @!p0 [hbm4b:s3+s31], $0x100, $0x38;
	[tilespmem:$0x1C400] =	vst v63  }
0x38: {  	p0 =	sne.s32 s6, $0x3  }
.Ltmp0:
0x39: {  	_ = 	snop;
	(pc) =	sbr.rel @!p0 .LBB2_3-.Ltmp0, $4  }
0x3a: {  	s20 =	sand.u32 $0x3, s30  }
0x3b: {  	s26 =	sshll.u32 s21, $0xE;
	s0 =	sadd.s32 $0x1, s20  }
0x3c: {  	s21 =	sadd.s32 $0x5, s21;
	s31 =	simm.s32 $0x3;
	_ =	swait.ge [sflag:s0], $0x100  }
0x3d: {  	s3 =	sshll.u32 s20, $0x8;
	s20 =	sor.u32 $0x400, s26;
	[sflag:s0] =	ssyncset.done $0x0  }
.LBB2_2:
0x3e: {  	s30 =	smov.u32 s31  }
0x3f: {  	[sflag:s0] =	ssyncadd.s32 $0xFFFFFF00;
	s0 =	smov.u32 s31;
	s31 =	sadd.s32 $0x1, s31  }
0x40: {  	[tilespmem:s20], [sflag:s21] =	stream.indirect.gather [hbm4b:s4+s23], $0x80, s3, s23, $0xb8;
	[tilespmem:$0x1C400] =	vst v63  }
0x41: {  	p0 =	sne.s32 s6, s31;
	s3 =	smov.u32 s29  }
0x42: {  	s20 =	sadd.s32 $0xFFFFFFFF, s0;
	s21 =	sand.u32 $0x3, s0;
	s29 =	sadd.s32 $0x400, s29  }
0x43: {  	s0 =	sadd.s32 $0x2, s0;
	s20 =	sand.u32 $0x1, s20;
	s10 =	sand.u32 $0xC00, s29  }
0x44: {  	s26 =	sshll.u32 s20, $0xE;
	s5 =	sadd.s32 $0x5, s20;
	s9 =	sxor.u32 $0x1, s20  }
0x45: {  	p1 =	sge.u32 s0, s6;
	s20 =	sadd.s32 $0x7, s20;
	_ =	swait.ge [sflag:s5], $0x4000  }
0x46: {  	s10 =	sshrl.u32 s10, $0x2;
	s26 =	sor.u32 $0x400, s26;
	[sflag:s5] =	ssyncset.done $0x0  }
0x47: {  	[sflag:s5] =	ssyncadd.s32 $0xFFFFC000;
	s5 =	sor.u32 $0x80, s10;
	s10 =	sadd.s32 $0x7, s9  }
0x48: {  	[spmem:s1] =	stream.indirect.scatter.add.f32 [tilespmem:s26], [sflag:s20], $0x80, s5, s23, $0xb8;
	[tilespmem:$0x1C400] =	vst v63  }
0x49: {  	s0 =	sand.u32 @!p1 $0x3, s0;
	s5 =	sshll.u32 s9, $0xE;
	_ =	swait.ge [sflag:s10], $0x4000  }
0x4a: {  	s3 =	sadd.s32 @!p1 s3, s16;
	s20 =	sadd.s32 @!p1 $0x1, s0;
	[sflag:s10] =	ssyncset.done $0x0  }
.Ltmp1:
0x4b: {  	[sflag:s10] =	ssyncadd.s32 $0xFFFFC000;
	s10 =	sshll.u32 @!p1 s0, $0x8;
	(pc) =	sbr.rel @p0 .LBB2_2-.Ltmp1, $4  }
0x4c: {  	s26 =	simm.s32 @!p1 $0x0;
	s0 =	sadd.s32 $0x1, s21  }
0x4d: {  	[tilespmem:s10], [sflag:s20] =	stream.linear.gather @!p1 [hbm4b:s3+s26], $0x100, $0x38;
	[tilespmem:$0x1C400] =	vst v63  }
0x4e: {  	s3 =	sshll.u32 s21, $0x8;
	_ =	swait.ge [sflag:s0], $0x100  }
0x4f: {  	s20 =	sor.u32 $0x400, s5;
	s21 =	sadd.s32 $0x5, s9;
	[sflag:s0] =	ssyncset.done $0x0  }
.LBB2_3:
0x50: {  	[sflag:s0] =	ssyncadd.s32 $0xFFFFFF00;
	s30 =	sand.u32 $0x1, s30;
	s5 =	sadd.s32 $0x400, s29  }
0x51: {  	[tilespmem:s20], [sflag:s21] =	stream.indirect.gather [hbm4b:s4+s23], $0x80, s3, s23, $0xb8;
	[tilespmem:$0x1C400] =	vst v63  }
0x52: {  	s10 =	sadd.s32 $0x5, s30;
	s9 =	sshll.u32 s30, $0xE;
	s5 =	sand.u32 $0xC00, s5  }
0x53: {  	s21 =	sadd.s32 $0x7, s30;
	s0 =	sxor.u32 $0x1, s30;
	s30 =	sadd.s32 $0x2, s31  }
0x54: {  	_ =	swait.ge [sflag:s10], $0x4000;
	s9 =	sor.u32 $0x400, s9;
	s5 =	sshrl.u32 s5, $0x2  }
0x55: {  	s26 =	sadd.s32 $0x7, s0;
	p0 =	sge.u32 s30, s6;
	[sflag:s10] =	ssyncset.done $0x0  }
0x56: {  	s20 =	sor.u32 $0x80, s5;
	s5 =	sadd.s32 $0xFFFFFFFE, s31;
	[sflag:s10] =	ssyncadd.s32 $0xFFFFC000  }
0x57: {  	[spmem:s1] =	stream.indirect.scatter.add.f32 [tilespmem:s9], [sflag:s21], $0x80, s20, s23, $0xb8;
	[tilespmem:$0x1C400] =	vst v63  }
0x58: {  	s5 =	sand.u32 @!p0 $0x3, s5;
	_ =	swait.ge [sflag:s26], $0x4000  }
0x59: {  	s10 =	simm.s32 @!p0 $0x0;
	s3 =	sshll.u32 @!p0 s5, $0x8;
	[sflag:s26] =	ssyncset.done $0x0  }
0x5a: {  	s5 =	sadd.s32 @!p0 $0x1, s5;
	s9 =	sadd.s32 @!p0 s29, s15;
	[sflag:s26] =	ssyncadd.s32 $0xFFFFC000  }
0x5b: {  	[tilespmem:s3], [sflag:s5] =	stream.linear.gather @!p0 [hbm4b:s9+s10], $0x100, $0x38;
	[tilespmem:$0x1C400] =	vst v63  }
0x5c: {  	p0 =	sge.u32 s31, s6  }
0x5d: {  	s3 =	sand.u32 @!p0 $0x3, s31  }
0x5e: {  	s5 =	sadd.s32 @!p0 $0x1, s3  }
0x5f: {  	s9 =	sshll.u32 @!p0 s0, $0xE;
	_ =	swait.ge @!p0 [sflag:s5], $0x100  }
0x60: {  	s0 =	sadd.s32 @!p0 $0x5, s0;
	s3 =	sshll.u32 @!p0 s3, $0x8;
	[sflag:s5] =	ssyncset.done @!p0 $0x0  }
0x61: {  	[sflag:s5] =	ssyncadd.s32 @!p0 $0xFFFFFF00;
	s5 =	sor.u32 @!p0 $0x400, s9;
	s9 =	simm.s32 @!p0 $0x80  }
0x62: {  	[tilespmem:s5], [sflag:s0] =	stream.indirect.gather @!p0 [hbm4b:s4+s9], $0x80, s3, s9, $0xb8;
	[tilespmem:$0x1C400] =	vst v63  }
0x63: {  	_ =	swait.ge [sflag:s12], $0x4000  }
0x64: {  	s28 =	sadd.s32 $0x1, s28;
	[sflag:s12] =	ssyncset.done $0x0  }
0x65: {  	p0 =	sne.s32 s28, s13;
	[sflag:s12] =	ssyncadd.s32 $0xFFFFC000  }
.Ltmp2:
0x66: {  	[bflag:$0x0] =	sbarrier.arrive $0xFFFF;
	(pc) =	sbr.rel @p0 .LBB2_1-.Ltmp2, $4  }
0x67: {  	[hbm:s14], [sflag:s7] =	dma.local [spmem:s17], $0x2800  }
0x68: {  	_ =	swait.ge [sflag:s18], $0x2800  }
0x69: {  	[sflag:s18] =	ssyncset.done $0x0  }
0x6a: {  	[sflag:s18] =	ssyncadd.s32 $0xFFFFD800  }
0x6b: {  	_ =	sfence.sel $0x180000  }
0x6c: {  	[bflag:$0x0] =	sbarrier.arrive $0xFFFF  }
0x6d: {  	_ =	strace $0x9000004A  }
0x6e: {  	s0 =	stileid.u32;
	[bflag:$0x2] =	sbarrier.arrive $0xFFFF  }
0x6f: {  	p0 =	sne.s32 s0, $0x0;
	s0 =	rddreg [dreg:$0x3]  }
0x70: {  	s0 =	sadd.s32 @!p0 $0x100000, s0  }
0x71: {  	[sflag:s0] =	ssyncadd.tile.s32 @!p0 $0x1;
	_ =	shalt  }
.Lfunc_end2:
_tile_overlayer_lowered:
.L_overlay_start_2:
0x72: {  	(tag) =	ssettag $0x2  }
0x73: {  	s0 =	rddreg [dreg:$0x0];
	s2 =	stileid.u32  }
0x74: {  	s1 =	rddreg [dreg:$0x1];
	p0 =	sne.s32 s2, $0x0  }
0x75: {  	s3 =	rddreg [dreg:$0x2];
	[bflag:$0x3] =	sbarrier.arrive $0xFFFF;
	s2 =	simm.s32 @!p0 $0x1C09  }
0x76: {  	[timem:s3], [sflag:s2] =	dma.local @!p0 [hbm:s0], s1  }
0x77: {  	s0 =	simm.s32 @!p0 $0x9  }
0x78: {  	_ =	swait.ge @!p0 [sflag:s0], s1  }
0x79: {  	s1 =	ssub.s32 @!p0 $0x0, s1;
	[sflag:s0] =	ssyncset.done @!p0 $0x0  }
0x7a: {  	[sflag:s0] =	ssyncadd.s32 @!p0 s1  }
0x7b: {  	[bflag:$0x3] =	sbarrier.arrive $0xFFFF  }
0x7c: {  	_ =	shalt  }

// kernel: kernel.14.cloned.1.call-start
scs
__scs_entry_jumppad:
0x0: {  	(pc) =	sbr.rel $0x88, $3  }
0x1: {  	(tag) =	ssettag $0x0;
	lr =	simm.s32 $0x1  }
0x2: {  	[smem:$0x3F9B] =	sst lr;
	_ =	strace $0xD0000000  }
0x3: {  	_ = 	snop  }
0x4: {  	_ = 	snop  }
0x5: {  	_ = 	snop  }
0x6: {  	_ = 	snop  }
0x7: {  	_ = 	snop  }
__scs_overlays_trampoline_lowered:
0x8: {  	[smem:$0x3FAA] =	sst s0  }
0x9: {  	[smem:$0x3FAB] =	sst s1  }
0xa: {  	[smem:$0x3FAC] =	sst s2  }
0xb: {  	[smem:$0x3FAD] =	sst s3  }
0xc: {  	[smem:$0x3FAE] =	sst s4  }
0xd: {  	[smem:$0x3FAF] =	sst s5  }
0xe: {  	[smem:$0x3FB0] =	sst s6  }
0xf: {  	[smem:$0x3FB1] =	sst s7  }
0x10: {  	[smem:$0x3FB2] =	sst s8  }
0x11: {  	[smem:$0x3FB3] =	sst s9;
	s0 =	simm.s32 @!p0 $0x0  }
0x12: {  	s1 =	sld [smem:$0x3F99];
	s0 =	simm.s32 @p0 $0x1  }
0x13: {  	[smem:$0x3FB4] =	sst s0;
	s0 =	simm.s32 @!p1 $0x0  }
0x14: {  	s2 =	sld [smem:$0x3F98];
	s0 =	simm.s32 @p1 $0x1  }
0x15: {  	[smem:$0x3FB5] =	sst s0;
	s0 =	simm.s32 @!p2 $0x0  }
0x16: {  	s3 =	sld [smem:$0x3FDB];
	s0 =	simm.s32 @p2 $0x1  }
0x17: {  	s4 =	simm.s32 $0x1BF5;
	[smem:$0x3FB7] =	sst s0  }
0x18: {  	s0 =	sld [smem:$0x3F9A];
	_ =	swait.ge [sflag:s4], $0x0  }
0x19: {  	s7 =	sld [smem:$0x3F9B]  }
0x1a: {  	s8 =	sadd.s32 $0xFFFFE003, lr  }
0x1b: {  	s9 =	sadd.s32 $0xFFFFFEF7, lr;
	s5 =	simm.s32 $0xFFFFFFFF;
	p2 =	slt.u32 s8, $0xFFFFF086  }
0x1c: {  	p1 =	slt.u32 s9, $0xF7A;
	s5 =	simm.s32 @!p2 $0x0  }
0x1d: {  	s5 =	simm.s32 @p1 $0x1;
	p0 =	seq.s32 s7, s2  }
0x1e: {  	s7 =	smul.u32 @!p0 $0xF7A, s2;
	p2 =	seq.s32 @!p0 s5, $0x0  }
0x1f: {  	s9 =	smul.u32 $0xF7A, s1;
	s8 =	simm.s32 @!p0 $0x1BF5;
	p2 =	por !p2, p0  }
0x20: {  	[sflag:s8] =	ssyncset.s32 @!p0 $0xFFFFF086;
	s6 =	sadd.s32 @!p0 s3, s7;
	s7 =	simm.s32 @!p0 $0x108  }
0x21: {  	s3 =	sadd.s32 s3, s9;
	s6 =	sadd.s32 @!p0 $0x88, s6;
	s7 =	simm.s32 @p2 $0x1082  }
0x22: {  	[simem:s7], [sflag:s8] =	dma.local @!p0 [hbm:s6], $0xF7A  }
0x23: {  	s9 =	sor.u32 $0xD0000000, s2;
	s6 =	simm.s32 $0x108;
	_ =	swait.ge @!p0 [sflag:s8], $0x0  }
0x24: {  	s3 =	sadd.s32 $0x88, s3;
	s6 =	simm.s32 @!p1 $0x1082;
	[sflag:s4] =	ssyncset.s32 $0xFFFFF086  }
0x25: {  	[simem:s6], [sflag:s4] =	dma.local [hbm:s3], $0xF7A  }
0x26: {  	[smem:$0x3F9B] =	sst s1;
	(tag) =	ssettag s2;
	_ =	strace s9  }
0x27: {  	s1 =	sld [smem:$0x3FAB]  }
0x28: {  	s2 =	sld [smem:$0x3FAC]  }
0x29: {  	s4 =	sld [smem:$0x3FAE]  }
0x2a: {  	p0 =	seq.s32 s5, $0x0;
	s5 =	sld [smem:$0x3FAF]  }
0x2b: {  	s6 =	sld [smem:$0x3FB0]  }
0x2c: {  	s7 =	sld [smem:$0x3FB1]  }
0x2d: {  	s3 =	simm.s32 $0x108;
	s8 =	sld [smem:$0x3FB2]  }
0x2e: {  	s3 =	simm.s32 @!p0 $0x1082;
	s9 =	sld [smem:$0x3FB3]  }
0x2f: {  	lr =	sadd.s32 s0, s3;
	s0 =	sld [smem:$0x3FAA]  }
0x30: {  	s3 =	sld [smem:$0x3FAD]  }
0x31: {  	[smem:$0x3FB6] =	sst s10  }
0x32: {  	s10 =	sld [smem:$0x3FB4];
	_ =	sdelay $0x3  }
0x33: {  	p0 =	seq.s32 s10, $0x1;
	s10 =	sld [smem:$0x3FB6];
	_ =	sdelay $0x3  }
0x34: {  	[smem:$0x3FB6] =	sst s10  }
0x35: {  	s10 =	sld [smem:$0x3FB5];
	_ =	sdelay $0x3  }
0x36: {  	p1 =	seq.s32 s10, $0x1;
	s10 =	sld [smem:$0x3FB6];
	_ =	sdelay $0x3  }
0x37: {  	[smem:$0x3FB6] =	sst s10  }
0x38: {  	s10 =	sld [smem:$0x3FB7]  }
0x39: {  	_ = 	snop;
	(pc) =	sbr.ind lr, $3  }
0x3a: {  	_ = 	snop  }
0x3b: {  	_ = 	snop  }
0x3c: {  	p2 =	seq.s32 s10, $0x1;
	s10 =	sld [smem:$0x3FB6]  }
0x3d: {  	_ =	shalt  }
0x3e: {  	_ =	shalt  }
0x3f: {  	_ =	shalt  }
0x40: {  	_ =	shalt  }
0x41: {  	_ =	shalt  }
0x42: {  	_ =	shalt  }
0x43: {  	_ =	shalt  }
0x44: {  	_ =	shalt  }
0x45: {  	_ =	shalt  }
0x46: {  	_ =	shalt  }
0x47: {  	_ =	shalt  }
0x48: {  	_ =	shalt  }
0x49: {  	_ =	shalt  }
0x4a: {  	_ =	shalt  }
0x4b: {  	_ =	shalt  }
0x4c: {  	_ =	shalt  }
0x4d: {  	_ =	shalt  }
0x4e: {  	_ =	shalt  }
0x4f: {  	_ =	shalt  }
0x50: {  	_ =	shalt  }
0x51: {  	_ =	shalt  }
0x52: {  	_ =	shalt  }
0x53: {  	_ =	shalt  }
0x54: {  	_ =	shalt  }
0x55: {  	_ =	shalt  }
0x56: {  	_ =	shalt  }
0x57: {  	_ =	shalt  }
0x58: {  	_ =	shalt  }
0x59: {  	_ =	shalt  }
0x5a: {  	_ =	shalt  }
0x5b: {  	_ =	shalt  }
0x5c: {  	_ =	shalt  }
0x5d: {  	_ =	shalt  }
0x5e: {  	_ =	shalt  }
0x5f: {  	_ =	shalt  }
0x60: {  	_ =	shalt  }
0x61: {  	_ =	shalt  }
0x62: {  	_ =	shalt  }
0x63: {  	_ =	shalt  }
0x64: {  	_ =	shalt  }
0x65: {  	_ =	shalt  }
0x66: {  	_ =	shalt  }
0x67: {  	_ =	shalt  }
0x68: {  	_ =	shalt  }
0x69: {  	_ =	shalt  }
0x6a: {  	_ =	shalt  }
0x6b: {  	_ =	shalt  }
0x6c: {  	_ =	shalt  }
0x6d: {  	_ =	shalt  }
0x6e: {  	_ =	shalt  }
0x6f: {  	_ =	shalt  }
0x70: {  	_ =	shalt  }
0x71: {  	_ =	shalt  }
0x72: {  	_ =	shalt  }
0x73: {  	_ =	shalt  }
0x74: {  	_ =	shalt  }
0x75: {  	_ =	shalt  }
0x76: {  	_ =	shalt  }
0x77: {  	_ =	shalt  }
0x78: {  	_ =	shalt  }
0x79: {  	_ =	shalt  }
0x7a: {  	_ =	shalt  }
0x7b: {  	_ =	shalt  }
0x7c: {  	_ =	shalt  }
0x7d: {  	_ =	shalt  }
0x7e: {  	_ =	shalt  }
0x7f: {  	_ =	shalt  }
0x80: {  	_ =	shalt  }
0x81: {  	_ =	shalt  }
0x82: {  	_ =	shalt  }
0x83: {  	_ =	shalt  }
0x84: {  	_ =	shalt  }
0x85: {  	_ =	shalt  }
0x86: {  	_ =	shalt  }
0x87: {  	_ =	shalt  }
.Lfunc_end0:
.L_simem_size_0:
called_computation.2_lowered:
.L_overlay_start_0:
0x88: {  	s2 =	sld [smem:$0x3FD9]  }
0x89: {  	s3 =	sld [smem:$0x3FFE];
	_ =	sdelay $0x1  }
0x8a: {  	s1 =	srdreg.scid  }
0x8b: {  	s0 =	sand.u32 $0x1, s1  }
0x8c: {  	s17 =	sshll.u32 s0, $0xA;
	s2 =	sadd.s32 s3, s2  }
0x8d: {  	s2 =	sadd.s32 s2, s17  }
0x8e: {  	[smem:$0x3FC2] =	sst s2  }
0x8f: {  	_ = 	snop  }
0x90: {  	s2 =	sld [smem:$0x3FC8]  }
0x91: {  	s18 =	sld [smem:$0x3FD0];
	(tm) =	ssettm $0x1  }
0x92: {  	s4 =	sld [smem:$0x3FFB];
	_ =	sdelay $0x3  }
0x93: {  	_ =	strace s4  }
0x94: {  	s4 =	sld [smem:$0x3FFC];
	_ =	sdelay $0x3  }
0x95: {  	_ =	strace s4  }
0x96: {  	s4 =	sld [smem:$0x3FFD];
	_ =	sdelay $0x3  }
0x97: {  	_ =	strace s4  }
0x98: {  	_ =	strace $0x8FFFFFFF  }
0x99: {  	s19 =	sld [smem:$0x3FDB];
	_ =	sdelay $0x1  }
0x9a: {  	s5 =	simm.s32 $_scs_section_size  }
0x9b: {  	s6 =	simm.s32 $_size__tile_overlayer_lowered;
	s7 =	simm.s32 $_tile_overlayer_lowered  }
0x9c: {  	s22 =	simm.s32 $0x1BFF;
	s21 =	sshll.u32 s7, $0x1;
	s4 =	sadd.s32 s5, s19  }
0x9d: {  	s8 =	simm.s32 $0x0;
	s20 =	sshll.u32 s6, $0x1;
	s6 =	sadd.s32 s21, s4  }
0x9e: {  	[timem:s8], [sflag:s22] =	dma.local [hbm:s6], s20  }
0x9f: {  	_ =	swait.ge [sflag:s22], s20  }
0xa0: {  	s5 =	ssub.s32 $0x0, s20;
	[sflag:s22] =	ssyncset.done $0x0  }
0xa1: {  	[sflag:s22] =	ssyncadd.s32 s5;
	_ =	sdelay $0x1  }
0xa2: {  	s23 =	simm.s32 $0x1B8B  }
0xa3: {  	_ =	swait.ge [sflag:s23], $0x1  }
0xa4: {  	[sflag:s23] =	ssyncset.done $0x0  }
0xa5: {  	s25 =	simm.s32 $0x1B8E;
	s24 =	sld [smem:$0x3FFE];
	[sflag:s23] =	ssyncadd.s32 $0xFFFFFFFF  }
0xa6: {  	s26 =	simm.s32 $execute0_lowered;
	[smem:$0x3FD2] =	sst s25  }
0xa7: {  	s6 =	sshll.u32 s26, $0x1;
	_ =	strace $0x8000004C;
	[dreg:$0x1] =	wrdreg $0xFFFFFFFF  }
0xa8: {  	s28 =	simm.s32 $_size_execute0_lowered;
	s4 =	sadd.s32 s4, s6;
	[dreg:$0x0] =	wrdreg $0x0  }
0xa9: {  	s6 =	sshll.u32 s28, $0x1;
	[dreg:$0x2] =	wrdreg s4  }
0xaa: {  	[dreg:$0x3] =	wrdreg s6  }
0xab: {  	[dreg:$0x4] =	wrdreg $0xC0  }
0xac: {  	_ =	task [dreg:s8], $0x5FFFF  }
0xad: {  	[dreg:$0x1] =	wrdreg $0xFFFFFFFF  }
0xae: {  	[dreg:$0x0] =	wrdreg $0x60  }
0xaf: {  	[dreg:$0x2] =	wrdreg s24  }
0xb0: {  	[dreg:$0x3] =	wrdreg s2  }
0xb1: {  	[dreg:$0x4] =	wrdreg s18  }
0xb2: {  	[dreg:$0x5] =	wrdreg $0x7800  }
0xb3: {  	[dreg:$0x6] =	wrdreg $0x0  }
0xb4: {  	[dreg:$0x7] =	wrdreg $0x9  }
0xb5: {  	_ =	task.clear_ibuf [dreg:s8], $0x8FFFF;
	_ =	strace $0x9000004C  }
0xb6: {  	s29 =	simm.s32 $0x9;
	_ =	strace $0x8000004E  }
0xb7: {  	_ =	swait.ge [sflag:s29], $0x1  }
0xb8: {  	[sflag:s29] =	ssyncadd.s32 $0xFFFFFFFF  }
0xb9: {  	_ =	strace $0x9000004E  }
0xba: {  	_ =	sfence  }
0xbb: {  	s30 =	sld [smem:$0x0];
	_ =	sdelay $0x2  }
0xbc: {  	s31 =	sshll.u32 s1, $0xD;
	s1 =	sshrl.u32 s1, $0x2  }
0xbd: {  	s3 =	sand.u32 $0x4000, s31;
	s1 =	sadd.s32 s1, s30  }
0xbe: {  	s0 =	sor.u32 s3, s0;
	s1 =	sshll.u32 s1, $0x11  }
0xbf: {  	s0 =	sor.u32 s1, s0  }
0xc0: {  	s0 =	sadd.s32 $0x8F2B, s0  }
0xc1: {  	[sflag:s0] =	ssyncadd.remote.s32 $0x1  }
0xc2: {  	_ =	sfence.sel $0xFFFF  }
0xc3: {  	[dreg:$0x0] =	wrdreg $0xFFFFFFFF;
	(pc) =	sbr.abs _section_cstart, $3  }
0xc4: {  	[dreg:$0x1] =	wrdreg $0xFFFFFFFF  }
0xc5: {  	_ =	task.clear_ibuf [dreg:s8], $0x2FFFF;
	_ =	strace $0x9FFFFFFF  }
0xc6: {  	(tm) =	ssettm $0x7FFFFFFF  }
0xc7: {  	_ =	shalt  }
tec
execute0_lowered:
.L_overlay_start_1:
0x0: {  	(tag) =	ssettag $0x1  }
0x1: {  	s0 =	rddreg [dreg:$0x0]  }
0x2: {  	s1 =	rddreg [dreg:$0x1]  }
0x3: {  	s3 =	rddreg [dreg:$0x3]  }
0x4: {  	s4 =	rddreg [dreg:$0x4]  }
0x5: {  	s13 =	stileid.u32;
	s6 =	srdreg.scid;
	s5 =	simm.s32 $0x0  }
0x6: {  	s19 =	simm.s32 $0x9;
	s21 =	simm.s32 $0x280;
	s28 =	simm.s32 $0x680  }
0x7: {  	s29 =	simm.s32 $0x5;
	s2 =	smul.u32 $0x280, s13;
	s8 =	sand.u32 $0x1, s6  }
0x8: {  	s22 =	smul.u32 $0x500, s13;
	[smem:$0x7FF] =	sst s5;
	p0 =	slt.u32 s13, $0x2  }
0x9: {  	s23 =	sshll.u32 s13, $0x6;
	s13 =	sshll.u32 s13, $0x9;
	s7 =	sshll.u32 s8, $0x7  }
0xa: {  	_ =	strace $0x8000004D;
	s10 =	ssub.s32 $0x2, s8;
	s24 =	sshll.u32 s8, $0x5  }
0xb: {  	s8 =	sshll.u32 s8, $0x8;
	s9 =	sshrl.u32 s2, $0x3;
	s6 =	sor.u32 s7, s22  }
0xc: {  	s11 =	sshrl.u32 s10, $0x1;
	s18 =	sadd.s32 s2, s3;
	s2 =	sadd.s32 s2, s4  }
0xd: {  	s8 =	sor.u32 s8, s13;
	s22 =	simm.s32 $0x380;
	s9 =	sadd.s32 s9, s0  }
0xe: {  	s7 =	sshrl.u32 s6, $0x3;
	s6 =	simm.s32 $0x4F;
	s15 =	ssub.s32 s10, s11  }
0xf: {  	s10 =	sor.u32 s24, s23;
	s16 =	sor.u32 $0xA000, s8;
	s8 =	sor.u32 $0x8000, s8  }
0x10: {  	s18 =	sshrl.u32 s18, $0x3;
	s20 =	sshrl.u32 s2, $0x3;
	s2 =	simm.s32 $0x0  }
0x11: {  	s0 =	sadd.s32 s7, s0;
	s6 =	simm.s32 @!p0 $0x4E;
	s7 =	sor.u32 $0x1C09, s23  }
0x12: {  	s9 =	sadd.s32 $0x2E00, s9;
	s30 =	sshrl.u32 s16, $0x3;
	s31 =	smax.u32 s15, $0x1  }
0x13: {  	s8 =	sshrl.u32 s8, $0x3;
	s12 =	sxor.u32 $0xFFFFFFFF, s6;
	[dreg:$0x6] =	wrdreg s9  }
0x14: {  	s9 =	sadd.s32 s1, s10;
	s0 =	sadd.s32 $0x3400, s0;
	[dreg:$0xb] =	wrdreg s31  }
0x15: {  	s17 =	sadd.s32 s8, s1;
	s10 =	sadd.s32 $0x400, s9;
	[dreg:$0xa] =	wrdreg s0  }
0x16: {  	s25 =	sadd.s32 $0x800, s9;
	s14 =	sand.u32 $0x1, s12;
	[dreg:$0x7] =	wrdreg s10  }
0x17: {  	s26 =	sadd.s32 $0xC00, s9;
	s0 =	sadd.s32 s30, s1;
	[dreg:$0x8] =	wrdreg s25  }
0x18: {  	[dreg:$0x9] =	wrdreg s26;
	s13 =	sadd.s32 $0x7, s14;
	s0 =	sadd.s32 $0xFFFFFC00, s0  }
0x19: {  	s25 =	simm.s32 $0x1;
	s26 =	simm.s32 $0x80;
	[dreg:$0xc] =	wrdreg s0  }
.LBB2_1:
0x1a: {  	s0 =	rddreg [dreg:$0x2]  }
0x1b: {  	[spmem:s18], [sflag:s7] =	dma.local [hbm:s0], $0x50  }
0x1c: {  	_ =	swait.ge [sflag:s19], $0x50  }
0x1d: {  	[sflag:s19] =	ssyncset.done $0x0  }
0x1e: {  	s14 =	rddreg [dreg:$0x6];
	[sflag:s19] =	ssyncadd.s32 $0xFFFFFFB0  }
0x1f: {  	[spmem:s20], [sflag:s7] =	dma.local [hbm:s14], $0x50  }
0x20: {  	_ =	swait.ge [sflag:s19], $0x50  }
0x21: {  	[sflag:s19] =	ssyncset.done $0x0  }
0x22: {  	[sflag:s19] =	ssyncadd.s32 $0xFFFFFFB0  }
0x23: {  	[bflag:$0x0] =	sbarrier.arrive $0xFFFF  }
0x24: {  	[tilespmem:s21], [sflag:$0x1] =	stream.linear.gather [hbm4b:s9+s5], $0x100, $0x38;
	[tilespmem:$0xA00] =	vst v63  }
0x25: {  	s15 =	rddreg [dreg:$0x7]  }
0x26: {  	[tilespmem:s22], [sflag:$0x2] =	stream.linear.gather [hbm4b:s15+s5], $0x100, $0x38;
	[tilespmem:$0xA00] =	vst v63  }
0x27: {  	s1 =	simm.s32 $0x480;
	s16 =	rddreg [dreg:$0x8]  }
0x28: {  	[tilespmem:s1], [sflag:$0x3] =	stream.linear.gather [hbm4b:s16+s5], $0x100, $0x38;
	[tilespmem:$0xA00] =	vst v63  }
0x29: {  	s24 =	simm.s32 $0x580;
	s23 =	rddreg [dreg:$0x9]  }
0x2a: {  	[tilespmem:s24], [sflag:$0x4] =	stream.linear.gather [hbm4b:s23+s5], $0x100, $0x38;
	[tilespmem:$0xA00] =	vst v63  }
0x2b: {  	_ =	swait.ge [sflag:s25], $0x100  }
0x2c: {  	[sflag:s25] =	ssyncset.done $0x0  }
0x2d: {  	[sflag:s25] =	ssyncadd.s32 $0xFFFFFF00  }
0x2e: {  	[tilespmem:s28], [sflag:$0x5] =	stream.indirect.gather [spmem:s4], $0x1, s21, s26, $0xb8;
	[tilespmem:$0xA00] =	vst v63  }
0x2f: {  	_ =	swait.ge [sflag:s29], $0x80  }
0x30: {  	[sflag:s29] =	ssyncset.done $0x0  }
0x31: {  	s30 =	simm.s32 $0x2;
	s1 =	simm.s32 $0x300;
	[sflag:s29] =	ssyncadd.s32 $0xFFFFFF80  }
0x32: {  	[spmem:s3] =	stream.indirect.scatter.add.f32 [tilespmem:s28], [sflag:$0x7], $0x1, s1, s26, $0xb8;
	[tilespmem:$0xA00] =	vst v63  }
0x33: {  	_ =	swait.ge [sflag:s30], $0x100  }
0x34: {  	s8 =	simm.s32 $0x700;
	s10 =	simm.s32 $0x1;
	[sflag:s30] =	ssyncset.done $0x0  }
0x35: {  	s0 =	sand.u32 $0x1, s10;
	s23 =	simm.s32 $0x400;
	[sflag:s30] =	ssyncadd.s32 $0xFFFFFF00  }
0x36: {  	[tilespmem:s8], [sflag:$0x6] =	stream.indirect.gather [spmem:s4], $0x1, s22, s26, $0xb8;
	[tilespmem:$0xA00] =	vst v63  }
0x37: {  	s31 =	sand.u32 $0xC00, s23;
	s8 =	sadd.s32 $0x5, s0  }
0x38: {  	s11 =	sshll.u32 s0, $0x7;
	s31 =	sshrl.u32 s31, $0x2;
	_ =	swait.ge [sflag:s8], $0x80  }
0x39: {  	s24 =	sadd.s32 $0x7, s0;
	s12 =	sadd.s32 $0x300, s31;
	[sflag:s8] =	ssyncset.done $0x0  }
0x3a: {  	s1 =	sadd.s32 $0x680, s11;
	s0 =	sxor.u32 $0x1, s0;
	[sflag:s8] =	ssyncadd.s32 $0xFFFFFF80  }
0x3b: {  	[spmem:s3] =	stream.indirect.scatter.add.f32 [tilespmem:s1], [sflag:s24], $0x1, s12, s26, $0xb8;
	[tilespmem:$0xA00] =	vst v63  }
0x3c: {  	p0 =	sle.u32 s6, $0x4;
	s14 =	sadd.s32 $0x7, s0;
	s1 =	simm.s32 $0x4  }
0x3d: {  	s8 =	sadd.s32 @!p0 $0x0, s17;
	s1 =	sand.u32 @!p0 $0x3, s1;
	_ =	swait.ge [sflag:s14], $0x80  }
0x3e: {  	s24 =	simm.s32 @!p0 $0x0;
	s31 =	sshll.u32 @!p0 s1, $0x8;
	[sflag:s14] =	ssyncset.done $0x0  }
0x3f: {  	s1 =	sadd.s32 @!p0 $0x1, s1;
	s31 =	sadd.s32 @!p0 $0x280, s31;
	[sflag:s14] =	ssyncadd.s32 $0xFFFFFF80  }
0x40: {  	[tilespmem:s31], [sflag:s1] =	stream.linear.gather @!p0 [hbm4b:s8+s24], $0x100, $0x38;
	[tilespmem:$0xA00] =	vst v63  }
0x41: {  	p0 =	sne.s32 s6, $0x3  }
.Ltmp0:
0x42: {  	_ = 	snop;
	(pc) =	sbr.rel @!p0 .LBB2_3-.Ltmp0, $4  }
0x43: {  	s15 =	sand.u32 $0x3, s30  }
0x44: {  	s10 =	sshll.u32 s15, $0x8;
	s16 =	sshll.u32 s0, $0x7;
	s31 =	sadd.s32 $0x1, s15  }
0x45: {  	s0 =	sadd.s32 $0x5, s0;
	s24 =	simm.s32 $0x3;
	_ =	swait.ge [sflag:s31], $0x100  }
0x46: {  	s1 =	sadd.s32 $0x680, s16;
	s8 =	sadd.s32 $0x280, s10;
	[sflag:s31] =	ssyncset.done $0x0  }
.LBB2_2:
0x47: {  	s30 =	smov.u32 s24  }
0x48: {  	s10 =	smov.u32 s24;
	s24 =	sadd.s32 $0x1, s24;
	[sflag:s31] =	ssyncadd.s32 $0xFFFFFF00  }
0x49: {  	[tilespmem:s1], [sflag:s0] =	stream.indirect.gather [spmem:s4], $0x1, s8, s26, $0xb8;
	[tilespmem:$0xA00] =	vst v63  }
0x4a: {  	p0 =	sne.s32 s6, s24;
	s0 =	smov.u32 s23  }
0x4b: {  	s1 =	sadd.s32 $0xFFFFFFFF, s10;
	s8 =	sadd.s32 $0x2, s10;
	s10 =	sand.u32 $0x3, s10  }
0x4c: {  	s23 =	sadd.s32 $0x400, s23;
	s1 =	sand.u32 $0x1, s1;
	s31 =	sadd.s32 $0x1, s10  }
0x4d: {  	s11 =	sshll.u32 s1, $0x7;
	s12 =	sadd.s32 $0x5, s1;
	s14 =	sadd.s32 $0x7, s1  }
0x4e: {  	s15 =	sand.u32 $0xC00, s23;
	s1 =	sxor.u32 $0x1, s1;
	_ =	swait.ge [sflag:s12], $0x80  }
0x4f: {  	s15 =	sshrl.u32 s15, $0x2;
	s16 =	sadd.s32 $0x7, s1;
	[sflag:s12] =	ssyncset.done $0x0  }
0x50: {  	p1 =	sge.u32 s8, s6;
	s11 =	sadd.s32 $0x680, s11;
	[sflag:s12] =	ssyncadd.s32 $0xFFFFFF80  }
0x51: {  	s8 =	sand.u32 @!p1 $0x3, s8;
	s12 =	sadd.s32 $0x300, s15;
	s15 =	simm.s32 @!p1 $0x0  }
0x52: {  	[spmem:s3] =	stream.indirect.scatter.add.f32 [tilespmem:s11], [sflag:s14], $0x1, s12, s26, $0xb8;
	[tilespmem:$0xA00] =	vst v63  }
0x53: {  	s11 =	sshll.u32 @!p1 s8, $0x8;
	s8 =	sadd.s32 @!p1 $0x1, s8;
	_ =	swait.ge [sflag:s16], $0x80  }
.Ltmp1:
0x54: {  	s11 =	sadd.s32 @!p1 $0x280, s11;
	[sflag:s16] =	ssyncset.done $0x0;
	(pc) =	sbr.rel @p0 .LBB2_2-.Ltmp1, $4  }
0x55: {  	s0 =	sadd.s32 @!p1 s0, s17;
	s12 =	sshll.u32 s1, $0x7;
	[sflag:s16] =	ssyncadd.s32 $0xFFFFFF80  }
0x56: {  	[tilespmem:s11], [sflag:s8] =	stream.linear.gather @!p1 [hbm4b:s0+s15], $0x100, $0x38;
	[tilespmem:$0xA00] =	vst v63  }
0x57: {  	s8 =	sshll.u32 s10, $0x8;
	s0 =	sadd.s32 $0x5, s1;
	_ =	swait.ge [sflag:s31], $0x100  }
0x58: {  	s1 =	sadd.s32 $0x680, s12;
	s8 =	sadd.s32 $0x280, s8;
	[sflag:s31] =	ssyncset.done $0x0  }
.LBB2_3:
0x59: {  	[sflag:s31] =	ssyncadd.s32 $0xFFFFFF00  }
0x5a: {  	s30 =	sand.u32 $0x1, s30;
	s11 =	sadd.s32 $0x400, s23;
	s15 =	sadd.s32 $0x2, s24  }
0x5b: {  	[tilespmem:s1], [sflag:s0] =	stream.indirect.gather [spmem:s4], $0x1, s8, s26, $0xb8;
	[tilespmem:$0xA00] =	vst v63  }
0x5c: {  	s31 =	sadd.s32 $0x5, s30;
	s10 =	sshll.u32 s30, $0x7;
	s8 =	sand.u32 $0xC00, s11  }
0x5d: {  	s14 =	sadd.s32 $0x7, s30;
	s0 =	sxor.u32 $0x1, s30;
	p0 =	sge.u32 s15, s6  }
0x5e: {  	s1 =	sadd.s32 $0xFFFFFFFE, s24;
	_ =	swait.ge [sflag:s31], $0x80;
	s10 =	sadd.s32 $0x680, s10  }
0x5f: {  	s8 =	sshrl.u32 s8, $0x2;
	s16 =	sadd.s32 $0x7, s0;
	[sflag:s31] =	ssyncset.done $0x0  }
0x60: {  	s1 =	sand.u32 @!p0 $0x3, s1;
	s12 =	sadd.s32 $0x300, s8;
	[sflag:s31] =	ssyncadd.s32 $0xFFFFFF80  }
0x61: {  	[spmem:s3] =	stream.indirect.scatter.add.f32 [tilespmem:s10], [sflag:s14], $0x1, s12, s26, $0xb8;
	[tilespmem:$0xA00] =	vst v63  }
0x62: {  	s11 =	simm.s32 @!p0 $0x0;
	s10 =	sshll.u32 @!p0 s1, $0x8;
	_ =	swait.ge [sflag:s16], $0x80  }
0x63: {  	s8 =	sadd.s32 @!p0 $0x280, s10;
	[sflag:s16] =	ssyncset.done $0x0;
	s10 =	rddreg [dreg:$0xc]  }
0x64: {  	s1 =	sadd.s32 @!p0 $0x1, s1;
	[sflag:s16] =	ssyncadd.s32 $0xFFFFFF80;
	s10 =	sadd.s32 @!p0 s23, s10  }
0x65: {  	[tilespmem:s8], [sflag:s1] =	stream.linear.gather @!p0 [hbm4b:s10+s11], $0x100, $0x38;
	[tilespmem:$0xA00] =	vst v63  }
0x66: {  	p0 =	sge.u32 s24, s6  }
0x67: {  	s1 =	sand.u32 @!p0 $0x3, s24  }
0x68: {  	s8 =	sadd.s32 @!p0 $0x1, s1  }
0x69: {  	s10 =	sshll.u32 @!p0 s0, $0x7;
	s1 =	sshll.u32 @!p0 s1, $0x8;
	_ =	swait.ge @!p0 [sflag:s8], $0x100  }
0x6a: {  	s0 =	sadd.s32 @!p0 $0x5, s0;
	s1 =	sadd.s32 @!p0 $0x280, s1;
	[sflag:s8] =	ssyncset.done @!p0 $0x0  }
0x6b: {  	[sflag:s8] =	ssyncadd.s32 @!p0 $0xFFFFFF00;
	s8 =	sadd.s32 @!p0 $0x680, s10;
	s10 =	simm.s32 @!p0 $0x80  }
0x6c: {  	[tilespmem:s8], [sflag:s0] =	stream.indirect.gather @!p0 [spmem:s4], $0x1, s1, s10, $0xb8;
	[tilespmem:$0xA00] =	vst v63  }
0x6d: {  	_ =	swait.ge [sflag:s13], $0x80  }
0x6e: {  	[sflag:s13] =	ssyncset.done $0x0  }
0x6f: {  	[sflag:s13] =	ssyncadd.s32 $0xFFFFFF80  }
0x70: {  	[bflag:$0x0] =	sbarrier.arrive $0xFFFF  }
0x71: {  	s30 =	simm.s32 $0x10;
	s24 =	simm.s32 $0x20;
	s23 =	rddreg [dreg:$0xa]  }
0x72: {  	[hbm:s23@s24], [sflag:s7] =	dma.strided [spmem:s18@s30], $0x50, s25, $0x10   }
0x73: {  	_ =	swait.ge [sflag:s19], $0x50  }
0x74: {  	s2 =	sadd.s32 $0x1, s2;
	s31 =	rddreg [dreg:$0xb]  }
0x75: {  	p0 =	sne.s32 s2, s31  }
.Ltmp2:
0x76: {  	_ = 	snop;
	(pc) =	sbr.rel @p0 .LBB2_1-.Ltmp2, $3  }
0x77: {  	_ =	sdelay $0x1  }
0x78: {  	[sflag:s19] =	ssyncset.done $0x0  }
0x79: {  	[sflag:s19] =	ssyncadd.s32 $0xFFFFFFB0  }
0x7a: {  	_ =	sfence.sel $0x180000  }
0x7b: {  	[bflag:$0x0] =	sbarrier.arrive $0xFFFF  }
0x7c: {  	_ =	strace $0x9000004D  }
0x7d: {  	s0 =	stileid.u32;
	[bflag:$0x2] =	sbarrier.arrive $0xFFFF  }
0x7e: {  	p0 =	sne.s32 s0, $0x0;
	s0 =	rddreg [dreg:$0x5]  }
0x7f: {  	s0 =	sadd.s32 @!p0 $0x100000, s0  }
0x80: {  	[sflag:s0] =	ssyncadd.tile.s32 @!p0 $0x1;
	_ =	shalt  }
.Lfunc_end2:
_tile_overlayer_lowered:
.L_overlay_start_2:
0x81: {  	(tag) =	ssettag $0x2  }
0x82: {  	s0 =	rddreg [dreg:$0x0];
	s2 =	stileid.u32  }
0x83: {  	s1 =	rddreg [dreg:$0x1];
	p0 =	sne.s32 s2, $0x0  }
0x84: {  	s3 =	rddreg [dreg:$0x2];
	[bflag:$0x3] =	sbarrier.arrive $0xFFFF;
	s2 =	simm.s32 @!p0 $0x1C09  }
0x85: {  	[timem:s3], [sflag:s2] =	dma.local @!p0 [hbm:s0], s1  }
0x86: {  	s0 =	simm.s32 @!p0 $0x9  }
0x87: {  	_ =	swait.ge @!p0 [sflag:s0], s1  }
0x88: {  	s1 =	ssub.s32 @!p0 $0x0, s1;
	[sflag:s0] =	ssyncset.done @!p0 $0x0  }
0x89: {  	[sflag:s0] =	ssyncadd.s32 @!p0 s1  }
0x8a: {  	[bflag:$0x3] =	sbarrier.arrive $0xFFFF  }
0x8b: {  	_ =	shalt  }

// kernel: kernel.8.cloned.1.call-start
scs
__scs_entry_jumppad:
0x0: {  	(pc) =	sbr.rel $0x88, $3  }
0x1: {  	(tag) =	ssettag $0x0;
	lr =	simm.s32 $0x1  }
0x2: {  	[smem:$0x3F9B] =	sst lr;
	_ =	strace $0xD0000000  }
0x3: {  	_ = 	snop  }
0x4: {  	_ = 	snop  }
0x5: {  	_ = 	snop  }
0x6: {  	_ = 	snop  }
0x7: {  	_ = 	snop  }
__scs_overlays_trampoline_lowered:
0x8: {  	[smem:$0x3FAA] =	sst s0  }
0x9: {  	[smem:$0x3FAB] =	sst s1  }
0xa: {  	[smem:$0x3FAC] =	sst s2  }
0xb: {  	[smem:$0x3FAD] =	sst s3  }
0xc: {  	[smem:$0x3FAE] =	sst s4  }
0xd: {  	[smem:$0x3FAF] =	sst s5  }
0xe: {  	[smem:$0x3FB0] =	sst s6  }
0xf: {  	[smem:$0x3FB1] =	sst s7  }
0x10: {  	[smem:$0x3FB2] =	sst s8  }
0x11: {  	[smem:$0x3FB3] =	sst s9;
	s0 =	simm.s32 @!p0 $0x0  }
0x12: {  	s1 =	sld [smem:$0x3F99];
	s0 =	simm.s32 @p0 $0x1  }
0x13: {  	[smem:$0x3FB4] =	sst s0;
	s0 =	simm.s32 @!p1 $0x0  }
0x14: {  	s2 =	sld [smem:$0x3F98];
	s0 =	simm.s32 @p1 $0x1  }
0x15: {  	[smem:$0x3FB5] =	sst s0;
	s0 =	simm.s32 @!p2 $0x0  }
0x16: {  	s3 =	sld [smem:$0x3FDB];
	s0 =	simm.s32 @p2 $0x1  }
0x17: {  	s4 =	simm.s32 $0x1BF5;
	[smem:$0x3FB7] =	sst s0  }
0x18: {  	s0 =	sld [smem:$0x3F9A];
	_ =	swait.ge [sflag:s4], $0x0  }
0x19: {  	s7 =	sld [smem:$0x3F9B]  }
0x1a: {  	s8 =	sadd.s32 $0xFFFFE003, lr  }
0x1b: {  	s9 =	sadd.s32 $0xFFFFFEF7, lr;
	s5 =	simm.s32 $0xFFFFFFFF;
	p2 =	slt.u32 s8, $0xFFFFF086  }
0x1c: {  	p1 =	slt.u32 s9, $0xF7A;
	s5 =	simm.s32 @!p2 $0x0  }
0x1d: {  	s5 =	simm.s32 @p1 $0x1;
	p0 =	seq.s32 s7, s2  }
0x1e: {  	s7 =	smul.u32 @!p0 $0xF7A, s2;
	p2 =	seq.s32 @!p0 s5, $0x0  }
0x1f: {  	s9 =	smul.u32 $0xF7A, s1;
	s8 =	simm.s32 @!p0 $0x1BF5;
	p2 =	por !p2, p0  }
0x20: {  	[sflag:s8] =	ssyncset.s32 @!p0 $0xFFFFF086;
	s6 =	sadd.s32 @!p0 s3, s7;
	s7 =	simm.s32 @!p0 $0x108  }
0x21: {  	s3 =	sadd.s32 s3, s9;
	s6 =	sadd.s32 @!p0 $0x88, s6;
	s7 =	simm.s32 @p2 $0x1082  }
0x22: {  	[simem:s7], [sflag:s8] =	dma.local @!p0 [hbm:s6], $0xF7A  }
0x23: {  	s9 =	sor.u32 $0xD0000000, s2;
	s6 =	simm.s32 $0x108;
	_ =	swait.ge @!p0 [sflag:s8], $0x0  }
0x24: {  	s3 =	sadd.s32 $0x88, s3;
	s6 =	simm.s32 @!p1 $0x1082;
	[sflag:s4] =	ssyncset.s32 $0xFFFFF086  }
0x25: {  	[simem:s6], [sflag:s4] =	dma.local [hbm:s3], $0xF7A  }
0x26: {  	[smem:$0x3F9B] =	sst s1;
	(tag) =	ssettag s2;
	_ =	strace s9  }
0x27: {  	s1 =	sld [smem:$0x3FAB]  }
0x28: {  	s2 =	sld [smem:$0x3FAC]  }
0x29: {  	s4 =	sld [smem:$0x3FAE]  }
0x2a: {  	p0 =	seq.s32 s5, $0x0;
	s5 =	sld [smem:$0x3FAF]  }
0x2b: {  	s6 =	sld [smem:$0x3FB0]  }
0x2c: {  	s7 =	sld [smem:$0x3FB1]  }
0x2d: {  	s3 =	simm.s32 $0x108;
	s8 =	sld [smem:$0x3FB2]  }
0x2e: {  	s3 =	simm.s32 @!p0 $0x1082;
	s9 =	sld [smem:$0x3FB3]  }
0x2f: {  	lr =	sadd.s32 s0, s3;
	s0 =	sld [smem:$0x3FAA]  }
0x30: {  	s3 =	sld [smem:$0x3FAD]  }
0x31: {  	[smem:$0x3FB6] =	sst s10  }
0x32: {  	s10 =	sld [smem:$0x3FB4];
	_ =	sdelay $0x3  }
0x33: {  	p0 =	seq.s32 s10, $0x1;
	s10 =	sld [smem:$0x3FB6];
	_ =	sdelay $0x3  }
0x34: {  	[smem:$0x3FB6] =	sst s10  }
0x35: {  	s10 =	sld [smem:$0x3FB5];
	_ =	sdelay $0x3  }
0x36: {  	p1 =	seq.s32 s10, $0x1;
	s10 =	sld [smem:$0x3FB6];
	_ =	sdelay $0x3  }
0x37: {  	[smem:$0x3FB6] =	sst s10  }
0x38: {  	s10 =	sld [smem:$0x3FB7]  }
0x39: {  	_ = 	snop;
	(pc) =	sbr.ind lr, $3  }
0x3a: {  	_ = 	snop  }
0x3b: {  	_ = 	snop  }
0x3c: {  	p2 =	seq.s32 s10, $0x1;
	s10 =	sld [smem:$0x3FB6]  }
0x3d: {  	_ =	shalt  }
0x3e: {  	_ =	shalt  }
0x3f: {  	_ =	shalt  }
0x40: {  	_ =	shalt  }
0x41: {  	_ =	shalt  }
0x42: {  	_ =	shalt  }
0x43: {  	_ =	shalt  }
0x44: {  	_ =	shalt  }
0x45: {  	_ =	shalt  }
0x46: {  	_ =	shalt  }
0x47: {  	_ =	shalt  }
0x48: {  	_ =	shalt  }
0x49: {  	_ =	shalt  }
0x4a: {  	_ =	shalt  }
0x4b: {  	_ =	shalt  }
0x4c: {  	_ =	shalt  }
0x4d: {  	_ =	shalt  }
0x4e: {  	_ =	shalt  }
0x4f: {  	_ =	shalt  }
0x50: {  	_ =	shalt  }
0x51: {  	_ =	shalt  }
0x52: {  	_ =	shalt  }
0x53: {  	_ =	shalt  }
0x54: {  	_ =	shalt  }
0x55: {  	_ =	shalt  }
0x56: {  	_ =	shalt  }
0x57: {  	_ =	shalt  }
0x58: {  	_ =	shalt  }
0x59: {  	_ =	shalt  }
0x5a: {  	_ =	shalt  }
0x5b: {  	_ =	shalt  }
0x5c: {  	_ =	shalt  }
0x5d: {  	_ =	shalt  }
0x5e: {  	_ =	shalt  }
0x5f: {  	_ =	shalt  }
0x60: {  	_ =	shalt  }
0x61: {  	_ =	shalt  }
0x62: {  	_ =	shalt  }
0x63: {  	_ =	shalt  }
0x64: {  	_ =	shalt  }
0x65: {  	_ =	shalt  }
0x66: {  	_ =	shalt  }
0x67: {  	_ =	shalt  }
0x68: {  	_ =	shalt  }
0x69: {  	_ =	shalt  }
0x6a: {  	_ =	shalt  }
0x6b: {  	_ =	shalt  }
0x6c: {  	_ =	shalt  }
0x6d: {  	_ =	shalt  }
0x6e: {  	_ =	shalt  }
0x6f: {  	_ =	shalt  }
0x70: {  	_ =	shalt  }
0x71: {  	_ =	shalt  }
0x72: {  	_ =	shalt  }
0x73: {  	_ =	shalt  }
0x74: {  	_ =	shalt  }
0x75: {  	_ =	shalt  }
0x76: {  	_ =	shalt  }
0x77: {  	_ =	shalt  }
0x78: {  	_ =	shalt  }
0x79: {  	_ =	shalt  }
0x7a: {  	_ =	shalt  }
0x7b: {  	_ =	shalt  }
0x7c: {  	_ =	shalt  }
0x7d: {  	_ =	shalt  }
0x7e: {  	_ =	shalt  }
0x7f: {  	_ =	shalt  }
0x80: {  	_ =	shalt  }
0x81: {  	_ =	shalt  }
0x82: {  	_ =	shalt  }
0x83: {  	_ =	shalt  }
0x84: {  	_ =	shalt  }
0x85: {  	_ =	shalt  }
0x86: {  	_ =	shalt  }
0x87: {  	_ =	shalt  }
.Lfunc_end0:
.L_simem_size_0:
called_computation_lowered:
.L_overlay_start_0:
0x88: {  	s2 =	sld [smem:$0x3FD9]  }
0x89: {  	s3 =	sld [smem:$0x3FFE];
	_ =	sdelay $0x1  }
0x8a: {  	s1 =	srdreg.scid  }
0x8b: {  	s0 =	sand.u32 $0x1, s1  }
0x8c: {  	s17 =	sshll.u32 s0, $0xA;
	s2 =	sadd.s32 s3, s2  }
0x8d: {  	s2 =	sadd.s32 s2, s17  }
0x8e: {  	[smem:$0x3FC2] =	sst s2  }
0x8f: {  	_ = 	snop  }
0x90: {  	s2 =	sld [smem:$0x3FC8]  }
0x91: {  	s18 =	sld [smem:$0x3FD0];
	(tm) =	ssettm $0x1  }
0x92: {  	s4 =	sld [smem:$0x3FFB];
	_ =	sdelay $0x3  }
0x93: {  	_ =	strace s4  }
0x94: {  	s4 =	sld [smem:$0x3FFC];
	_ =	sdelay $0x3  }
0x95: {  	_ =	strace s4  }
0x96: {  	s4 =	sld [smem:$0x3FFD];
	_ =	sdelay $0x3  }
0x97: {  	_ =	strace s4  }
0x98: {  	_ =	strace $0x8FFFFFFF  }
0x99: {  	s19 =	sld [smem:$0x3FDB];
	_ =	sdelay $0x1  }
0x9a: {  	s5 =	simm.s32 $_scs_section_size  }
0x9b: {  	s6 =	simm.s32 $_size__tile_overlayer_lowered;
	s7 =	simm.s32 $_tile_overlayer_lowered  }
0x9c: {  	s22 =	simm.s32 $0x1BFF;
	s21 =	sshll.u32 s7, $0x1;
	s4 =	sadd.s32 s5, s19  }
0x9d: {  	s8 =	simm.s32 $0x0;
	s20 =	sshll.u32 s6, $0x1;
	s6 =	sadd.s32 s21, s4  }
0x9e: {  	[timem:s8], [sflag:s22] =	dma.local [hbm:s6], s20  }
0x9f: {  	_ =	swait.ge [sflag:s22], s20  }
0xa0: {  	s5 =	ssub.s32 $0x0, s20;
	[sflag:s22] =	ssyncset.done $0x0  }
0xa1: {  	[sflag:s22] =	ssyncadd.s32 s5;
	_ =	sdelay $0x1  }
0xa2: {  	s23 =	simm.s32 $0x1B8B  }
0xa3: {  	_ =	swait.ge [sflag:s23], $0x1  }
0xa4: {  	[sflag:s23] =	ssyncset.done $0x0  }
0xa5: {  	s25 =	simm.s32 $0x1B8E;
	s24 =	sld [smem:$0x3FFE];
	[sflag:s23] =	ssyncadd.s32 $0xFFFFFFFF  }
0xa6: {  	s26 =	simm.s32 $execute0_lowered;
	[smem:$0x3FD2] =	sst s25  }
0xa7: {  	s6 =	sshll.u32 s26, $0x1;
	_ =	strace $0x80000046;
	[dreg:$0x1] =	wrdreg $0xFFFFFFFF  }
0xa8: {  	s28 =	simm.s32 $_size_execute0_lowered;
	s4 =	sadd.s32 s4, s6;
	[dreg:$0x0] =	wrdreg $0x0  }
0xa9: {  	s6 =	sshll.u32 s28, $0x1;
	[dreg:$0x2] =	wrdreg s4  }
0xaa: {  	[dreg:$0x3] =	wrdreg s6  }
0xab: {  	[dreg:$0x4] =	wrdreg $0xC0  }
0xac: {  	_ =	task [dreg:s8], $0x5FFFF  }
0xad: {  	[dreg:$0x1] =	wrdreg $0xFFFFFFFF  }
0xae: {  	[dreg:$0x0] =	wrdreg $0x60  }
0xaf: {  	[dreg:$0x2] =	wrdreg s2  }
0xb0: {  	[dreg:$0x3] =	wrdreg s24  }
0xb1: {  	[dreg:$0x4] =	wrdreg s18  }
0xb2: {  	[dreg:$0x5] =	wrdreg $0x4800  }
0xb3: {  	[dreg:$0x6] =	wrdreg $0x9  }
0xb4: {  	_ =	task.clear_ibuf [dreg:s8], $0x7FFFF;
	_ =	strace $0x90000046  }
0xb5: {  	s29 =	simm.s32 $0x9;
	_ =	strace $0x80000048  }
0xb6: {  	_ =	swait.ge [sflag:s29], $0x1  }
0xb7: {  	[sflag:s29] =	ssyncadd.s32 $0xFFFFFFFF  }
0xb8: {  	_ =	strace $0x90000048  }
0xb9: {  	_ =	sfence  }
0xba: {  	s30 =	sld [smem:$0x0];
	_ =	sdelay $0x2  }
0xbb: {  	s31 =	sshll.u32 s1, $0xD;
	s1 =	sshrl.u32 s1, $0x2  }
0xbc: {  	s3 =	sand.u32 $0x4000, s31;
	s1 =	sadd.s32 s1, s30  }
0xbd: {  	s0 =	sor.u32 s3, s0;
	s1 =	sshll.u32 s1, $0x11  }
0xbe: {  	s0 =	sor.u32 s1, s0  }
0xbf: {  	s0 =	sadd.s32 $0x8F2B, s0  }
0xc0: {  	[sflag:s0] =	ssyncadd.remote.s32 $0x1  }
0xc1: {  	_ =	sfence.sel $0xFFFF  }
0xc2: {  	[dreg:$0x0] =	wrdreg $0xFFFFFFFF;
	(pc) =	sbr.abs _section_cstart, $3  }
0xc3: {  	[dreg:$0x1] =	wrdreg $0xFFFFFFFF  }
0xc4: {  	_ =	task.clear_ibuf [dreg:s8], $0x2FFFF;
	_ =	strace $0x9FFFFFFF  }
0xc5: {  	(tm) =	ssettm $0x7FFFFFFF  }
tec
execute0_lowered:
.L_overlay_start_1:
0x0: {  	(tag) =	ssettag $0x1  }
0x1: {  	s16 =	rddreg [dreg:$0x0]  }
0x2: {  	s6 =	rddreg [dreg:$0x1];
	s1 =	srdreg.scid  }
0x3: {  	s0 =	stileid.u32;
	s3 =	rddreg [dreg:$0x3];
	s4 =	simm.s32 $0x0  }
0x4: {  	s19 =	simm.s32 $0x400;
	s21 =	simm.s32 $0x200;
	s22 =	simm.s32 $0x300  }
0x5: {  	s23 =	simm.s32 $0x1;
	s24 =	simm.s32 $0x80;
	s25 =	simm.s32 $0x20  }
0x6: {  	s28 =	simm.s32 $0x0;
	s11 =	sand.u32 $0x1, s1;
	s5 =	smul.u32 $0x500, s0  }
0x7: {  	[smem:$0x7FF] =	sst s4;
	p0 =	slt.u32 s0, $0x2;
	s9 =	smul.u32 $0xA00, s0  }
0x8: {  	s10 =	sshll.u32 s0, $0x6;
	s15 =	sshll.u32 s0, $0x9;
	s7 =	sshll.u32 s11, $0x7  }
0x9: {  	_ =	strace $0x80000047;
	s26 =	ssub.s32 $0x2, s11;
	s12 =	sshll.u32 s11, $0x5  }
0xa: {  	s18 =	sshll.u32 s11, $0x8;
	s5 =	sor.u32 s7, s5;
	s8 =	sshrl.u32 s26, $0x1  }
0xb: {  	s29 =	sor.u32 s12, s10;
	s31 =	sshrl.u32 s9, $0x2;
	s15 =	sor.u32 s18, s15  }
0xc: {  	s7 =	sshrl.u32 s5, $0x3;
	s5 =	sadd.s32 $0x2E00, s6;
	s14 =	ssub.s32 s26, s8  }
0xd: {  	s17 =	sadd.s32 s31, s3;
	s8 =	sor.u32 $0x1C07, s10;
	s18 =	sor.u32 $0x8000, s15  }
0xe: {  	s26 =	simm.s32 $0x10;
	s13 =	sadd.s32 s7, s6;
	s6 =	simm.s32 $0x4F  }
0xf: {  	s7 =	sadd.s32 s16, s29;
	s14 =	smax.u32 s14, $0x1;
	s18 =	sshrl.u32 s18, $0x3  }
0x10: {  	s17 =	sshrl.u32 s17, $0x3;
	s6 =	simm.s32 @!p0 $0x4E;
	s9 =	sadd.s32 $0x400, s7  }
0x11: {  	s10 =	sadd.s32 $0x800, s7;
	s11 =	sadd.s32 $0xC00, s7;
	s30 =	sxor.u32 $0xFFFFFFFF, s6  }
0x12: {  	s13 =	sadd.s32 $0x3000, s13;
	s16 =	sadd.s32 s18, s16;
	s12 =	sand.u32 $0x1, s30  }
0x13: {  	s18 =	simm.s32 $0x7;
	s15 =	sadd.s32 $0xFFFFFFFF, s6;
	s12 =	sadd.s32 $0x5, s12  }
.LBB2_1:
0x14: {  	s0 =	rddreg [dreg:$0x2]  }
0x15: {  	[spmem:s17], [sflag:s8] =	dma.local [hbm:s0], $0x50  }
0x16: {  	_ =	swait.ge [sflag:s18], $0x50  }
0x17: {  	[sflag:s18] =	ssyncset.done $0x0  }
0x18: {  	[sflag:s18] =	ssyncadd.s32 $0xFFFFFFB0  }
0x19: {  	[tilespmem:s19], [sflag:$0x7] =	stream.linear.gather [hbm4b:s5+s4], $0x80, $0x38;
	[tilespmem:$0x700] =	vst v63  }
0x1a: {  	_ =	swait.ge [sflag:s18], $0x80  }
0x1b: {  	[sflag:s18] =	ssyncset.done $0x0  }
0x1c: {  	[sflag:s18] =	ssyncadd.s32 $0xFFFFFF80  }
0x1d: {  	[bflag:$0x0] =	sbarrier.arrive $0xFFFF  }
0x1e: {  	[tilespmem:s4], [sflag:$0x1] =	stream.linear.gather [hbm4b:s7+s4], $0x100, $0x38;
	[tilespmem:$0x700] =	vst v63  }
0x1f: {  	s1 =	simm.s32 $0x100  }
0x20: {  	[tilespmem:s1], [sflag:$0x2] =	stream.linear.gather [hbm4b:s9+s4], $0x100, $0x38;
	[tilespmem:$0x700] =	vst v63  }
0x21: {  	_ = 	snop  }
0x22: {  	[tilespmem:s21], [sflag:$0x3] =	stream.linear.gather [hbm4b:s10+s4], $0x100, $0x38;
	[tilespmem:$0x700] =	vst v63  }
0x23: {  	_ = 	snop  }
0x24: {  	[tilespmem:s22], [sflag:$0x4] =	stream.linear.gather [hbm4b:s11+s4], $0x100, $0x38;
	[tilespmem:$0x700] =	vst v63  }
0x25: {  	s29 =	simm.s32 $0x1;
	_ =	swait.ge [sflag:s23], $0x100  }
0x26: {  	s30 =	sand.u32 $0x3, s29;
	[sflag:s23] =	ssyncset.done $0x0  }
0x27: {  	s31 =	sand.u32 $0x1, s29;
	s1 =	sadd.s32 $0x1, s30;
	[sflag:s23] =	ssyncadd.s32 $0xFFFFFF00  }
0x28: {  	[spmem:s3] =	stream.indirect.scatter.add.f32 [tilespmem:s19], [sflag:$0x5], $0x1, s24, s24, $0xb8;
	[tilespmem:$0x700] =	vst v63  }
0x29: {  	s2 =	sxor.u32 $0x1, s31;
	_ =	swait.ge [sflag:s1], $0x100  }
0x2a: {  	s0 =	sadd.s32 $0x5, s2;
	s30 =	sshll.u32 s30, $0x8;
	[sflag:s1] =	ssyncset.done $0x0  }
0x2b: {  	s20 =	sor.u32 $0x80, s30;
	s30 =	sadd.s32 $0x5, s31;
	[sflag:s1] =	ssyncadd.s32 $0xFFFFFF00  }
0x2c: {  	[spmem:s3] =	stream.indirect.scatter.add.f32 [tilespmem:s19], [sflag:s30], $0x1, s20, s24, $0xb8;
	[tilespmem:$0x700] =	vst v63  }
0x2d: {  	p0 =	sle.u32 s6, $0x4;
	s1 =	simm.s32 $0x4;
	_ =	swait.ge [sflag:s0], $0x80  }
0x2e: {  	s1 =	sand.u32 @!p0 $0x3, s1;
	s30 =	simm.s32 @!p0 $0x0;
	[sflag:s0] =	ssyncset.done $0x0  }
0x2f: {  	[sflag:s0] =	ssyncadd.s32 $0xFFFFFF80;
	s0 =	sshll.u32 @!p0 s1, $0x8;
	s1 =	sadd.s32 @!p0 $0x1, s1  }
0x30: {  	[tilespmem:s0], [sflag:s1] =	stream.linear.gather @!p0 [hbm4b:s16+s30], $0x100, $0x38;
	[tilespmem:$0x700] =	vst v63  }
0x31: {  	p0 =	sne.s32 s15, $0x1  }
.Ltmp0:
0x32: {  	_ = 	snop;
	(pc) =	sbr.rel @!p0 .LBB2_3-.Ltmp0, $2  }
0x33: {  	_ =	sdelay $0x2  }
0x34: {  	s30 =	smov.u32 s16  }
.LBB2_2:
0x35: {  	s30 =	sadd.s32 $0x400, s30;
	s0 =	smov.u32 s29;
	s29 =	sadd.s32 $0x1, s29  }
0x36: {  	s1 =	sand.u32 $0x1, s29;
	s31 =	sand.u32 $0x3, s29;
	p0 =	sne.s32 s15, s29  }
0x37: {  	s2 =	sadd.s32 $0x1, s31;
	s31 =	sshll.u32 s31, $0x8;
	s20 =	sxor.u32 $0x1, s1  }
0x38: {  	_ =	swait.ge [sflag:s2], $0x100  }
0x39: {  	s0 =	sadd.s32 $0x4, s0;
	s20 =	sadd.s32 $0x5, s20;
	[sflag:s2] =	ssyncset.done $0x0  }
0x3a: {  	s1 =	sadd.s32 $0x5, s1;
	[sflag:s2] =	ssyncadd.s32 $0xFFFFFF00;
	s2 =	sor.u32 $0x80, s31  }
0x3b: {  	[spmem:s3] =	stream.indirect.scatter.add.f32 [tilespmem:s19], [sflag:s1], $0x1, s2, s24, $0xb8;
	[tilespmem:$0x700] =	vst v63  }
.Ltmp1:
0x3c: {  	_ = 	snop;
	(pc) =	sbr.rel @p0 .LBB2_2-.Ltmp1, $4  }
0x3d: {  	p1 =	sge.u32 s0, s6;
	_ =	swait.ge [sflag:s20], $0x80  }
0x3e: {  	s0 =	sand.u32 @!p1 $0x3, s0;
	s1 =	simm.s32 @!p1 $0x0;
	[sflag:s20] =	ssyncset.done $0x0  }
0x3f: {  	s2 =	sshll.u32 @!p1 s0, $0x8;
	s0 =	sadd.s32 @!p1 $0x1, s0;
	[sflag:s20] =	ssyncadd.s32 $0xFFFFFF80  }
0x40: {  	[tilespmem:s2], [sflag:s0] =	stream.linear.gather @!p1 [hbm4b:s30+s1], $0x100, $0x38;
	[tilespmem:$0x700] =	vst v63  }
.LBB2_3:
0x41: {  	_ =	swait.ge [sflag:s12], $0x80  }
0x42: {  	s28 =	sadd.s32 $0x1, s28;
	[sflag:s12] =	ssyncset.done $0x0  }
0x43: {  	p0 =	sne.s32 s28, s14;
	[sflag:s12] =	ssyncadd.s32 $0xFFFFFF80  }
.Ltmp2:
0x44: {  	[bflag:$0x0] =	sbarrier.arrive $0xFFFF;
	(pc) =	sbr.rel @p0 .LBB2_1-.Ltmp2, $4  }
0x45: {  	[hbm:s13@s25], [sflag:s8] =	dma.strided [spmem:s17@s26], $0x50, s23, $0x10   }
0x46: {  	_ =	swait.ge [sflag:s18], $0x50  }
0x47: {  	[sflag:s18] =	ssyncset.done $0x0  }
0x48: {  	[sflag:s18] =	ssyncadd.s32 $0xFFFFFFB0  }
0x49: {  	_ =	sfence.sel $0x180000  }
0x4a: {  	[bflag:$0x0] =	sbarrier.arrive $0xFFFF  }
0x4b: {  	_ =	strace $0x90000047  }
0x4c: {  	s0 =	stileid.u32;
	[bflag:$0x2] =	sbarrier.arrive $0xFFFF  }
0x4d: {  	p0 =	sne.s32 s0, $0x0;
	s0 =	rddreg [dreg:$0x4]  }
0x4e: {  	s0 =	sadd.s32 @!p0 $0x100000, s0  }
0x4f: {  	[sflag:s0] =	ssyncadd.tile.s32 @!p0 $0x1;
	_ =	shalt  }
.Lfunc_end2:
_tile_overlayer_lowered:
.L_overlay_start_2:
0x50: {  	(tag) =	ssettag $0x2  }
0x51: {  	s0 =	rddreg [dreg:$0x0];
	s2 =	stileid.u32  }
0x52: {  	s1 =	rddreg [dreg:$0x1];
	p0 =	sne.s32 s2, $0x0  }
0x53: {  	s3 =	rddreg [dreg:$0x2];
	[bflag:$0x3] =	sbarrier.arrive $0xFFFF;
	s2 =	simm.s32 @!p0 $0x1C07  }
0x54: {  	[timem:s3], [sflag:s2] =	dma.local @!p0 [hbm:s0], s1  }
0x55: {  	s0 =	simm.s32 @!p0 $0x7  }
0x56: {  	_ =	swait.ge @!p0 [sflag:s0], s1  }
0x57: {  	s1 =	ssub.s32 @!p0 $0x0, s1;
	[sflag:s0] =	ssyncset.done @!p0 $0x0  }
0x58: {  	[sflag:s0] =	ssyncadd.s32 @!p0 s1  }
0x59: {  	[bflag:$0x3] =	sbarrier.arrive $0xFFFF  }
0x5a: {  	_ =	shalt  }

</sc_bundles>
